<compile_context>
chip_gen: v7x
topology: tpu7x:2x2x1
jax: 0.10.2.dev20260603
libtpu: 0.0.44.dev20260713+nightly
codegen_flags: <defaults>
</compile_context>

<pallas_src>
import functools

import jax
import jax.numpy as jnp
from jax import lax
from jax.experimental import pallas as pl
from jax.experimental.pallas import tpu as pltpu
from jax.experimental.pallas import tpu_sc as plsc

_NC = 2
_NS = 16
_C = 80


def _proj_body(x_ref, wc_ref, asrc_ref, adst_ref, h_ref, ts_ref, td_ref, m_ref):
    h = jnp.dot(x_ref[...], wc_ref[...], preferred_element_type=jnp.float32)
    h_ref[...] = h
    ts = jnp.dot(h, asrc_ref[...], preferred_element_type=jnp.float32)
    td = jnp.dot(h, adst_ref[...], preferred_element_type=jnp.float32)
    ts_ref[...] = ts
    td_ref[...] = td
    blk = jnp.concatenate(
        [jnp.max(ts, axis=0)[None, :], jnp.max(td, axis=0)[None, :]], axis=0)

    @pl.when(pl.program_id(0) == 0)
    def _():
        m_ref[...] = blk

    @pl.when(pl.program_id(0) != 0)
    def _():
        m_ref[...] = jnp.maximum(m_ref[...], blk)


def _epilogue_body(o_ref, s_ref, bexp_ref, wo_ref, bo_ref, y_ref):
    o2 = o_ref[...]
    s2 = s_ref[...]
    s = s2[0] + s2[1]
    den = jnp.dot(s, bexp_ref[...], preferred_element_type=jnp.float32)
    o = (o2[0] + o2[1]) / (den + 1e-16)
    y = jnp.dot(o, wo_ref[...], preferred_element_type=jnp.float32)
    y = y + bo_ref[...]
    y_ref[...] = jnp.where(y > 0.0, y, jnp.exp(jnp.minimum(y, 0.0)) - 1.0)


def _edge_body(n_nodes, n_edges, heads,
               ei_hbm, h_hbm, ts_hbm, td_hbm, mpat_hbm,
               o_out, s_out,
               gsrc0, gdst0, p0, rows0,
               gsrc1, gdst1, p1, rows1,
               idx0, idx1, idx2, idx3,
               mpat_v, o_sh, s_sh,
               gr0, gs0, gd0, gr1, gs1, gd1, sp0, so0, sp1, so1,
               is0, is1, is2, is3):
    buf_a = (gsrc0, gdst0, p0, rows0, gr0, gs0, gd0, sp0, so0)
    buf_b = (gsrc1, gdst1, p1, rows1, gr1, gs1, gd1, sp1, so1)
    s0, s1, s2, s3 = (idx0, is0), (idx1, is1), (idx2, is2), (idx3, is3)
    p_v, rows_v = p0, rows0
    d = heads * 16
    cid = lax.axis_index("c")
    sid = lax.axis_index("s")
    wid = cid * _NS + sid
    ew = n_edges // (_NC * _NS)
    nchunk = ew // _C
    rows_main = (n_nodes // (8 * _NS)) * 8
    tail = n_nodes - _NS * rows_main

    zv = jnp.zeros((16,), jnp.float32)

    def _zb(r, _):
        def _zc(c, _):
            rows_v[r, pl.ds(c * 16, 16)] = zv
            return 0
        lax.fori_loop(0, d // 16, _zc, 0)
        p_v[r, :] = zv
        return 0

    lax.fori_loop(0, _C, _zb, 0)

    nz_full = rows_main // _C
    z_rem = rows_main - nz_full * _C
    for r in range(nz_full):
        pltpu.sync_copy(rows_v, o_sh.at[pl.ds(sid * rows_main + r * _C, _C)])
        pltpu.sync_copy(p_v, s_sh.at[pl.ds(sid * rows_main + r * _C, _C)])
    if z_rem:
        pltpu.sync_copy(rows_v.at[pl.ds(0, z_rem)],
                        o_sh.at[pl.ds(sid * rows_main + nz_full * _C, z_rem)])
        pltpu.sync_copy(p_v.at[pl.ds(0, z_rem)],
                        s_sh.at[pl.ds(sid * rows_main + nz_full * _C, z_rem)])

    @pl.when(sid == _NS - 1)
    def _():
        base = _NS * rows_main
        pltpu.sync_copy(rows_v.at[pl.ds(0, tail)], o_sh.at[pl.ds(base, tail)])
        pltpu.sync_copy(p_v.at[pl.ds(0, tail)], s_sh.at[pl.ds(base, tail)])

    pltpu.sync_copy(mpat_hbm, mpat_v)
    plsc.subcore_barrier()

    mv = mpat_v[...]

    def _issue_idx(g, iset):
        idx, isem = iset
        pltpu.async_copy(ei_hbm.at[:, pl.ds(wid * ew + g * _C, _C)], idx, isem)

    def _wait_idx(iset):
        idx, isem = iset
        pltpu.make_async_copy(ei_hbm.at[:, pl.ds(0, _C)], idx, isem).wait()

    def _issue_gather(iset, b):
        gsrc, gdst, _, rows, gr, gs, gd, _, _ = b
        idx, _ = iset
        pltpu.async_copy(h_hbm.at[idx.at[0]], rows, gr)
        pltpu.async_copy(ts_hbm.at[idx.at[0]], gsrc, gs)
        pltpu.async_copy(td_hbm.at[idx.at[1]], gdst, gd)

    def _wait_gather(iset, b):
        gsrc, gdst, _, rows, gr, gs, gd, _, _ = b
        idx, _ = iset
        pltpu.make_async_copy(h_hbm.at[idx.at[0]], rows, gr).wait()
        pltpu.make_async_copy(ts_hbm.at[idx.at[0]], gsrc, gs).wait()
        pltpu.make_async_copy(td_hbm.at[idx.at[1]], gdst, gd).wait()

    def _issue_scatter(iset, b):
        _, _, p, rows, _, _, _, sp, so = b
        idx, _ = iset
        pltpu.async_copy(p, s_sh.at[idx.at[1]], sp, add=True)
        pltpu.async_copy(rows, o_sh.at[idx.at[1]], so, add=True)

    def _wait_scatter(iset, b):
        _, _, p, rows, _, _, _, sp, so = b
        idx, _ = iset
        pltpu.make_async_copy(p, s_sh.at[idx.at[1]], sp).wait()
        pltpu.make_async_copy(rows, o_sh.at[idx.at[1]], so).wait()

    def _compute(b):
        gsrc, gdst, p, rows, _, _, _, _, _ = b

        def _pb(i, _):
            e = gsrc[i, :] + gdst[i, :]
            e = jnp.where(e < 0.0, e * 0.2, e)
            p[i, :] = jnp.exp(e - mv)
            return 0

        lax.fori_loop(0, _C, _pb, 0)

        def _sb(i, _):
            pv = p[i, :]
            for h in range(heads):
                bc = lax.broadcast(pv[h], (16,))
                rows[i, pl.ds(h * 16, 16)] = rows[i, pl.ds(h * 16, 16)] * bc
            return 0

        lax.fori_loop(0, _C, _sb, 0)

    def _half(g, x, y, i_cur, i_nxt, i_prev):
        @pl.when(g > 0)
        def _():
            _wait_scatter(i_prev, y)

        @pl.when(g + 3 < nchunk)
        def _():
            _issue_idx(g + 3, i_prev)

        @pl.when(g + 1 < nchunk)
        def _():
            _wait_idx(i_nxt)
            _issue_gather(i_nxt, y)

        _wait_gather(i_cur, x)
        _compute(x)
        _issue_scatter(i_cur, x)

    assert nchunk % 4 == 1 and nchunk >= 5
    _issue_idx(0, s0)
    _issue_idx(1, s1)
    _issue_idx(2, s2)
    _wait_idx(s0)
    _issue_gather(s0, buf_a)

    def _body(i, _):
        g = 4 * i
        _half(g, buf_a, buf_b, s0, s1, s3)
        _half(g + 1, buf_b, buf_a, s1, s2, s0)
        _half(g + 2, buf_a, buf_b, s2, s3, s1)
        _half(g + 3, buf_b, buf_a, s3, s0, s2)
        return 0

    lax.fori_loop(0, nchunk // 4, _body, 0)
    _wait_scatter(s3, buf_b)
    _wait_gather(s0, buf_a)
    _compute(buf_a)
    _issue_scatter(s0, buf_a)
    _wait_scatter(s0, buf_a)
    plsc.subcore_barrier()

    row0 = sid * rows_main
    pltpu.sync_copy(o_sh.at[pl.ds(row0, rows_main)],
                    o_out.at[cid, pl.ds(row0, rows_main)])
    pltpu.sync_copy(s_sh.at[pl.ds(row0, rows_main)],
                    s_out.at[cid, pl.ds(row0, rows_main)])

    @pl.when(sid == _NS - 1)
    def _():
        base = _NS * rows_main
        pltpu.sync_copy(o_sh.at[pl.ds(base, tail)],
                        o_out.at[cid, pl.ds(base, tail)])
        pltpu.sync_copy(s_sh.at[pl.ds(base, tail)],
                        s_out.at[cid, pl.ds(base, tail)])


def kernel(x, edge_index, W, a, Wo, bo):
    n, din = x.shape
    heads, _, hid = W.shape
    e = edge_index.shape[1]
    d = heads * hid
    out_dim = Wo.shape[1]
    f32 = jnp.float32

    wc = jnp.transpose(W, (1, 0, 2)).reshape(din, d)
    eye = jnp.eye(heads, dtype=f32)
    a_src = (a[:, :hid][:, :, None] * eye[:, None, :]).reshape(d, heads)
    a_dst = (a[:, hid:][:, :, None] * eye[:, None, :]).reshape(d, heads)
    asrc2 = jnp.concatenate([a_src, a_src], axis=1)
    adst2 = jnp.concatenate([a_dst, a_dst], axis=1)
    bexp = jnp.concatenate(
        [jnp.kron(eye, jnp.ones((1, hid), f32)), jnp.zeros((heads, d), f32)],
        axis=0)
    bo2 = bo.reshape(1, out_dim)

    bn = 1000
    grid = n // bn
    h_mat, tsrc, tdst, mstats = pl.pallas_call(
        _proj_body,
        grid=(grid,),
        in_specs=[
            pl.BlockSpec((bn, din), lambda i: (i, 0)),
            pl.BlockSpec((din, d), lambda i: (0, 0)),
            pl.BlockSpec((d, 16), lambda i: (0, 0)),
            pl.BlockSpec((d, 16), lambda i: (0, 0)),
        ],
        out_specs=[
            pl.BlockSpec((bn, d), lambda i: (i, 0)),
            pl.BlockSpec((bn, 16), lambda i: (i, 0)),
            pl.BlockSpec((bn, 16), lambda i: (i, 0)),
            pl.BlockSpec((2, 16), lambda i: (0, 0)),
        ],
        out_shape=[
            jax.ShapeDtypeStruct((n, d), f32),
            jax.ShapeDtypeStruct((n, 16), f32),
            jax.ShapeDtypeStruct((n, 16), f32),
            jax.ShapeDtypeStruct((2, 16), f32),
        ],
    )(x, wc, asrc2, adst2)

    msum = mstats[0] + mstats[1]
    mpat = jnp.where(msum > 0.0, msum, 0.2 * msum)

    edge_kernel = pl.kernel(
        functools.partial(_edge_body, n, e, heads),
        out_type=[
            jax.ShapeDtypeStruct((_NC, n, d), f32),
            jax.ShapeDtypeStruct((_NC, n, 16), f32),
        ],
        mesh=plsc.VectorSubcoreMesh(core_axis_name="c", subcore_axis_name="s"),
        compiler_params=pltpu.CompilerParams(use_tc_tiling_on_sc=False),
        scratch_types=(
            [
                pltpu.VMEM((_C, 16), f32),
                pltpu.VMEM((_C, 16), f32),
                pltpu.VMEM((_C, 16), f32),
                pltpu.VMEM((_C, d), f32),
            ] * 2
            + [pltpu.VMEM((2, _C), jnp.int32)] * 4
            + [
                pltpu.VMEM((16,), f32),
                pltpu.VMEM_SHARED((n, d), f32),
                pltpu.VMEM_SHARED((n, 16), f32),
            ]
            + [pltpu.SemaphoreType.DMA] * 14
        ),
    )
    o2, s2 = edge_kernel(edge_index, h_mat, tsrc, tdst, mpat)

    y = pl.pallas_call(
        _epilogue_body,
        grid=(grid,),
        in_specs=[
            pl.BlockSpec((2, bn, d), lambda i: (0, i, 0)),
            pl.BlockSpec((2, bn, 16), lambda i: (0, i, 0)),
            pl.BlockSpec((16, d), lambda i: (0, 0)),
            pl.BlockSpec((d, out_dim), lambda i: (0, 0)),
            pl.BlockSpec((1, out_dim), lambda i: (0, 0)),
        ],
        out_specs=pl.BlockSpec((bn, out_dim), lambda i: (i, 0)),
        out_shape=jax.ShapeDtypeStruct((n, out_dim), f32),
    )(o2, s2, bexp, Wo, bo2)
    return y

# --- scband reference (transcript-rebuilt; emitter-appended) ---
"""Pipeline reference for scband-multi-head-graph-attention-20151986553268 (READ-ONLY COPY).

The authoritative reference and input builder live on the scoring server;
editing this copy changes nothing except your own understanding.
"""

import jax, jax.numpy as jnp
import numpy as np

N = 10000
E = 320000
IN_DIM = 128
HID = 16
HEADS = 8
OUT = 128


def setup_inputs(seed: int = 0) -> dict:
    key = jax.random.key(seed)
    ks = jax.random.split(key, 6)
    x = jax.random.normal(ks[0], (N, IN_DIM), dtype=jnp.float32)
    edge_index = jax.random.randint(ks[1], (2, E), 0, N, dtype=jnp.int32)
    W = jax.random.normal(ks[2], (HEADS, IN_DIM, HID), dtype=jnp.float32) * 0.08
    a = jax.random.normal(ks[3], (HEADS, 2 * HID), dtype=jnp.float32) * 0.1
    Wo = jax.random.normal(ks[4], (HEADS * HID, OUT), dtype=jnp.float32) * 0.08
    bo = jnp.zeros((OUT,), dtype=jnp.float32)
    return {"x": x, "edge_index": edge_index, "W": W, "a": a, "Wo": Wo, "bo": bo}


def _segment_softmax(e, seg, num_segments):
    m = jax.ops.segment_max(e, seg, num_segments=num_segments)
    m = jnp.where(jnp.isfinite(m), m, 0.0)
    p = jnp.exp(e - m[seg])
    s = jax.ops.segment_sum(p, seg, num_segments=num_segments)
    return p / (s[seg] + 1e-16)


def reference(x, edge_index, W, a, Wo, bo):
    src = edge_index[0]
    dst = edge_index[1]
    n = x.shape[0]
    head_outputs = []
    for i in range(HEADS):
        h = x @ W[i]                      # [N, HID]
        h_src = h[src]                    # gather [E, HID]
        h_dst = h[dst]                    # gather [E, HID]
        edge_feat = jnp.concatenate([h_src, h_dst], axis=-1)  # [E, 2*HID]
        e = edge_feat @ a[i]              # [E]
        e = jax.nn.leaky_relu(e, negative_slope=0.2)
        alpha = _segment_softmax(e, dst, n)
        # dropout is identity in eval mode
        out = jax.ops.segment_sum(h_src * alpha[:, None], dst, num_segments=n)  # scatter-add [N, HID]
        head_outputs.append(out)
    cat = jnp.concatenate(head_outputs, axis=-1)  # [N, HEADS*HID]
    y = cat @ Wo + bo
    return jax.nn.elu(y)

if __name__ == "__main__":
    import jax
    _d = setup_inputs()
    print(jax.jit(kernel)(*tuple(_d.values())))

</pallas_src>

<mosaic_0001>
#map = affine_map<(d0, d1) -> (0, 0)>
#map1 = affine_map<(d0, d1) -> (0)>
#map2 = affine_map<(d0, d1) -> (0, 0, 0)>
module attributes {stable_mosaic.version = 14 : i64} {
  func.func @_edge_body(%arg0: i32, %arg1: i32, %arg2: memref<2x320000xi32, #tpu.memory_space<hbm>>, %arg3: memref<10000x128xf32, #tpu.memory_space<hbm>>, %arg4: memref<10000x16xf32, #tpu.memory_space<hbm>>, %arg5: memref<10000x16xf32, #tpu.memory_space<hbm>>, %arg6: memref<16xf32, #tpu.memory_space<hbm>>, %arg7: memref<2x10000x128xf32, #tpu.memory_space<hbm>>, %arg8: memref<2x10000x16xf32, #tpu.memory_space<hbm>>, %arg9: memref<80x16xf32, #tpu.memory_space<vmem>>, %arg10: memref<80x16xf32, #tpu.memory_space<vmem>>, %arg11: memref<80x16xf32, #tpu.memory_space<vmem>>, %arg12: memref<80x128xf32, #tpu.memory_space<vmem>>, %arg13: memref<80x16xf32, #tpu.memory_space<vmem>>, %arg14: memref<80x16xf32, #tpu.memory_space<vmem>>, %arg15: memref<80x16xf32, #tpu.memory_space<vmem>>, %arg16: memref<80x128xf32, #tpu.memory_space<vmem>>, %arg17: memref<2x80xi32, #tpu.memory_space<vmem>>, %arg18: memref<2x80xi32, #tpu.memory_space<vmem>>, %arg19: memref<2x80xi32, #tpu.memory_space<vmem>>, %arg20: memref<2x80xi32, #tpu.memory_space<vmem>>, %arg21: memref<16xf32, #tpu.memory_space<vmem>>, %arg22: memref<10000x128xf32, #tpu.memory_space<vmem_shared>>, %arg23: memref<10000x16xf32, #tpu.memory_space<vmem_shared>>, %arg24: memref<!tpu.dma_semaphore, #tpu.memory_space<semaphore_mem>>, %arg25: memref<!tpu.dma_semaphore, #tpu.memory_space<semaphore_mem>>, %arg26: memref<!tpu.dma_semaphore, #tpu.memory_space<semaphore_mem>>, %arg27: memref<!tpu.dma_semaphore, #tpu.memory_space<semaphore_mem>>, %arg28: memref<!tpu.dma_semaphore, #tpu.memory_space<semaphore_mem>>, %arg29: memref<!tpu.dma_semaphore, #tpu.memory_space<semaphore_mem>>, %arg30: memref<!tpu.dma_semaphore, #tpu.memory_space<semaphore_mem>>, %arg31: memref<!tpu.dma_semaphore, #tpu.memory_space<semaphore_mem>>, %arg32: memref<!tpu.dma_semaphore, #tpu.memory_space<semaphore_mem>>, %arg33: memref<!tpu.dma_semaphore, #tpu.memory_space<semaphore_mem>>, %arg34: memref<!tpu.dma_semaphore, #tpu.memory_space<semaphore_mem>>, %arg35: memref<!tpu.dma_semaphore, #tpu.memory_space<semaphore_mem>>, %arg36: memref<!tpu.dma_semaphore, #tpu.memory_space<semaphore_mem>>, %arg37: memref<!tpu.dma_semaphore, #tpu.memory_space<semaphore_mem>>) attributes {dimension_semantics = [#tpu.dimension_semantics<core_parallel>, #tpu.dimension_semantics<subcore_parallel>], iteration_bounds = array<i64: 2, 16>, scalar_prefetch = 0 : i64, scratch_operands = 29 : i64, tpu.core_type = #tpu.core_type<sc_vector_subcore>, window_params = [{transform_indices = #map}, {transform_indices = #map}, {transform_indices = #map}, {transform_indices = #map}, {transform_indices = #map1}, {transform_indices = #map2}, {transform_indices = #map2}]} {
    %mul3A = arith.constant 16 : i32
    %mul3A_0 = arith.muli %arg0, %mul3A : i32
    %add3A = arith.addi %mul3A_0, %arg1 : i32
    %broadcast_in_dim3A = arith.constant 0.000000e+00 : f32
    %broadcast_in_dim3A_1 = vector.broadcast %broadcast_in_dim3A : f32 to vector<16xf32>
    %scan3A = arith.constant 0 : i32
    %scan3A_2 = arith.constant 0 : i32
    %scan3A_3 = arith.constant 80 : i32
    %scan3A_4 = arith.addi %scan3A_2, %scan3A_3 : i32
    %scan3A_5 = arith.constant 1 : i32
    %scan3A_6 = scf.for %scan3A_217 = %scan3A_2 to %scan3A_4 step %scan3A_5 iter_args(%scan3A_218 = %scan3A) -> (i32)  : i32 {
      %scan3A_219 = arith.constant 0 : i32
      %scan3A_220 = arith.constant 0 : i32
      %scan3A_221 = arith.constant 8 : i32
      %scan3A_222 = arith.addi %scan3A_220, %scan3A_221 : i32
      %scan3A_223 = arith.constant 1 : i32
      %scan3A_224 = scf.for %scan3A_231 = %scan3A_220 to %scan3A_222 step %scan3A_223 iter_args(%scan3A_232 = %scan3A_219) -> (i32)  : i32 {
        %mul3A_233 = arith.constant 16 : i32
        %mul3A_234 = arith.muli %scan3A_231, %mul3A_233 : i32
        %swap3A_235 = arith.index_cast %scan3A_217 : i32 to index
        %swap3A_236 = arith.index_cast %mul3A_234 : i32 to index
        %swap3A_237 = tpu.vector_load %arg12[%swap3A_235, %swap3A_236] {strides = array<i32>} : memref<80x128xf32, #tpu.memory_space<vmem>>, vector<1x16xf32>,
        %swap3A_238 = vector.shape_cast %swap3A_237 : vector<1x16xf32> to vector<16xf32>
        %swap3A_239 = vector.shape_cast %broadcast_in_dim3A_1 : vector<16xf32> to vector<1x16xf32>
        tpu.vector_store %arg12[%swap3A_235, %swap3A_236], %swap3A_239 {strides = array<i32>} : memref<80x128xf32, #tpu.memory_space<vmem>>, vector<1x16xf32>,
        %scan3A_240 = arith.constant 0 : i32
        scf.yield %scan3A_240 : i32
      }
      %scan3A_225 = arith.constant 8 : i32
      %swap3A = arith.index_cast %scan3A_217 : i32 to index
      %swap3A_226 = arith.constant 0 : index
      %swap3A_227 = tpu.vector_load %arg11[%swap3A, %swap3A_226] {strides = array<i32>} : memref<80x16xf32, #tpu.memory_space<vmem>>, vector<1x16xf32>,
      %swap3A_228 = vector.shape_cast %swap3A_227 : vector<1x16xf32> to vector<16xf32>
      %swap3A_229 = vector.shape_cast %broadcast_in_dim3A_1 : vector<16xf32> to vector<1x16xf32>
      tpu.vector_store %arg11[%swap3A, %swap3A_226], %swap3A_229 {strides = array<i32>} : memref<80x16xf32, #tpu.memory_space<vmem>>, vector<1x16xf32>,
      %scan3A_230 = arith.constant 0 : i32
      scf.yield %scan3A_230 : i32
    }
    %scan3A_7 = arith.constant 80 : i32
    %mul3A_8 = arith.constant 624 : i32
    %mul3A_9 = arith.muli %arg1, %mul3A_8 : i32
    %add3A_10 = arith.constant 0 : i32
    %add3A_11 = arith.addi %mul3A_9, %add3A_10 : i32
    "tpu.region"() ({
      %run_scoped3A = tpu.sem_alloc : memref<!tpu.dma_semaphore, #tpu.memory_space<semaphore_mem>>
      %dma_start3A_217 = arith.constant 0 : i32
      %dma_start3A_218 = tpu.memref_slice %arg22[%add3A_11, %dma_start3A_217] : memref<10000x128xf32, #tpu.memory_space<vmem_shared>> -> memref<80x128xf32, #tpu.memory_space<vmem_shared>>
      %dma_start3A_219 = arith.constant 0 : i32
      %dma_start3A_220 = tpu.memref_slice %arg22[%add3A_11, %dma_start3A_219] : memref<10000x128xf32, #tpu.memory_space<vmem_shared>> -> memref<80x128xf32, #tpu.memory_space<vmem_shared>>
      tpu.enqueue_dma source(%arg12 : memref<80x128xf32, #tpu.memory_space<vmem>>) target(%dma_start3A_220 : memref<80x128xf32, #tpu.memory_space<vmem_shared>>) target_semaphore(%run_scoped3A : memref<!tpu.dma_semaphore, #tpu.memory_space<semaphore_mem>>)
      %dma_wait3A_221 = arith.constant 0 : i32
      %dma_wait3A_222 = tpu.memref_slice %arg22[%add3A_11, %dma_wait3A_221] : memref<10000x128xf32, #tpu.memory_space<vmem_shared>> -> memref<80x128xf32, #tpu.memory_space<vmem_shared>>
      %dma_wait3A_223 = arith.constant 0 : i32
      %dma_wait3A_224 = tpu.memref_slice %arg22[%add3A_11, %dma_wait3A_223] : memref<10000x128xf32, #tpu.memory_space<vmem_shared>> -> memref<80x128xf32, #tpu.memory_space<vmem_shared>>
      tpu.wait_dma2 semaphore(%run_scoped3A : memref<!tpu.dma_semaphore, #tpu.memory_space<semaphore_mem>>) src(%arg12 : memref<80x128xf32, #tpu.memory_space<vmem>>) dst(%dma_wait3A_224 : memref<80x128xf32, #tpu.memory_space<vmem_shared>>)
      tpu.yield
    }) : () -> ()
    %mul3A_12 = arith.constant 624 : i32
    %mul3A_13 = arith.muli %arg1, %mul3A_12 : i32
    %add3A_14 = arith.constant 0 : i32
    %add3A_15 = arith.addi %mul3A_13, %add3A_14 : i32
    "tpu.region"() ({
      %run_scoped3A = tpu.sem_alloc : memref<!tpu.dma_semaphore, #tpu.memory_space<semaphore_mem>>
      %dma_start3A_217 = arith.constant 0 : i32
      %dma_start3A_218 = tpu.memref_slice %arg23[%add3A_15, %dma_start3A_217] : memref<10000x16xf32, #tpu.memory_space<vmem_shared>> -> memref<80x16xf32, #tpu.memory_space<vmem_shared>>
      %dma_start3A_219 = arith.constant 0 : i32
      %dma_start3A_220 = tpu.memref_slice %arg23[%add3A_15, %dma_start3A_219] : memref<10000x16xf32, #tpu.memory_space<vmem_shared>> -> memref<80x16xf32, #tpu.memory_space<vmem_shared>>
      tpu.enqueue_dma source(%arg11 : memref<80x16xf32, #tpu.memory_space<vmem>>) target(%dma_start3A_220 : memref<80x16xf32, #tpu.memory_space<vmem_shared>>) target_semaphore(%run_scoped3A : memref<!tpu.dma_semaphore, #tpu.memory_space<semaphore_mem>>)
      %dma_wait3A_221 = arith.constant 0 : i32
      %dma_wait3A_222 = tpu.memref_slice %arg23[%add3A_15, %dma_wait3A_221] : memref<10000x16xf32, #tpu.memory_space<vmem_shared>> -> memref<80x16xf32, #tpu.memory_space<vmem_shared>>
      %dma_wait3A_223 = arith.constant 0 : i32
      %dma_wait3A_224 = tpu.memref_slice %arg23[%add3A_15, %dma_wait3A_223] : memref<10000x16xf32, #tpu.memory_space<vmem_shared>> -> memref<80x16xf32, #tpu.memory_space<vmem_shared>>
      tpu.wait_dma2 semaphore(%run_scoped3A : memref<!tpu.dma_semaphore, #tpu.memory_space<semaphore_mem>>) src(%arg11 : memref<80x16xf32, #tpu.memory_space<vmem>>) dst(%dma_wait3A_224 : memref<80x16xf32, #tpu.memory_space<vmem_shared>>)
      tpu.yield
    }) : () -> ()
    %mul3A_16 = arith.constant 624 : i32
    %mul3A_17 = arith.muli %arg1, %mul3A_16 : i32
    %add3A_18 = arith.constant 80 : i32
    %add3A_19 = arith.addi %mul3A_17, %add3A_18 : i32
    "tpu.region"() ({
      %run_scoped3A = tpu.sem_alloc : memref<!tpu.dma_semaphore, #tpu.memory_space<semaphore_mem>>
      %dma_start3A_217 = arith.constant 0 : i32
      %dma_start3A_218 = tpu.memref_slice %arg22[%add3A_19, %dma_start3A_217] : memref<10000x128xf32, #tpu.memory_space<vmem_shared>> -> memref<80x128xf32, #tpu.memory_space<vmem_shared>>
      %dma_start3A_219 = arith.constant 0 : i32
      %dma_start3A_220 = tpu.memref_slice %arg22[%add3A_19, %dma_start3A_219] : memref<10000x128xf32, #tpu.memory_space<vmem_shared>> -> memref<80x128xf32, #tpu.memory_space<vmem_shared>>
      tpu.enqueue_dma source(%arg12 : memref<80x128xf32, #tpu.memory_space<vmem>>) target(%dma_start3A_220 : memref<80x128xf32, #tpu.memory_space<vmem_shared>>) target_semaphore(%run_scoped3A : memref<!tpu.dma_semaphore, #tpu.memory_space<semaphore_mem>>)
      %dma_wait3A_221 = arith.constant 0 : i32
      %dma_wait3A_222 = tpu.memref_slice %arg22[%add3A_19, %dma_wait3A_221] : memref<10000x128xf32, #tpu.memory_space<vmem_shared>> -> memref<80x128xf32, #tpu.memory_space<vmem_shared>>
      %dma_wait3A_223 = arith.constant 0 : i32
      %dma_wait3A_224 = tpu.memref_slice %arg22[%add3A_19, %dma_wait3A_223] : memref<10000x128xf32, #tpu.memory_space<vmem_shared>> -> memref<80x128xf32, #tpu.memory_space<vmem_shared>>
      tpu.wait_dma2 semaphore(%run_scoped3A : memref<!tpu.dma_semaphore, #tpu.memory_space<semaphore_mem>>) src(%arg12 : memref<80x128xf32, #tpu.memory_space<vmem>>) dst(%dma_wait3A_224 : memref<80x128xf32, #tpu.memory_space<vmem_shared>>)
      tpu.yield
    }) : () -> ()
    %mul3A_20 = arith.constant 624 : i32
    %mul3A_21 = arith.muli %arg1, %mul3A_20 : i32
    %add3A_22 = arith.constant 80 : i32
    %add3A_23 = arith.addi %mul3A_21, %add3A_22 : i32
    "tpu.region"() ({
      %run_scoped3A = tpu.sem_alloc : memref<!tpu.dma_semaphore, #tpu.memory_space<semaphore_mem>>
      %dma_start3A_217 = arith.constant 0 : i32
      %dma_start3A_218 = tpu.memref_slice %arg23[%add3A_23, %dma_start3A_217] : memref<10000x16xf32, #tpu.memory_space<vmem_shared>> -> memref<80x16xf32, #tpu.memory_space<vmem_shared>>
      %dma_start3A_219 = arith.constant 0 : i32
      %dma_start3A_220 = tpu.memref_slice %arg23[%add3A_23, %dma_start3A_219] : memref<10000x16xf32, #tpu.memory_space<vmem_shared>> -> memref<80x16xf32, #tpu.memory_space<vmem_shared>>
      tpu.enqueue_dma source(%arg11 : memref<80x16xf32, #tpu.memory_space<vmem>>) target(%dma_start3A_220 : memref<80x16xf32, #tpu.memory_space<vmem_shared>>) target_semaphore(%run_scoped3A : memref<!tpu.dma_semaphore, #tpu.memory_space<semaphore_mem>>)
      %dma_wait3A_221 = arith.constant 0 : i32
      %dma_wait3A_222 = tpu.memref_slice %arg23[%add3A_23, %dma_wait3A_221] : memref<10000x16xf32, #tpu.memory_space<vmem_shared>> -> memref<80x16xf32, #tpu.memory_space<vmem_shared>>
      %dma_wait3A_223 = arith.constant 0 : i32
      %dma_wait3A_224 = tpu.memref_slice %arg23[%add3A_23, %dma_wait3A_223] : memref<10000x16xf32, #tpu.memory_space<vmem_shared>> -> memref<80x16xf32, #tpu.memory_space<vmem_shared>>
      tpu.wait_dma2 semaphore(%run_scoped3A : memref<!tpu.dma_semaphore, #tpu.memory_space<semaphore_mem>>) src(%arg11 : memref<80x16xf32, #tpu.memory_space<vmem>>) dst(%dma_wait3A_224 : memref<80x16xf32, #tpu.memory_space<vmem_shared>>)
      tpu.yield
    }) : () -> ()
    %mul3A_24 = arith.constant 624 : i32
    %mul3A_25 = arith.muli %arg1, %mul3A_24 : i32
    %add3A_26 = arith.constant 160 : i32
    %add3A_27 = arith.addi %mul3A_25, %add3A_26 : i32
    "tpu.region"() ({
      %run_scoped3A = tpu.sem_alloc : memref<!tpu.dma_semaphore, #tpu.memory_space<semaphore_mem>>
      %dma_start3A_217 = arith.constant 0 : i32
      %dma_start3A_218 = tpu.memref_slice %arg22[%add3A_27, %dma_start3A_217] : memref<10000x128xf32, #tpu.memory_space<vmem_shared>> -> memref<80x128xf32, #tpu.memory_space<vmem_shared>>
      %dma_start3A_219 = arith.constant 0 : i32
      %dma_start3A_220 = tpu.memref_slice %arg22[%add3A_27, %dma_start3A_219] : memref<10000x128xf32, #tpu.memory_space<vmem_shared>> -> memref<80x128xf32, #tpu.memory_space<vmem_shared>>
      tpu.enqueue_dma source(%arg12 : memref<80x128xf32, #tpu.memory_space<vmem>>) target(%dma_start3A_220 : memref<80x128xf32, #tpu.memory_space<vmem_shared>>) target_semaphore(%run_scoped3A : memref<!tpu.dma_semaphore, #tpu.memory_space<semaphore_mem>>)
      %dma_wait3A_221 = arith.constant 0 : i32
      %dma_wait3A_222 = tpu.memref_slice %arg22[%add3A_27, %dma_wait3A_221] : memref<10000x128xf32, #tpu.memory_space<vmem_shared>> -> memref<80x128xf32, #tpu.memory_space<vmem_shared>>
      %dma_wait3A_223 = arith.constant 0 : i32
      %dma_wait3A_224 = tpu.memref_slice %arg22[%add3A_27, %dma_wait3A_223] : memref<10000x128xf32, #tpu.memory_space<vmem_shared>> -> memref<80x128xf32, #tpu.memory_space<vmem_shared>>
      tpu.wait_dma2 semaphore(%run_scoped3A : memref<!tpu.dma_semaphore, #tpu.memory_space<semaphore_mem>>) src(%arg12 : memref<80x128xf32, #tpu.memory_space<vmem>>) dst(%dma_wait3A_224 : memref<80x128xf32, #tpu.memory_space<vmem_shared>>)
      tpu.yield
    }) : () -> ()
    %mul3A_28 = arith.constant 624 : i32
    %mul3A_29 = arith.muli %arg1, %mul3A_28 : i32
    %add3A_30 = arith.constant 160 : i32
    %add3A_31 = arith.addi %mul3A_29, %add3A_30 : i32
    "tpu.region"() ({
      %run_scoped3A = tpu.sem_alloc : memref<!tpu.dma_semaphore, #tpu.memory_space<semaphore_mem>>
      %dma_start3A_217 = arith.constant 0 : i32
      %dma_start3A_218 = tpu.memref_slice %arg23[%add3A_31, %dma_start3A_217] : memref<10000x16xf32, #tpu.memory_space<vmem_shared>> -> memref<80x16xf32, #tpu.memory_space<vmem_shared>>
      %dma_start3A_219 = arith.constant 0 : i32
      %dma_start3A_220 = tpu.memref_slice %arg23[%add3A_31, %dma_start3A_219] : memref<10000x16xf32, #tpu.memory_space<vmem_shared>> -> memref<80x16xf32, #tpu.memory_space<vmem_shared>>
      tpu.enqueue_dma source(%arg11 : memref<80x16xf32, #tpu.memory_space<vmem>>) target(%dma_start3A_220 : memref<80x16xf32, #tpu.memory_space<vmem_shared>>) target_semaphore(%run_scoped3A : memref<!tpu.dma_semaphore, #tpu.memory_space<semaphore_mem>>)
      %dma_wait3A_221 = arith.constant 0 : i32
      %dma_wait3A_222 = tpu.memref_slice %arg23[%add3A_31, %dma_wait3A_221] : memref<10000x16xf32, #tpu.memory_space<vmem_shared>> -> memref<80x16xf32, #tpu.memory_space<vmem_shared>>
      %dma_wait3A_223 = arith.constant 0 : i32
      %dma_wait3A_224 = tpu.memref_slice %arg23[%add3A_31, %dma_wait3A_223] : memref<10000x16xf32, #tpu.memory_space<vmem_shared>> -> memref<80x16xf32, #tpu.memory_space<vmem_shared>>
      tpu.wait_dma2 semaphore(%run_scoped3A : memref<!tpu.dma_semaphore, #tpu.memory_space<semaphore_mem>>) src(%arg11 : memref<80x16xf32, #tpu.memory_space<vmem>>) dst(%dma_wait3A_224 : memref<80x16xf32, #tpu.memory_space<vmem_shared>>)
      tpu.yield
    }) : () -> ()
    %mul3A_32 = arith.constant 624 : i32
    %mul3A_33 = arith.muli %arg1, %mul3A_32 : i32
    %add3A_34 = arith.constant 240 : i32
    %add3A_35 = arith.addi %mul3A_33, %add3A_34 : i32
    "tpu.region"() ({
      %run_scoped3A = tpu.sem_alloc : memref<!tpu.dma_semaphore, #tpu.memory_space<semaphore_mem>>
      %dma_start3A_217 = arith.constant 0 : i32
      %dma_start3A_218 = tpu.memref_slice %arg22[%add3A_35, %dma_start3A_217] : memref<10000x128xf32, #tpu.memory_space<vmem_shared>> -> memref<80x128xf32, #tpu.memory_space<vmem_shared>>
      %dma_start3A_219 = arith.constant 0 : i32
      %dma_start3A_220 = tpu.memref_slice %arg22[%add3A_35, %dma_start3A_219] : memref<10000x128xf32, #tpu.memory_space<vmem_shared>> -> memref<80x128xf32, #tpu.memory_space<vmem_shared>>
      tpu.enqueue_dma source(%arg12 : memref<80x128xf32, #tpu.memory_space<vmem>>) target(%dma_start3A_220 : memref<80x128xf32, #tpu.memory_space<vmem_shared>>) target_semaphore(%run_scoped3A : memref<!tpu.dma_semaphore, #tpu.memory_space<semaphore_mem>>)
      %dma_wait3A_221 = arith.constant 0 : i32
      %dma_wait3A_222 = tpu.memref_slice %arg22[%add3A_35, %dma_wait3A_221] : memref<10000x128xf32, #tpu.memory_space<vmem_shared>> -> memref<80x128xf32, #tpu.memory_space<vmem_shared>>
      %dma_wait3A_223 = arith.constant 0 : i32
      %dma_wait3A_224 = tpu.memref_slice %arg22[%add3A_35, %dma_wait3A_223] : memref<10000x128xf32, #tpu.memory_space<vmem_shared>> -> memref<80x128xf32, #tpu.memory_space<vmem_shared>>
      tpu.wait_dma2 semaphore(%run_scoped3A : memref<!tpu.dma_semaphore, #tpu.memory_space<semaphore_mem>>) src(%arg12 : memref<80x128xf32, #tpu.memory_space<vmem>>) dst(%dma_wait3A_224 : memref<80x128xf32, #tpu.memory_space<vmem_shared>>)
      tpu.yield
    }) : () -> ()
    %mul3A_36 = arith.constant 624 : i32
    %mul3A_37 = arith.muli %arg1, %mul3A_36 : i32
    %add3A_38 = arith.constant 240 : i32
    %add3A_39 = arith.addi %mul3A_37, %add3A_38 : i32
    "tpu.region"() ({
      %run_scoped3A = tpu.sem_alloc : memref<!tpu.dma_semaphore, #tpu.memory_space<semaphore_mem>>
      %dma_start3A_217 = arith.constant 0 : i32
      %dma_start3A_218 = tpu.memref_slice %arg23[%add3A_39, %dma_start3A_217] : memref<10000x16xf32, #tpu.memory_space<vmem_shared>> -> memref<80x16xf32, #tpu.memory_space<vmem_shared>>
      %dma_start3A_219 = arith.constant 0 : i32
      %dma_start3A_220 = tpu.memref_slice %arg23[%add3A_39, %dma_start3A_219] : memref<10000x16xf32, #tpu.memory_space<vmem_shared>> -> memref<80x16xf32, #tpu.memory_space<vmem_shared>>
      tpu.enqueue_dma source(%arg11 : memref<80x16xf32, #tpu.memory_space<vmem>>) target(%dma_start3A_220 : memref<80x16xf32, #tpu.memory_space<vmem_shared>>) target_semaphore(%run_scoped3A : memref<!tpu.dma_semaphore, #tpu.memory_space<semaphore_mem>>)
      %dma_wait3A_221 = arith.constant 0 : i32
      %dma_wait3A_222 = tpu.memref_slice %arg23[%add3A_39, %dma_wait3A_221] : memref<10000x16xf32, #tpu.memory_space<vmem_shared>> -> memref<80x16xf32, #tpu.memory_space<vmem_shared>>
      %dma_wait3A_223 = arith.constant 0 : i32
      %dma_wait3A_224 = tpu.memref_slice %arg23[%add3A_39, %dma_wait3A_223] : memref<10000x16xf32, #tpu.memory_space<vmem_shared>> -> memref<80x16xf32, #tpu.memory_space<vmem_shared>>
      tpu.wait_dma2 semaphore(%run_scoped3A : memref<!tpu.dma_semaphore, #tpu.memory_space<semaphore_mem>>) src(%arg11 : memref<80x16xf32, #tpu.memory_space<vmem>>) dst(%dma_wait3A_224 : memref<80x16xf32, #tpu.memory_space<vmem_shared>>)
      tpu.yield
    }) : () -> ()
    %mul3A_40 = arith.constant 624 : i32
    %mul3A_41 = arith.muli %arg1, %mul3A_40 : i32
    %add3A_42 = arith.constant 320 : i32
    %add3A_43 = arith.addi %mul3A_41, %add3A_42 : i32
    "tpu.region"() ({
      %run_scoped3A = tpu.sem_alloc : memref<!tpu.dma_semaphore, #tpu.memory_space<semaphore_mem>>
      %dma_start3A_217 = arith.constant 0 : i32
      %dma_start3A_218 = tpu.memref_slice %arg22[%add3A_43, %dma_start3A_217] : memref<10000x128xf32, #tpu.memory_space<vmem_shared>> -> memref<80x128xf32, #tpu.memory_space<vmem_shared>>
      %dma_start3A_219 = arith.constant 0 : i32
      %dma_start3A_220 = tpu.memref_slice %arg22[%add3A_43, %dma_start3A_219] : memref<10000x128xf32, #tpu.memory_space<vmem_shared>> -> memref<80x128xf32, #tpu.memory_space<vmem_shared>>
      tpu.enqueue_dma source(%arg12 : memref<80x128xf32, #tpu.memory_space<vmem>>) target(%dma_start3A_220 : memref<80x128xf32, #tpu.memory_space<vmem_shared>>) target_semaphore(%run_scoped3A : memref<!tpu.dma_semaphore, #tpu.memory_space<semaphore_mem>>)
      %dma_wait3A_221 = arith.constant 0 : i32
      %dma_wait3A_222 = tpu.memref_slice %arg22[%add3A_43, %dma_wait3A_221] : memref<10000x128xf32, #tpu.memory_space<vmem_shared>> -> memref<80x128xf32, #tpu.memory_space<vmem_shared>>
      %dma_wait3A_223 = arith.constant 0 : i32
      %dma_wait3A_224 = tpu.memref_slice %arg22[%add3A_43, %dma_wait3A_223] : memref<10000x128xf32, #tpu.memory_space<vmem_shared>> -> memref<80x128xf32, #tpu.memory_space<vmem_shared>>
      tpu.wait_dma2 semaphore(%run_scoped3A : memref<!tpu.dma_semaphore, #tpu.memory_space<semaphore_mem>>) src(%arg12 : memref<80x128xf32, #tpu.memory_space<vmem>>) dst(%dma_wait3A_224 : memref<80x128xf32, #tpu.memory_space<vmem_shared>>)
      tpu.yield
    }) : () -> ()
    %mul3A_44 = arith.constant 624 : i32
    %mul3A_45 = arith.muli %arg1, %mul3A_44 : i32
    %add3A_46 = arith.constant 320 : i32
    %add3A_47 = arith.addi %mul3A_45, %add3A_46 : i32
    "tpu.region"() ({
      %run_scoped3A = tpu.sem_alloc : memref<!tpu.dma_semaphore, #tpu.memory_space<semaphore_mem>>
      %dma_start3A_217 = arith.constant 0 : i32
      %dma_start3A_218 = tpu.memref_slice %arg23[%add3A_47, %dma_start3A_217] : memref<10000x16xf32, #tpu.memory_space<vmem_shared>> -> memref<80x16xf32, #tpu.memory_space<vmem_shared>>
      %dma_start3A_219 = arith.constant 0 : i32
      %dma_start3A_220 = tpu.memref_slice %arg23[%add3A_47, %dma_start3A_219] : memref<10000x16xf32, #tpu.memory_space<vmem_shared>> -> memref<80x16xf32, #tpu.memory_space<vmem_shared>>
      tpu.enqueue_dma source(%arg11 : memref<80x16xf32, #tpu.memory_space<vmem>>) target(%dma_start3A_220 : memref<80x16xf32, #tpu.memory_space<vmem_shared>>) target_semaphore(%run_scoped3A : memref<!tpu.dma_semaphore, #tpu.memory_space<semaphore_mem>>)
      %dma_wait3A_221 = arith.constant 0 : i32
      %dma_wait3A_222 = tpu.memref_slice %arg23[%add3A_47, %dma_wait3A_221] : memref<10000x16xf32, #tpu.memory_space<vmem_shared>> -> memref<80x16xf32, #tpu.memory_space<vmem_shared>>
      %dma_wait3A_223 = arith.constant 0 : i32
      %dma_wait3A_224 = tpu.memref_slice %arg23[%add3A_47, %dma_wait3A_223] : memref<10000x16xf32, #tpu.memory_space<vmem_shared>> -> memref<80x16xf32, #tpu.memory_space<vmem_shared>>
      tpu.wait_dma2 semaphore(%run_scoped3A : memref<!tpu.dma_semaphore, #tpu.memory_space<semaphore_mem>>) src(%arg11 : memref<80x16xf32, #tpu.memory_space<vmem>>) dst(%dma_wait3A_224 : memref<80x16xf32, #tpu.memory_space<vmem_shared>>)
      tpu.yield
    }) : () -> ()
    %mul3A_48 = arith.constant 624 : i32
    %mul3A_49 = arith.muli %arg1, %mul3A_48 : i32
    %add3A_50 = arith.constant 400 : i32
    %add3A_51 = arith.addi %mul3A_49, %add3A_50 : i32
    "tpu.region"() ({
      %run_scoped3A = tpu.sem_alloc : memref<!tpu.dma_semaphore, #tpu.memory_space<semaphore_mem>>
      %dma_start3A_217 = arith.constant 0 : i32
      %dma_start3A_218 = tpu.memref_slice %arg22[%add3A_51, %dma_start3A_217] : memref<10000x128xf32, #tpu.memory_space<vmem_shared>> -> memref<80x128xf32, #tpu.memory_space<vmem_shared>>
      %dma_start3A_219 = arith.constant 0 : i32
      %dma_start3A_220 = tpu.memref_slice %arg22[%add3A_51, %dma_start3A_219] : memref<10000x128xf32, #tpu.memory_space<vmem_shared>> -> memref<80x128xf32, #tpu.memory_space<vmem_shared>>
      tpu.enqueue_dma source(%arg12 : memref<80x128xf32, #tpu.memory_space<vmem>>) target(%dma_start3A_220 : memref<80x128xf32, #tpu.memory_space<vmem_shared>>) target_semaphore(%run_scoped3A : memref<!tpu.dma_semaphore, #tpu.memory_space<semaphore_mem>>)
      %dma_wait3A_221 = arith.constant 0 : i32
      %dma_wait3A_222 = tpu.memref_slice %arg22[%add3A_51, %dma_wait3A_221] : memref<10000x128xf32, #tpu.memory_space<vmem_shared>> -> memref<80x128xf32, #tpu.memory_space<vmem_shared>>
      %dma_wait3A_223 = arith.constant 0 : i32
      %dma_wait3A_224 = tpu.memref_slice %arg22[%add3A_51, %dma_wait3A_223] : memref<10000x128xf32, #tpu.memory_space<vmem_shared>> -> memref<80x128xf32, #tpu.memory_space<vmem_shared>>
      tpu.wait_dma2 semaphore(%run_scoped3A : memref<!tpu.dma_semaphore, #tpu.memory_space<semaphore_mem>>) src(%arg12 : memref<80x128xf32, #tpu.memory_space<vmem>>) dst(%dma_wait3A_224 : memref<80x128xf32, #tpu.memory_space<vmem_shared>>)
      tpu.yield
    }) : () -> ()
    %mul3A_52 = arith.constant 624 : i32
    %mul3A_53 = arith.muli %arg1, %mul3A_52 : i32
    %add3A_54 = arith.constant 400 : i32
    %add3A_55 = arith.addi %mul3A_53, %add3A_54 : i32
    "tpu.region"() ({
      %run_scoped3A = tpu.sem_alloc : memref<!tpu.dma_semaphore, #tpu.memory_space<semaphore_mem>>
      %dma_start3A_217 = arith.constant 0 : i32
      %dma_start3A_218 = tpu.memref_slice %arg23[%add3A_55, %dma_start3A_217] : memref<10000x16xf32, #tpu.memory_space<vmem_shared>> -> memref<80x16xf32, #tpu.memory_space<vmem_shared>>
      %dma_start3A_219 = arith.constant 0 : i32
      %dma_start3A_220 = tpu.memref_slice %arg23[%add3A_55, %dma_start3A_219] : memref<10000x16xf32, #tpu.memory_space<vmem_shared>> -> memref<80x16xf32, #tpu.memory_space<vmem_shared>>
      tpu.enqueue_dma source(%arg11 : memref<80x16xf32, #tpu.memory_space<vmem>>) target(%dma_start3A_220 : memref<80x16xf32, #tpu.memory_space<vmem_shared>>) target_semaphore(%run_scoped3A : memref<!tpu.dma_semaphore, #tpu.memory_space<semaphore_mem>>)
      %dma_wait3A_221 = arith.constant 0 : i32
      %dma_wait3A_222 = tpu.memref_slice %arg23[%add3A_55, %dma_wait3A_221] : memref<10000x16xf32, #tpu.memory_space<vmem_shared>> -> memref<80x16xf32, #tpu.memory_space<vmem_shared>>
      %dma_wait3A_223 = arith.constant 0 : i32
      %dma_wait3A_224 = tpu.memref_slice %arg23[%add3A_55, %dma_wait3A_223] : memref<10000x16xf32, #tpu.memory_space<vmem_shared>> -> memref<80x16xf32, #tpu.memory_space<vmem_shared>>
      tpu.wait_dma2 semaphore(%run_scoped3A : memref<!tpu.dma_semaphore, #tpu.memory_space<semaphore_mem>>) src(%arg11 : memref<80x16xf32, #tpu.memory_space<vmem>>) dst(%dma_wait3A_224 : memref<80x16xf32, #tpu.memory_space<vmem_shared>>)
      tpu.yield
    }) : () -> ()
    %mul3A_56 = arith.constant 624 : i32
    %mul3A_57 = arith.muli %arg1, %mul3A_56 : i32
    %add3A_58 = arith.constant 480 : i32
    %add3A_59 = arith.addi %mul3A_57, %add3A_58 : i32
    "tpu.region"() ({
      %run_scoped3A = tpu.sem_alloc : memref<!tpu.dma_semaphore, #tpu.memory_space<semaphore_mem>>
      %dma_start3A_217 = arith.constant 0 : i32
      %dma_start3A_218 = tpu.memref_slice %arg22[%add3A_59, %dma_start3A_217] : memref<10000x128xf32, #tpu.memory_space<vmem_shared>> -> memref<80x128xf32, #tpu.memory_space<vmem_shared>>
      %dma_start3A_219 = arith.constant 0 : i32
      %dma_start3A_220 = tpu.memref_slice %arg22[%add3A_59, %dma_start3A_219] : memref<10000x128xf32, #tpu.memory_space<vmem_shared>> -> memref<80x128xf32, #tpu.memory_space<vmem_shared>>
      tpu.enqueue_dma source(%arg12 : memref<80x128xf32, #tpu.memory_space<vmem>>) target(%dma_start3A_220 : memref<80x128xf32, #tpu.memory_space<vmem_shared>>) target_semaphore(%run_scoped3A : memref<!tpu.dma_semaphore, #tpu.memory_space<semaphore_mem>>)
      %dma_wait3A_221 = arith.constant 0 : i32
      %dma_wait3A_222 = tpu.memref_slice %arg22[%add3A_59, %dma_wait3A_221] : memref<10000x128xf32, #tpu.memory_space<vmem_shared>> -> memref<80x128xf32, #tpu.memory_space<vmem_shared>>
      %dma_wait3A_223 = arith.constant 0 : i32
      %dma_wait3A_224 = tpu.memref_slice %arg22[%add3A_59, %dma_wait3A_223] : memref<10000x128xf32, #tpu.memory_space<vmem_shared>> -> memref<80x128xf32, #tpu.memory_space<vmem_shared>>
      tpu.wait_dma2 semaphore(%run_scoped3A : memref<!tpu.dma_semaphore, #tpu.memory_space<semaphore_mem>>) src(%arg12 : memref<80x128xf32, #tpu.memory_space<vmem>>) dst(%dma_wait3A_224 : memref<80x128xf32, #tpu.memory_space<vmem_shared>>)
      tpu.yield
    }) : () -> ()
    %mul3A_60 = arith.constant 624 : i32
    %mul3A_61 = arith.muli %arg1, %mul3A_60 : i32
    %add3A_62 = arith.constant 480 : i32
    %add3A_63 = arith.addi %mul3A_61, %add3A_62 : i32
    "tpu.region"() ({
      %run_scoped3A = tpu.sem_alloc : memref<!tpu.dma_semaphore, #tpu.memory_space<semaphore_mem>>
      %dma_start3A_217 = arith.constant 0 : i32
      %dma_start3A_218 = tpu.memref_slice %arg23[%add3A_63, %dma_start3A_217] : memref<10000x16xf32, #tpu.memory_space<vmem_shared>> -> memref<80x16xf32, #tpu.memory_space<vmem_shared>>
      %dma_start3A_219 = arith.constant 0 : i32
      %dma_start3A_220 = tpu.memref_slice %arg23[%add3A_63, %dma_start3A_219] : memref<10000x16xf32, #tpu.memory_space<vmem_shared>> -> memref<80x16xf32, #tpu.memory_space<vmem_shared>>
      tpu.enqueue_dma source(%arg11 : memref<80x16xf32, #tpu.memory_space<vmem>>) target(%dma_start3A_220 : memref<80x16xf32, #tpu.memory_space<vmem_shared>>) target_semaphore(%run_scoped3A : memref<!tpu.dma_semaphore, #tpu.memory_space<semaphore_mem>>)
      %dma_wait3A_221 = arith.constant 0 : i32
      %dma_wait3A_222 = tpu.memref_slice %arg23[%add3A_63, %dma_wait3A_221] : memref<10000x16xf32, #tpu.memory_space<vmem_shared>> -> memref<80x16xf32, #tpu.memory_space<vmem_shared>>
      %dma_wait3A_223 = arith.constant 0 : i32
      %dma_wait3A_224 = tpu.memref_slice %arg23[%add3A_63, %dma_wait3A_223] : memref<10000x16xf32, #tpu.memory_space<vmem_shared>> -> memref<80x16xf32, #tpu.memory_space<vmem_shared>>
      tpu.wait_dma2 semaphore(%run_scoped3A : memref<!tpu.dma_semaphore, #tpu.memory_space<semaphore_mem>>) src(%arg11 : memref<80x16xf32, #tpu.memory_space<vmem>>) dst(%dma_wait3A_224 : memref<80x16xf32, #tpu.memory_space<vmem_shared>>)
      tpu.yield
    }) : () -> ()
    %mul3A_64 = arith.constant 624 : i32
    %mul3A_65 = arith.muli %arg1, %mul3A_64 : i32
    %add3A_66 = arith.constant 560 : i32
    %add3A_67 = arith.addi %mul3A_65, %add3A_66 : i32
    "tpu.region"() ({
      %run_scoped3A = tpu.sem_alloc : memref<!tpu.dma_semaphore, #tpu.memory_space<semaphore_mem>>
      %dma_start3A_217 = arith.constant 0 : i32
      %dma_start3A_218 = arith.constant 0 : i32
      %dma_start3A_219 = tpu.memref_slice %arg12[%dma_start3A_217, %dma_start3A_218] : memref<80x128xf32, #tpu.memory_space<vmem>> -> memref<64x128xf32, #tpu.memory_space<vmem>>
      %dma_start3A_220 = arith.constant 0 : i32
      %dma_start3A_221 = tpu.memref_slice %arg22[%add3A_67, %dma_start3A_220] : memref<10000x128xf32, #tpu.memory_space<vmem_shared>> -> memref<64x128xf32, #tpu.memory_space<vmem_shared>>
      %dma_start3A_222 = arith.constant 0 : i32
      %dma_start3A_223 = tpu.memref_slice %arg22[%add3A_67, %dma_start3A_222] : memref<10000x128xf32, #tpu.memory_space<vmem_shared>> -> memref<64x128xf32, #tpu.memory_space<vmem_shared>>
      %dma_start3A_224 = arith.constant 0 : i32
      %dma_start3A_225 = arith.constant 0 : i32
      %dma_start3A_226 = tpu.memref_slice %arg12[%dma_start3A_224, %dma_start3A_225] : memref<80x128xf32, #tpu.memory_space<vmem>> -> memref<64x128xf32, #tpu.memory_space<vmem>>
      tpu.enqueue_dma source(%dma_start3A_226 : memref<64x128xf32, #tpu.memory_space<vmem>>) target(%dma_start3A_223 : memref<64x128xf32, #tpu.memory_space<vmem_shared>>) target_semaphore(%run_scoped3A : memref<!tpu.dma_semaphore, #tpu.memory_space<semaphore_mem>>)
      %dma_wait3A_227 = arith.constant 0 : i32
      %dma_wait3A_228 = arith.constant 0 : i32
      %dma_wait3A_229 = tpu.memref_slice %arg12[%dma_wait3A_227, %dma_wait3A_228] : memref<80x128xf32, #tpu.memory_space<vmem>> -> memref<64x128xf32, #tpu.memory_space<vmem>>
      %dma_wait3A_230 = arith.constant 0 : i32
      %dma_wait3A_231 = tpu.memref_slice %arg22[%add3A_67, %dma_wait3A_230] : memref<10000x128xf32, #tpu.memory_space<vmem_shared>> -> memref<64x128xf32, #tpu.memory_space<vmem_shared>>
      %dma_wait3A_232 = arith.constant 0 : i32
      %dma_wait3A_233 = tpu.memref_slice %arg22[%add3A_67, %dma_wait3A_232] : memref<10000x128xf32, #tpu.memory_space<vmem_shared>> -> memref<64x128xf32, #tpu.memory_space<vmem_shared>>
      %dma_wait3A_234 = arith.constant 0 : i32
      %dma_wait3A_235 = arith.constant 0 : i32
      %dma_wait3A_236 = tpu.memref_slice %arg12[%dma_wait3A_234, %dma_wait3A_235] : memref<80x128xf32, #tpu.memory_space<vmem>> -> memref<64x128xf32, #tpu.memory_space<vmem>>
      tpu.wait_dma2 semaphore(%run_scoped3A : memref<!tpu.dma_semaphore, #tpu.memory_space<semaphore_mem>>) src(%dma_wait3A_236 : memref<64x128xf32, #tpu.memory_space<vmem>>) dst(%dma_wait3A_233 : memref<64x128xf32, #tpu.memory_space<vmem_shared>>)
      tpu.yield
    }) : () -> ()
    %mul3A_68 = arith.constant 624 : i32
    %mul3A_69 = arith.muli %arg1, %mul3A_68 : i32
    %add3A_70 = arith.constant 560 : i32
    %add3A_71 = arith.addi %mul3A_69, %add3A_70 : i32
    "tpu.region"() ({
      %run_scoped3A = tpu.sem_alloc : memref<!tpu.dma_semaphore, #tpu.memory_space<semaphore_mem>>
      %dma_start3A_217 = arith.constant 0 : i32
      %dma_start3A_218 = arith.constant 0 : i32
      %dma_start3A_219 = tpu.memref_slice %arg11[%dma_start3A_217, %dma_start3A_218] : memref<80x16xf32, #tpu.memory_space<vmem>> -> memref<64x16xf32, #tpu.memory_space<vmem>>
      %dma_start3A_220 = arith.constant 0 : i32
      %dma_start3A_221 = tpu.memref_slice %arg23[%add3A_71, %dma_start3A_220] : memref<10000x16xf32, #tpu.memory_space<vmem_shared>> -> memref<64x16xf32, #tpu.memory_space<vmem_shared>>
      %dma_start3A_222 = arith.constant 0 : i32
      %dma_start3A_223 = tpu.memref_slice %arg23[%add3A_71, %dma_start3A_222] : memref<10000x16xf32, #tpu.memory_space<vmem_shared>> -> memref<64x16xf32, #tpu.memory_space<vmem_shared>>
      %dma_start3A_224 = arith.constant 0 : i32
      %dma_start3A_225 = arith.constant 0 : i32
      %dma_start3A_226 = tpu.memref_slice %arg11[%dma_start3A_224, %dma_start3A_225] : memref<80x16xf32, #tpu.memory_space<vmem>> -> memref<64x16xf32, #tpu.memory_space<vmem>>
      tpu.enqueue_dma source(%dma_start3A_226 : memref<64x16xf32, #tpu.memory_space<vmem>>) target(%dma_start3A_223 : memref<64x16xf32, #tpu.memory_space<vmem_shared>>) target_semaphore(%run_scoped3A : memref<!tpu.dma_semaphore, #tpu.memory_space<semaphore_mem>>)
      %dma_wait3A_227 = arith.constant 0 : i32
      %dma_wait3A_228 = arith.constant 0 : i32
      %dma_wait3A_229 = tpu.memref_slice %arg11[%dma_wait3A_227, %dma_wait3A_228] : memref<80x16xf32, #tpu.memory_space<vmem>> -> memref<64x16xf32, #tpu.memory_space<vmem>>
      %dma_wait3A_230 = arith.constant 0 : i32
      %dma_wait3A_231 = tpu.memref_slice %arg23[%add3A_71, %dma_wait3A_230] : memref<10000x16xf32, #tpu.memory_space<vmem_shared>> -> memref<64x16xf32, #tpu.memory_space<vmem_shared>>
      %dma_wait3A_232 = arith.constant 0 : i32
      %dma_wait3A_233 = tpu.memref_slice %arg23[%add3A_71, %dma_wait3A_232] : memref<10000x16xf32, #tpu.memory_space<vmem_shared>> -> memref<64x16xf32, #tpu.memory_space<vmem_shared>>
      %dma_wait3A_234 = arith.constant 0 : i32
      %dma_wait3A_235 = arith.constant 0 : i32
      %dma_wait3A_236 = tpu.memref_slice %arg11[%dma_wait3A_234, %dma_wait3A_235] : memref<80x16xf32, #tpu.memory_space<vmem>> -> memref<64x16xf32, #tpu.memory_space<vmem>>
      tpu.wait_dma2 semaphore(%run_scoped3A : memref<!tpu.dma_semaphore, #tpu.memory_space<semaphore_mem>>) src(%dma_wait3A_236 : memref<64x16xf32, #tpu.memory_space<vmem>>) dst(%dma_wait3A_233 : memref<64x16xf32, #tpu.memory_space<vmem_shared>>)
      tpu.yield
    }) : () -> ()
    %eq3A = arith.constant 15 : i32
    %eq3A_72 = arith.cmpi eq, %arg1, %eq3A : i32
    %convert_element_type3A = arith.extui %eq3A_72 : i1 to i32
    %cond3A = arith.constant 0 : i32
    %cond3A_73 = arith.cmpi ne, %convert_element_type3A, %cond3A : i32
    scf.if %cond3A_73 {
      "tpu.region"() ({
        %run_scoped3A = tpu.sem_alloc : memref<!tpu.dma_semaphore, #tpu.memory_space<semaphore_mem>>
        %dma_start3A_217 = arith.constant 0 : i32
        %dma_start3A_218 = arith.constant 0 : i32
        %dma_start3A_219 = tpu.memref_slice %arg12[%dma_start3A_217, %dma_start3A_218] : memref<80x128xf32, #tpu.memory_space<vmem>> -> memref<16x128xf32, #tpu.memory_space<vmem>>
        %dma_start3A_220 = arith.constant 9984 : i32
        %dma_start3A_221 = arith.constant 0 : i32
        %dma_start3A_222 = tpu.memref_slice %arg22[%dma_start3A_220, %dma_start3A_221] : memref<10000x128xf32, #tpu.memory_space<vmem_shared>> -> memref<16x128xf32, #tpu.memory_space<vmem_shared>>
        %dma_start3A_223 = arith.constant 9984 : i32
        %dma_start3A_224 = arith.constant 0 : i32
        %dma_start3A_225 = tpu.memref_slice %arg22[%dma_start3A_223, %dma_start3A_224] : memref<10000x128xf32, #tpu.memory_space<vmem_shared>> -> memref<16x128xf32, #tpu.memory_space<vmem_shared>>
        %dma_start3A_226 = arith.constant 0 : i32
        %dma_start3A_227 = arith.constant 0 : i32
        %dma_start3A_228 = tpu.memref_slice %arg12[%dma_start3A_226, %dma_start3A_227] : memref<80x128xf32, #tpu.memory_space<vmem>> -> memref<16x128xf32, #tpu.memory_space<vmem>>
        tpu.enqueue_dma source(%dma_start3A_228 : memref<16x128xf32, #tpu.memory_space<vmem>>) target(%dma_start3A_225 : memref<16x128xf32, #tpu.memory_space<vmem_shared>>) target_semaphore(%run_scoped3A : memref<!tpu.dma_semaphore, #tpu.memory_space<semaphore_mem>>)
        %dma_wait3A_229 = arith.constant 0 : i32
        %dma_wait3A_230 = arith.constant 0 : i32
        %dma_wait3A_231 = tpu.memref_slice %arg12[%dma_wait3A_229, %dma_wait3A_230] : memref<80x128xf32, #tpu.memory_space<vmem>> -> memref<16x128xf32, #tpu.memory_space<vmem>>
        %dma_wait3A_232 = arith.constant 9984 : i32
        %dma_wait3A_233 = arith.constant 0 : i32
        %dma_wait3A_234 = tpu.memref_slice %arg22[%dma_wait3A_232, %dma_wait3A_233] : memref<10000x128xf32, #tpu.memory_space<vmem_shared>> -> memref<16x128xf32, #tpu.memory_space<vmem_shared>>
        %dma_wait3A_235 = arith.constant 9984 : i32
        %dma_wait3A_236 = arith.constant 0 : i32
        %dma_wait3A_237 = tpu.memref_slice %arg22[%dma_wait3A_235, %dma_wait3A_236] : memref<10000x128xf32, #tpu.memory_space<vmem_shared>> -> memref<16x128xf32, #tpu.memory_space<vmem_shared>>
        %dma_wait3A_238 = arith.constant 0 : i32
        %dma_wait3A_239 = arith.constant 0 : i32
        %dma_wait3A_240 = tpu.memref_slice %arg12[%dma_wait3A_238, %dma_wait3A_239] : memref<80x128xf32, #tpu.memory_space<vmem>> -> memref<16x128xf32, #tpu.memory_space<vmem>>
        tpu.wait_dma2 semaphore(%run_scoped3A : memref<!tpu.dma_semaphore, #tpu.memory_space<semaphore_mem>>) src(%dma_wait3A_240 : memref<16x128xf32, #tpu.memory_space<vmem>>) dst(%dma_wait3A_237 : memref<16x128xf32, #tpu.memory_space<vmem_shared>>)
        tpu.yield
      }) : () -> ()
      "tpu.region"() ({
        %run_scoped3A = tpu.sem_alloc : memref<!tpu.dma_semaphore, #tpu.memory_space<semaphore_mem>>
        %dma_start3A_217 = arith.constant 0 : i32
        %dma_start3A_218 = arith.constant 0 : i32
        %dma_start3A_219 = tpu.memref_slice %arg11[%dma_start3A_217, %dma_start3A_218] : memref<80x16xf32, #tpu.memory_space<vmem>> -> memref<16x16xf32, #tpu.memory_space<vmem>>
        %dma_start3A_220 = arith.constant 9984 : i32
        %dma_start3A_221 = arith.constant 0 : i32
        %dma_start3A_222 = tpu.memref_slice %arg23[%dma_start3A_220, %dma_start3A_221] : memref<10000x16xf32, #tpu.memory_space<vmem_shared>> -> memref<16x16xf32, #tpu.memory_space<vmem_shared>>
        %dma_start3A_223 = arith.constant 9984 : i32
        %dma_start3A_224 = arith.constant 0 : i32
        %dma_start3A_225 = tpu.memref_slice %arg23[%dma_start3A_223, %dma_start3A_224] : memref<10000x16xf32, #tpu.memory_space<vmem_shared>> -> memref<16x16xf32, #tpu.memory_space<vmem_shared>>
        %dma_start3A_226 = arith.constant 0 : i32
        %dma_start3A_227 = arith.constant 0 : i32
        %dma_start3A_228 = tpu.memref_slice %arg11[%dma_start3A_226, %dma_start3A_227] : memref<80x16xf32, #tpu.memory_space<vmem>> -> memref<16x16xf32, #tpu.memory_space<vmem>>
        tpu.enqueue_dma source(%dma_start3A_228 : memref<16x16xf32, #tpu.memory_space<vmem>>) target(%dma_start3A_225 : memref<16x16xf32, #tpu.memory_space<vmem_shared>>) target_semaphore(%run_scoped3A : memref<!tpu.dma_semaphore, #tpu.memory_space<semaphore_mem>>)
        %dma_wait3A_229 = arith.constant 0 : i32
        %dma_wait3A_230 = arith.constant 0 : i32
        %dma_wait3A_231 = tpu.memref_slice %arg11[%dma_wait3A_229, %dma_wait3A_230] : memref<80x16xf32, #tpu.memory_space<vmem>> -> memref<16x16xf32, #tpu.memory_space<vmem>>
        %dma_wait3A_232 = arith.constant 9984 : i32
        %dma_wait3A_233 = arith.constant 0 : i32
        %dma_wait3A_234 = tpu.memref_slice %arg23[%dma_wait3A_232, %dma_wait3A_233] : memref<10000x16xf32, #tpu.memory_space<vmem_shared>> -> memref<16x16xf32, #tpu.memory_space<vmem_shared>>
        %dma_wait3A_235 = arith.constant 9984 : i32
        %dma_wait3A_236 = arith.constant 0 : i32
        %dma_wait3A_237 = tpu.memref_slice %arg23[%dma_wait3A_235, %dma_wait3A_236] : memref<10000x16xf32, #tpu.memory_space<vmem_shared>> -> memref<16x16xf32, #tpu.memory_space<vmem_shared>>
        %dma_wait3A_238 = arith.constant 0 : i32
        %dma_wait3A_239 = arith.constant 0 : i32
        %dma_wait3A_240 = tpu.memref_slice %arg11[%dma_wait3A_238, %dma_wait3A_239] : memref<80x16xf32, #tpu.memory_space<vmem>> -> memref<16x16xf32, #tpu.memory_space<vmem>>
        tpu.wait_dma2 semaphore(%run_scoped3A : memref<!tpu.dma_semaphore, #tpu.memory_space<semaphore_mem>>) src(%dma_wait3A_240 : memref<16x16xf32, #tpu.memory_space<vmem>>) dst(%dma_wait3A_237 : memref<16x16xf32, #tpu.memory_space<vmem_shared>>)
        tpu.yield
      }) : () -> ()
    } else {
    }
    "tpu.region"() ({
      %run_scoped3A = tpu.sem_alloc : memref<!tpu.dma_semaphore, #tpu.memory_space<semaphore_mem>>
      tpu.enqueue_dma source(%arg6 : memref<16xf32, #tpu.memory_space<hbm>>) target(%arg21 : memref<16xf32, #tpu.memory_space<vmem>>) target_semaphore(%run_scoped3A : memref<!tpu.dma_semaphore, #tpu.memory_space<semaphore_mem>>)
      tpu.wait_dma2 semaphore(%run_scoped3A : memref<!tpu.dma_semaphore, #tpu.memory_space<semaphore_mem>>) src(%arg6 : memref<16xf32, #tpu.memory_space<hbm>>) dst(%arg21 : memref<16xf32, #tpu.memory_space<vmem>>)
      tpu.yield
    }) : () -> ()
    %barrier3A = arith.constant 0 : index
    tpu.barrier barrier_id(%barrier3A)
    %get3A = arith.constant 0 : index
    %get3A_74 = tpu.vector_load %arg21[%get3A] {strides = array<i32>} : memref<16xf32, #tpu.memory_space<vmem>>, vector<16xf32>,
    %get3A_75 = vector.shape_cast %get3A_74 : vector<16xf32> to vector<16xf32>
    %mul3A_76 = arith.constant 10000 : i32
    %mul3A_77 = arith.muli %add3A, %mul3A_76 : i32
    %add3A_78 = arith.constant 0 : i32
    %add3A_79 = arith.addi %mul3A_77, %add3A_78 : i32
    %dma_start3A = arith.constant 0 : i32
    %dma_start3A_80 = tpu.memref_slice %arg2[%dma_start3A, %add3A_79] : memref<2x320000xi32, #tpu.memory_space<hbm>> -> memref<2x80xi32, #tpu.memory_space<hbm>>
    %dma_start3A_81 = arith.constant 0 : i32
    %dma_start3A_82 = tpu.memref_slice %arg2[%dma_start3A_81, %add3A_79] : memref<2x320000xi32, #tpu.memory_space<hbm>> -> memref<2x80xi32, #tpu.memory_space<hbm>>
    tpu.enqueue_dma source(%dma_start3A_82 : memref<2x80xi32, #tpu.memory_space<hbm>>) target(%arg17 : memref<2x80xi32, #tpu.memory_space<vmem>>) target_semaphore(%arg34 : memref<!tpu.dma_semaphore, #tpu.memory_space<semaphore_mem>>)
    %mul3A_83 = arith.constant 10000 : i32
    %mul3A_84 = arith.muli %add3A, %mul3A_83 : i32
    %add3A_85 = arith.constant 80 : i32
    %add3A_86 = arith.addi %mul3A_84, %add3A_85 : i32
    %dma_start3A_87 = arith.constant 0 : i32
    %dma_start3A_88 = tpu.memref_slice %arg2[%dma_start3A_87, %add3A_86] : memref<2x320000xi32, #tpu.memory_space<hbm>> -> memref<2x80xi32, #tpu.memory_space<hbm>>
    %dma_start3A_89 = arith.constant 0 : i32
    %dma_start3A_90 = tpu.memref_slice %arg2[%dma_start3A_89, %add3A_86] : memref<2x320000xi32, #tpu.memory_space<hbm>> -> memref<2x80xi32, #tpu.memory_space<hbm>>
    tpu.enqueue_dma source(%dma_start3A_90 : memref<2x80xi32, #tpu.memory_space<hbm>>) target(%arg18 : memref<2x80xi32, #tpu.memory_space<vmem>>) target_semaphore(%arg35 : memref<!tpu.dma_semaphore, #tpu.memory_space<semaphore_mem>>)
    %mul3A_91 = arith.constant 10000 : i32
    %mul3A_92 = arith.muli %add3A, %mul3A_91 : i32
    %add3A_93 = arith.constant 160 : i32
    %add3A_94 = arith.addi %mul3A_92, %add3A_93 : i32
    %dma_start3A_95 = arith.constant 0 : i32
    %dma_start3A_96 = tpu.memref_slice %arg2[%dma_start3A_95, %add3A_94] : memref<2x320000xi32, #tpu.memory_space<hbm>> -> memref<2x80xi32, #tpu.memory_space<hbm>>
    %dma_start3A_97 = arith.constant 0 : i32
    %dma_start3A_98 = tpu.memref_slice %arg2[%dma_start3A_97, %add3A_94] : memref<2x320000xi32, #tpu.memory_space<hbm>> -> memref<2x80xi32, #tpu.memory_space<hbm>>
    tpu.enqueue_dma source(%dma_start3A_98 : memref<2x80xi32, #tpu.memory_space<hbm>>) target(%arg19 : memref<2x80xi32, #tpu.memory_space<vmem>>) target_semaphore(%arg36 : memref<!tpu.dma_semaphore, #tpu.memory_space<semaphore_mem>>)
    %dma_wait3A = arith.constant 0 : i32
    %dma_wait3A_99 = arith.constant 0 : i32
    %dma_wait3A_100 = tpu.memref_slice %arg2[%dma_wait3A, %dma_wait3A_99] : memref<2x320000xi32, #tpu.memory_space<hbm>> -> memref<2x80xi32, #tpu.memory_space<hbm>>
    %dma_wait3A_101 = arith.constant 0 : i32
    %dma_wait3A_102 = arith.constant 0 : i32
    %dma_wait3A_103 = tpu.memref_slice %arg2[%dma_wait3A_101, %dma_wait3A_102] : memref<2x320000xi32, #tpu.memory_space<hbm>> -> memref<2x80xi32, #tpu.memory_space<hbm>>
    tpu.wait_dma2 semaphore(%arg34 : memref<!tpu.dma_semaphore, #tpu.memory_space<semaphore_mem>>) src(%dma_wait3A_103 : memref<2x80xi32, #tpu.memory_space<hbm>>) dst(%arg17 : memref<2x80xi32, #tpu.memory_space<vmem>>)
    %dma_start3A_104 = arith.constant 0 : i32
    %dma_start3A_105 = arith.constant 0 : i32
    %dma_start3A_106 = tpu.memref_slice %arg17[%dma_start3A_104, %dma_start3A_105] : memref<2x80xi32, #tpu.memory_space<vmem>> -> memref<1x80xi32, #tpu.memory_space<vmem>>
    %dma_start3A_107 = tpu.memref_squeeze %dma_start3A_106 : memref<1x80xi32, #tpu.memory_space<vmem>> -> memref<80xi32, #tpu.memory_space<vmem>>
    %dma_start3A_108 = arith.constant 0 : i32
    %dma_start3A_109 = arith.constant 0 : i32
    %dma_start3A_110 = tpu.memref_slice %arg3[%dma_start3A_108, %dma_start3A_109] : memref<10000x128xf32, #tpu.memory_space<hbm>> -> memref<10000x128xf32, #tpu.memory_space<hbm>>
    tpu.enqueue_indirect_dma source(%dma_start3A_110 : memref<10000x128xf32, #tpu.memory_space<hbm>>) target(%arg12 : memref<80x128xf32, #tpu.memory_space<vmem>>) offsets(%dma_start3A_107 : memref<80xi32, #tpu.memory_space<vmem>>) semaphore(%arg24 : memref<!tpu.dma_semaphore, #tpu.memory_space<semaphore_mem>>)
    %dma_start3A_111 = arith.constant 0 : i32
    %dma_start3A_112 = arith.constant 0 : i32
    %dma_start3A_113 = tpu.memref_slice %arg17[%dma_start3A_111, %dma_start3A_112] : memref<2x80xi32, #tpu.memory_space<vmem>> -> memref<1x80xi32, #tpu.memory_space<vmem>>
    %dma_start3A_114 = tpu.memref_squeeze %dma_start3A_113 : memref<1x80xi32, #tpu.memory_space<vmem>> -> memref<80xi32, #tpu.memory_space<vmem>>
    %dma_start3A_115 = arith.constant 0 : i32
    %dma_start3A_116 = arith.constant 0 : i32
    %dma_start3A_117 = tpu.memref_slice %arg4[%dma_start3A_115, %dma_start3A_116] : memref<10000x16xf32, #tpu.memory_space<hbm>> -> memref<10000x16xf32, #tpu.memory_space<hbm>>
    tpu.enqueue_indirect_dma source(%dma_start3A_117 : memref<10000x16xf32, #tpu.memory_space<hbm>>) target(%arg9 : memref<80x16xf32, #tpu.memory_space<vmem>>) offsets(%dma_start3A_114 : memref<80xi32, #tpu.memory_space<vmem>>) semaphore(%arg25 : memref<!tpu.dma_semaphore, #tpu.memory_space<semaphore_mem>>)
    %dma_start3A_118 = arith.constant 1 : i32
    %dma_start3A_119 = arith.constant 0 : i32
    %dma_start3A_120 = tpu.memref_slice %arg17[%dma_start3A_118, %dma_start3A_119] : memref<2x80xi32, #tpu.memory_space<vmem>> -> memref<1x80xi32, #tpu.memory_space<vmem>>
    %dma_start3A_121 = tpu.memref_squeeze %dma_start3A_120 : memref<1x80xi32, #tpu.memory_space<vmem>> -> memref<80xi32, #tpu.memory_space<vmem>>
    %dma_start3A_122 = arith.constant 0 : i32
    %dma_start3A_123 = arith.constant 0 : i32
    %dma_start3A_124 = tpu.memref_slice %arg5[%dma_start3A_122, %dma_start3A_123] : memref<10000x16xf32, #tpu.memory_space<hbm>> -> memref<10000x16xf32, #tpu.memory_space<hbm>>
    tpu.enqueue_indirect_dma source(%dma_start3A_124 : memref<10000x16xf32, #tpu.memory_space<hbm>>) target(%arg10 : memref<80x16xf32, #tpu.memory_space<vmem>>) offsets(%dma_start3A_121 : memref<80xi32, #tpu.memory_space<vmem>>) semaphore(%arg26 : memref<!tpu.dma_semaphore, #tpu.memory_space<semaphore_mem>>)
    %scan3A_125 = arith.constant 0 : i32
    %scan3A_126 = arith.constant 0 : i32
    %scan3A_127 = arith.constant 31 : i32
    %scan3A_128 = arith.addi %scan3A_126, %scan3A_127 : i32
    %scan3A_129 = arith.constant 1 : i32
    %scan3A_130 = scf.for %scan3A_217 = %scan3A_126 to %scan3A_128 step %scan3A_129 iter_args(%scan3A_218 = %scan3A_125) -> (i32)  : i32 {
      %mul3A_219 = arith.constant 4 : i32
      %mul3A_220 = arith.muli %mul3A_219, %scan3A_217 : i32
      %gt3A = arith.constant 0 : i32
      %gt3A_221 = arith.cmpi sgt, %mul3A_220, %gt3A : i32
      %convert_element_type3A_222 = arith.extui %gt3A_221 : i1 to i32
      %cond3A_223 = arith.constant 0 : i32
      %cond3A_224 = arith.cmpi ne, %convert_element_type3A_222, %cond3A_223 : i32
      scf.if %cond3A_224 {
        %dma_wait3A_498 = arith.constant 1 : i32
        %dma_wait3A_499 = arith.constant 0 : i32
        %dma_wait3A_500 = tpu.memref_slice %arg20[%dma_wait3A_498, %dma_wait3A_499] : memref<2x80xi32, #tpu.memory_space<vmem>> -> memref<1x80xi32, #tpu.memory_space<vmem>>
        %dma_wait3A_501 = tpu.memref_squeeze %dma_wait3A_500 : memref<1x80xi32, #tpu.memory_space<vmem>> -> memref<80xi32, #tpu.memory_space<vmem>>
        %dma_wait3A_502 = arith.constant 0 : i32
        %dma_wait3A_503 = arith.constant 0 : i32
        %dma_wait3A_504 = tpu.memref_slice %arg23[%dma_wait3A_502, %dma_wait3A_503] : memref<10000x16xf32, #tpu.memory_space<vmem_shared>> -> memref<10000x16xf32, #tpu.memory_space<vmem_shared>>
        tpu.wait_indirect_dma semaphore(%arg32 : memref<!tpu.dma_semaphore, #tpu.memory_space<semaphore_mem>>) src(%arg15 : memref<80x16xf32, #tpu.memory_space<vmem>>) dst(%dma_wait3A_504 : memref<10000x16xf32, #tpu.memory_space<vmem_shared>>)
        %dma_wait3A_505 = arith.constant 1 : i32
        %dma_wait3A_506 = arith.constant 0 : i32
        %dma_wait3A_507 = tpu.memref_slice %arg20[%dma_wait3A_505, %dma_wait3A_506] : memref<2x80xi32, #tpu.memory_space<vmem>> -> memref<1x80xi32, #tpu.memory_space<vmem>>
        %dma_wait3A_508 = tpu.memref_squeeze %dma_wait3A_507 : memref<1x80xi32, #tpu.memory_space<vmem>> -> memref<80xi32, #tpu.memory_space<vmem>>
        %dma_wait3A_509 = arith.constant 0 : i32
        %dma_wait3A_510 = arith.constant 0 : i32
        %dma_wait3A_511 = tpu.memref_slice %arg22[%dma_wait3A_509, %dma_wait3A_510] : memref<10000x128xf32, #tpu.memory_space<vmem_shared>> -> memref<10000x128xf32, #tpu.memory_space<vmem_shared>>
        tpu.wait_indirect_dma semaphore(%arg33 : memref<!tpu.dma_semaphore, #tpu.memory_space<semaphore_mem>>) src(%arg16 : memref<80x128xf32, #tpu.memory_space<vmem>>) dst(%dma_wait3A_511 : memref<10000x128xf32, #tpu.memory_space<vmem_shared>>)
      } else {
      }
      %add3A_225 = arith.constant 3 : i32
      %add3A_226 = arith.addi %mul3A_220, %add3A_225 : i32
      %lt3A = arith.constant 125 : i32
      %lt3A_227 = arith.cmpi slt, %add3A_226, %lt3A : i32
      %convert_element_type3A_228 = arith.extui %lt3A_227 : i1 to i32
      %cond3A_229 = arith.constant 0 : i32
      %cond3A_230 = arith.cmpi ne, %convert_element_type3A_228, %cond3A_229 : i32
      scf.if %cond3A_230 {
        %add3A_498 = arith.constant 3 : i32
        %add3A_499 = arith.addi %mul3A_220, %add3A_498 : i32
        %mul3A_500 = arith.constant 10000 : i32
        %mul3A_501 = arith.muli %add3A, %mul3A_500 : i32
        %mul3A_502 = arith.constant 80 : i32
        %mul3A_503 = arith.muli %add3A_499, %mul3A_502 : i32
        %add3A_504 = arith.addi %mul3A_501, %mul3A_503 : i32
        %dma_start3A_505 = arith.constant 0 : i32
        %dma_start3A_506 = tpu.memref_slice %arg2[%dma_start3A_505, %add3A_504] : memref<2x320000xi32, #tpu.memory_space<hbm>> -> memref<2x80xi32, #tpu.memory_space<hbm>>
        %dma_start3A_507 = arith.constant 0 : i32
        %dma_start3A_508 = tpu.memref_slice %arg2[%dma_start3A_507, %add3A_504] : memref<2x320000xi32, #tpu.memory_space<hbm>> -> memref<2x80xi32, #tpu.memory_space<hbm>>
        tpu.enqueue_dma source(%dma_start3A_508 : memref<2x80xi32, #tpu.memory_space<hbm>>) target(%arg20 : memref<2x80xi32, #tpu.memory_space<vmem>>) target_semaphore(%arg37 : memref<!tpu.dma_semaphore, #tpu.memory_space<semaphore_mem>>)
      } else {
      }
      %add3A_231 = arith.constant 1 : i32
      %add3A_232 = arith.addi %mul3A_220, %add3A_231 : i32
      %lt3A_233 = arith.constant 125 : i32
      %lt3A_234 = arith.cmpi slt, %add3A_232, %lt3A_233 : i32
      %convert_element_type3A_235 = arith.extui %lt3A_234 : i1 to i32
      %cond3A_236 = arith.constant 0 : i32
      %cond3A_237 = arith.cmpi ne, %convert_element_type3A_235, %cond3A_236 : i32
      scf.if %cond3A_237 {
        %dma_wait3A_498 = arith.constant 0 : i32
        %dma_wait3A_499 = arith.constant 0 : i32
        %dma_wait3A_500 = tpu.memref_slice %arg2[%dma_wait3A_498, %dma_wait3A_499] : memref<2x320000xi32, #tpu.memory_space<hbm>> -> memref<2x80xi32, #tpu.memory_space<hbm>>
        %dma_wait3A_501 = arith.constant 0 : i32
        %dma_wait3A_502 = arith.constant 0 : i32
        %dma_wait3A_503 = tpu.memref_slice %arg2[%dma_wait3A_501, %dma_wait3A_502] : memref<2x320000xi32, #tpu.memory_space<hbm>> -> memref<2x80xi32, #tpu.memory_space<hbm>>
        tpu.wait_dma2 semaphore(%arg35 : memref<!tpu.dma_semaphore, #tpu.memory_space<semaphore_mem>>) src(%dma_wait3A_503 : memref<2x80xi32, #tpu.memory_space<hbm>>) dst(%arg18 : memref<2x80xi32, #tpu.memory_space<vmem>>)
        %dma_start3A_504 = arith.constant 0 : i32
        %dma_start3A_505 = arith.constant 0 : i32
        %dma_start3A_506 = tpu.memref_slice %arg18[%dma_start3A_504, %dma_start3A_505] : memref<2x80xi32, #tpu.memory_space<vmem>> -> memref<1x80xi32, #tpu.memory_space<vmem>>
        %dma_start3A_507 = tpu.memref_squeeze %dma_start3A_506 : memref<1x80xi32, #tpu.memory_space<vmem>> -> memref<80xi32, #tpu.memory_space<vmem>>
        %dma_start3A_508 = arith.constant 0 : i32
        %dma_start3A_509 = arith.constant 0 : i32
        %dma_start3A_510 = tpu.memref_slice %arg3[%dma_start3A_508, %dma_start3A_509] : memref<10000x128xf32, #tpu.memory_space<hbm>> -> memref<10000x128xf32, #tpu.memory_space<hbm>>
        tpu.enqueue_indirect_dma source(%dma_start3A_510 : memref<10000x128xf32, #tpu.memory_space<hbm>>) target(%arg16 : memref<80x128xf32, #tpu.memory_space<vmem>>) offsets(%dma_start3A_507 : memref<80xi32, #tpu.memory_space<vmem>>) semaphore(%arg27 : memref<!tpu.dma_semaphore, #tpu.memory_space<semaphore_mem>>)
        %dma_start3A_511 = arith.constant 0 : i32
        %dma_start3A_512 = arith.constant 0 : i32
        %dma_start3A_513 = tpu.memref_slice %arg18[%dma_start3A_511, %dma_start3A_512] : memref<2x80xi32, #tpu.memory_space<vmem>> -> memref<1x80xi32, #tpu.memory_space<vmem>>
        %dma_start3A_514 = tpu.memref_squeeze %dma_start3A_513 : memref<1x80xi32, #tpu.memory_space<vmem>> -> memref<80xi32, #tpu.memory_space<vmem>>
        %dma_start3A_515 = arith.constant 0 : i32
        %dma_start3A_516 = arith.constant 0 : i32
        %dma_start3A_517 = tpu.memref_slice %arg4[%dma_start3A_515, %dma_start3A_516] : memref<10000x16xf32, #tpu.memory_space<hbm>> -> memref<10000x16xf32, #tpu.memory_space<hbm>>
        tpu.enqueue_indirect_dma source(%dma_start3A_517 : memref<10000x16xf32, #tpu.memory_space<hbm>>) target(%arg13 : memref<80x16xf32, #tpu.memory_space<vmem>>) offsets(%dma_start3A_514 : memref<80xi32, #tpu.memory_space<vmem>>) semaphore(%arg28 : memref<!tpu.dma_semaphore, #tpu.memory_space<semaphore_mem>>)
        %dma_start3A_518 = arith.constant 1 : i32
        %dma_start3A_519 = arith.constant 0 : i32
        %dma_start3A_520 = tpu.memref_slice %arg18[%dma_start3A_518, %dma_start3A_519] : memref<2x80xi32, #tpu.memory_space<vmem>> -> memref<1x80xi32, #tpu.memory_space<vmem>>
        %dma_start3A_521 = tpu.memref_squeeze %dma_start3A_520 : memref<1x80xi32, #tpu.memory_space<vmem>> -> memref<80xi32, #tpu.memory_space<vmem>>
        %dma_start3A_522 = arith.constant 0 : i32
        %dma_start3A_523 = arith.constant 0 : i32
        %dma_start3A_524 = tpu.memref_slice %arg5[%dma_start3A_522, %dma_start3A_523] : memref<10000x16xf32, #tpu.memory_space<hbm>> -> memref<10000x16xf32, #tpu.memory_space<hbm>>
        tpu.enqueue_indirect_dma source(%dma_start3A_524 : memref<10000x16xf32, #tpu.memory_space<hbm>>) target(%arg14 : memref<80x16xf32, #tpu.memory_space<vmem>>) offsets(%dma_start3A_521 : memref<80xi32, #tpu.memory_space<vmem>>) semaphore(%arg29 : memref<!tpu.dma_semaphore, #tpu.memory_space<semaphore_mem>>)
      } else {
      }
      %dma_wait3A_238 = arith.constant 0 : i32
      %dma_wait3A_239 = arith.constant 0 : i32
      %dma_wait3A_240 = tpu.memref_slice %arg17[%dma_wait3A_238, %dma_wait3A_239] : memref<2x80xi32, #tpu.memory_space<vmem>> -> memref<1x80xi32, #tpu.memory_space<vmem>>
      %dma_wait3A_241 = tpu.memref_squeeze %dma_wait3A_240 : memref<1x80xi32, #tpu.memory_space<vmem>> -> memref<80xi32, #tpu.memory_space<vmem>>
      %dma_wait3A_242 = arith.constant 0 : i32
      %dma_wait3A_243 = arith.constant 0 : i32
      %dma_wait3A_244 = tpu.memref_slice %arg3[%dma_wait3A_242, %dma_wait3A_243] : memref<10000x128xf32, #tpu.memory_space<hbm>> -> memref<10000x128xf32, #tpu.memory_space<hbm>>
      tpu.wait_indirect_dma semaphore(%arg24 : memref<!tpu.dma_semaphore, #tpu.memory_space<semaphore_mem>>) src(%dma_wait3A_244 : memref<10000x128xf32, #tpu.memory_space<hbm>>) dst(%arg12 : memref<80x128xf32, #tpu.memory_space<vmem>>)
      %dma_wait3A_245 = arith.constant 0 : i32
      %dma_wait3A_246 = arith.constant 0 : i32
      %dma_wait3A_247 = tpu.memref_slice %arg17[%dma_wait3A_245, %dma_wait3A_246] : memref<2x80xi32, #tpu.memory_space<vmem>> -> memref<1x80xi32, #tpu.memory_space<vmem>>
      %dma_wait3A_248 = tpu.memref_squeeze %dma_wait3A_247 : memref<1x80xi32, #tpu.memory_space<vmem>> -> memref<80xi32, #tpu.memory_space<vmem>>
      %dma_wait3A_249 = arith.constant 0 : i32
      %dma_wait3A_250 = arith.constant 0 : i32
      %dma_wait3A_251 = tpu.memref_slice %arg4[%dma_wait3A_249, %dma_wait3A_250] : memref<10000x16xf32, #tpu.memory_space<hbm>> -> memref<10000x16xf32, #tpu.memory_space<hbm>>
      tpu.wait_indirect_dma semaphore(%arg25 : memref<!tpu.dma_semaphore, #tpu.memory_space<semaphore_mem>>) src(%dma_wait3A_251 : memref<10000x16xf32, #tpu.memory_space<hbm>>) dst(%arg9 : memref<80x16xf32, #tpu.memory_space<vmem>>)
      %dma_wait3A_252 = arith.constant 1 : i32
      %dma_wait3A_253 = arith.constant 0 : i32
      %dma_wait3A_254 = tpu.memref_slice %arg17[%dma_wait3A_252, %dma_wait3A_253] : memref<2x80xi32, #tpu.memory_space<vmem>> -> memref<1x80xi32, #tpu.memory_space<vmem>>
      %dma_wait3A_255 = tpu.memref_squeeze %dma_wait3A_254 : memref<1x80xi32, #tpu.memory_space<vmem>> -> memref<80xi32, #tpu.memory_space<vmem>>
      %dma_wait3A_256 = arith.constant 0 : i32
      %dma_wait3A_257 = arith.constant 0 : i32
      %dma_wait3A_258 = tpu.memref_slice %arg5[%dma_wait3A_256, %dma_wait3A_257] : memref<10000x16xf32, #tpu.memory_space<hbm>> -> memref<10000x16xf32, #tpu.memory_space<hbm>>
      tpu.wait_indirect_dma semaphore(%arg26 : memref<!tpu.dma_semaphore, #tpu.memory_space<semaphore_mem>>) src(%dma_wait3A_258 : memref<10000x16xf32, #tpu.memory_space<hbm>>) dst(%arg10 : memref<80x16xf32, #tpu.memory_space<vmem>>)
      %scan3A_259 = arith.constant 0 : i32
      %scan3A_260 = arith.constant 0 : i32
      %scan3A_261 = arith.constant 80 : i32
      %scan3A_262 = arith.addi %scan3A_260, %scan3A_261 : i32
      %scan3A_263 = arith.constant 1 : i32
      %scan3A_264 = scf.for %scan3A_498 = %scan3A_260 to %scan3A_262 step %scan3A_263 iter_args(%scan3A_499 = %scan3A_259) -> (i32)  : i32 {
        %get3A_500 = arith.index_cast %scan3A_498 : i32 to index
        %get3A_501 = arith.constant 0 : index
        %get3A_502 = tpu.vector_load %arg9[%get3A_500, %get3A_501] {strides = array<i32>} : memref<80x16xf32, #tpu.memory_space<vmem>>, vector<1x16xf32>,
        %get3A_503 = vector.shape_cast %get3A_502 : vector<1x16xf32> to vector<16xf32>
        %get3A_504 = arith.index_cast %scan3A_498 : i32 to index
        %get3A_505 = arith.constant 0 : index
        %get3A_506 = tpu.vector_load %arg10[%get3A_504, %get3A_505] {strides = array<i32>} : memref<80x16xf32, #tpu.memory_space<vmem>>, vector<1x16xf32>,
        %get3A_507 = vector.shape_cast %get3A_506 : vector<1x16xf32> to vector<16xf32>
        %add3A_508 = arith.addf %get3A_503, %get3A_507 : vector<16xf32>
        %lt3A_509 = arith.constant 0.000000e+00 : f32
        %lt3A_510 = vector.broadcast %lt3A_509 : f32 to vector<16xf32>
        %lt3A_511 = arith.cmpf olt, %add3A_508, %lt3A_510 : vector<16xf32>
        %mul3A_512 = arith.constant 2.000000e-01 : f32
        %mul3A_513 = vector.broadcast %mul3A_512 : f32 to vector<16xf32>
        %mul3A_514 = arith.mulf %add3A_508, %mul3A_513 : vector<16xf32>
        %select_n3A = arith.select %lt3A_511, %mul3A_514, %add3A_508 : vector<16xi1>, vector<16xf32>
        %sub3A = arith.subf %select_n3A, %get3A_75 : vector<16xf32>
        %exp3A = math.exp %sub3A : vector<16xf32>
        %swap3A = arith.index_cast %scan3A_498 : i32 to index
        %swap3A_515 = arith.constant 0 : index
        %swap3A_516 = tpu.vector_load %arg11[%swap3A, %swap3A_515] {strides = array<i32>} : memref<80x16xf32, #tpu.memory_space<vmem>>, vector<1x16xf32>,
        %swap3A_517 = vector.shape_cast %swap3A_516 : vector<1x16xf32> to vector<16xf32>
        %swap3A_518 = vector.shape_cast %exp3A : vector<16xf32> to vector<1x16xf32>
        tpu.vector_store %arg11[%swap3A, %swap3A_515], %swap3A_518 {strides = array<i32>} : memref<80x16xf32, #tpu.memory_space<vmem>>, vector<1x16xf32>,
        %scan3A_519 = arith.constant 0 : i32
        scf.yield %scan3A_519 : i32
      }
      %scan3A_265 = arith.constant 80 : i32
      %scan3A_266 = arith.constant 0 : i32
      %scan3A_267 = arith.constant 0 : i32
      %scan3A_268 = arith.constant 80 : i32
      %scan3A_269 = arith.addi %scan3A_267, %scan3A_268 : i32
      %scan3A_270 = arith.constant 1 : i32
      %scan3A_271 = scf.for %scan3A_498 = %scan3A_267 to %scan3A_269 step %scan3A_270 iter_args(%scan3A_499 = %scan3A_266) -> (i32)  : i32 {
        %get3A_500 = arith.index_cast %scan3A_498 : i32 to index
        %get3A_501 = arith.constant 0 : index
        %get3A_502 = tpu.vector_load %arg11[%get3A_500, %get3A_501] {strides = array<i32>} : memref<80x16xf32, #tpu.memory_space<vmem>>, vector<1x16xf32>,
        %get3A_503 = vector.shape_cast %get3A_502 : vector<1x16xf32> to vector<16xf32>
        %slice3A = vector.extract_strided_slice %get3A_503 {offsets = [0], sizes = [1], strides = [1]} : vector<16xf32> to vector<1xf32>
        %squeeze3A = vector.extract %slice3A[0] : f32 from vector<1xf32>
        %broadcast_in_dim3A_504 = vector.broadcast %squeeze3A : f32 to vector<16xf32>
        %get3A_505 = arith.index_cast %scan3A_498 : i32 to index
        %get3A_506 = arith.constant 0 : index
        %get3A_507 = tpu.vector_load %arg12[%get3A_505, %get3A_506] {strides = array<i32>} : memref<80x128xf32, #tpu.memory_space<vmem>>, vector<1x16xf32>,
        %get3A_508 = vector.shape_cast %get3A_507 : vector<1x16xf32> to vector<16xf32>
        %mul3A_509 = arith.mulf %get3A_508, %broadcast_in_dim3A_504 : vector<16xf32>
        %swap3A = arith.index_cast %scan3A_498 : i32 to index
        %swap3A_510 = arith.constant 0 : index
        %swap3A_511 = tpu.vector_load %arg12[%swap3A, %swap3A_510] {strides = array<i32>} : memref<80x128xf32, #tpu.memory_space<vmem>>, vector<1x16xf32>,
        %swap3A_512 = vector.shape_cast %swap3A_511 : vector<1x16xf32> to vector<16xf32>
        %swap3A_513 = vector.shape_cast %mul3A_509 : vector<16xf32> to vector<1x16xf32>
        tpu.vector_store %arg12[%swap3A, %swap3A_510], %swap3A_513 {strides = array<i32>} : memref<80x128xf32, #tpu.memory_space<vmem>>, vector<1x16xf32>,
        %slice3A_514 = vector.extract_strided_slice %get3A_503 {offsets = [1], sizes = [1], strides = [1]} : vector<16xf32> to vector<1xf32>
        %squeeze3A_515 = vector.extract %slice3A_514[0] : f32 from vector<1xf32>
        %broadcast_in_dim3A_516 = vector.broadcast %squeeze3A_515 : f32 to vector<16xf32>
        %get3A_517 = arith.index_cast %scan3A_498 : i32 to index
        %get3A_518 = arith.constant 16 : index
        %get3A_519 = tpu.vector_load %arg12[%get3A_517, %get3A_518] {strides = array<i32>} : memref<80x128xf32, #tpu.memory_space<vmem>>, vector<1x16xf32>,
        %get3A_520 = vector.shape_cast %get3A_519 : vector<1x16xf32> to vector<16xf32>
        %mul3A_521 = arith.mulf %get3A_520, %broadcast_in_dim3A_516 : vector<16xf32>
        %swap3A_522 = arith.index_cast %scan3A_498 : i32 to index
        %swap3A_523 = arith.constant 16 : index
        %swap3A_524 = tpu.vector_load %arg12[%swap3A_522, %swap3A_523] {strides = array<i32>} : memref<80x128xf32, #tpu.memory_space<vmem>>, vector<1x16xf32>,
        %swap3A_525 = vector.shape_cast %swap3A_524 : vector<1x16xf32> to vector<16xf32>
        %swap3A_526 = vector.shape_cast %mul3A_521 : vector<16xf32> to vector<1x16xf32>
        tpu.vector_store %arg12[%swap3A_522, %swap3A_523], %swap3A_526 {strides = array<i32>} : memref<80x128xf32, #tpu.memory_space<vmem>>, vector<1x16xf32>,
        %slice3A_527 = vector.extract_strided_slice %get3A_503 {offsets = [2], sizes = [1], strides = [1]} : vector<16xf32> to vector<1xf32>
        %squeeze3A_528 = vector.extract %slice3A_527[0] : f32 from vector<1xf32>
        %broadcast_in_dim3A_529 = vector.broadcast %squeeze3A_528 : f32 to vector<16xf32>
        %get3A_530 = arith.index_cast %scan3A_498 : i32 to index
        %get3A_531 = arith.constant 32 : index
        %get3A_532 = tpu.vector_load %arg12[%get3A_530, %get3A_531] {strides = array<i32>} : memref<80x128xf32, #tpu.memory_space<vmem>>, vector<1x16xf32>,
        %get3A_533 = vector.shape_cast %get3A_532 : vector<1x16xf32> to vector<16xf32>
        %mul3A_534 = arith.mulf %get3A_533, %broadcast_in_dim3A_529 : vector<16xf32>
        %swap3A_535 = arith.index_cast %scan3A_498 : i32 to index
        %swap3A_536 = arith.constant 32 : index
        %swap3A_537 = tpu.vector_load %arg12[%swap3A_535, %swap3A_536] {strides = array<i32>} : memref<80x128xf32, #tpu.memory_space<vmem>>, vector<1x16xf32>,
        %swap3A_538 = vector.shape_cast %swap3A_537 : vector<1x16xf32> to vector<16xf32>
        %swap3A_539 = vector.shape_cast %mul3A_534 : vector<16xf32> to vector<1x16xf32>
        tpu.vector_store %arg12[%swap3A_535, %swap3A_536], %swap3A_539 {strides = array<i32>} : memref<80x128xf32, #tpu.memory_space<vmem>>, vector<1x16xf32>,
        %slice3A_540 = vector.extract_strided_slice %get3A_503 {offsets = [3], sizes = [1], strides = [1]} : vector<16xf32> to vector<1xf32>
        %squeeze3A_541 = vector.extract %slice3A_540[0] : f32 from vector<1xf32>
        %broadcast_in_dim3A_542 = vector.broadcast %squeeze3A_541 : f32 to vector<16xf32>
        %get3A_543 = arith.index_cast %scan3A_498 : i32 to index
        %get3A_544 = arith.constant 48 : index
        %get3A_545 = tpu.vector_load %arg12[%get3A_543, %get3A_544] {strides = array<i32>} : memref<80x128xf32, #tpu.memory_space<vmem>>, vector<1x16xf32>,
        %get3A_546 = vector.shape_cast %get3A_545 : vector<1x16xf32> to vector<16xf32>
        %mul3A_547 = arith.mulf %get3A_546, %broadcast_in_dim3A_542 : vector<16xf32>
        %swap3A_548 = arith.index_cast %scan3A_498 : i32 to index
        %swap3A_549 = arith.constant 48 : index
        %swap3A_550 = tpu.vector_load %arg12[%swap3A_548, %swap3A_549] {strides = array<i32>} : memref<80x128xf32, #tpu.memory_space<vmem>>, vector<1x16xf32>,
        %swap3A_551 = vector.shape_cast %swap3A_550 : vector<1x16xf32> to vector<16xf32>
        %swap3A_552 = vector.shape_cast %mul3A_547 : vector<16xf32> to vector<1x16xf32>
        tpu.vector_store %arg12[%swap3A_548, %swap3A_549], %swap3A_552 {strides = array<i32>} : memref<80x128xf32, #tpu.memory_space<vmem>>, vector<1x16xf32>,
        %slice3A_553 = vector.extract_strided_slice %get3A_503 {offsets = [4], sizes = [1], strides = [1]} : vector<16xf32> to vector<1xf32>
        %squeeze3A_554 = vector.extract %slice3A_553[0] : f32 from vector<1xf32>
        %broadcast_in_dim3A_555 = vector.broadcast %squeeze3A_554 : f32 to vector<16xf32>
        %get3A_556 = arith.index_cast %scan3A_498 : i32 to index
        %get3A_557 = arith.constant 64 : index
        %get3A_558 = tpu.vector_load %arg12[%get3A_556, %get3A_557] {strides = array<i32>} : memref<80x128xf32, #tpu.memory_space<vmem>>, vector<1x16xf32>,
        %get3A_559 = vector.shape_cast %get3A_558 : vector<1x16xf32> to vector<16xf32>
        %mul3A_560 = arith.mulf %get3A_559, %broadcast_in_dim3A_555 : vector<16xf32>
        %swap3A_561 = arith.index_cast %scan3A_498 : i32 to index
        %swap3A_562 = arith.constant 64 : index
        %swap3A_563 = tpu.vector_load %arg12[%swap3A_561, %swap3A_562] {strides = array<i32>} : memref<80x128xf32, #tpu.memory_space<vmem>>, vector<1x16xf32>,
        %swap3A_564 = vector.shape_cast %swap3A_563 : vector<1x16xf32> to vector<16xf32>
        %swap3A_565 = vector.shape_cast %mul3A_560 : vector<16xf32> to vector<1x16xf32>
        tpu.vector_store %arg12[%swap3A_561, %swap3A_562], %swap3A_565 {strides = array<i32>} : memref<80x128xf32, #tpu.memory_space<vmem>>, vector<1x16xf32>,
        %slice3A_566 = vector.extract_strided_slice %get3A_503 {offsets = [5], sizes = [1], strides = [1]} : vector<16xf32> to vector<1xf32>
        %squeeze3A_567 = vector.extract %slice3A_566[0] : f32 from vector<1xf32>
        %broadcast_in_dim3A_568 = vector.broadcast %squeeze3A_567 : f32 to vector<16xf32>
        %get3A_569 = arith.index_cast %scan3A_498 : i32 to index
        %get3A_570 = arith.constant 80 : index
        %get3A_571 = tpu.vector_load %arg12[%get3A_569, %get3A_570] {strides = array<i32>} : memref<80x128xf32, #tpu.memory_space<vmem>>, vector<1x16xf32>,
        %get3A_572 = vector.shape_cast %get3A_571 : vector<1x16xf32> to vector<16xf32>
        %mul3A_573 = arith.mulf %get3A_572, %broadcast_in_dim3A_568 : vector<16xf32>
        %swap3A_574 = arith.index_cast %scan3A_498 : i32 to index
        %swap3A_575 = arith.constant 80 : index
        %swap3A_576 = tpu.vector_load %arg12[%swap3A_574, %swap3A_575] {strides = array<i32>} : memref<80x128xf32, #tpu.memory_space<vmem>>, vector<1x16xf32>,
        %swap3A_577 = vector.shape_cast %swap3A_576 : vector<1x16xf32> to vector<16xf32>
        %swap3A_578 = vector.shape_cast %mul3A_573 : vector<16xf32> to vector<1x16xf32>
        tpu.vector_store %arg12[%swap3A_574, %swap3A_575], %swap3A_578 {strides = array<i32>} : memref<80x128xf32, #tpu.memory_space<vmem>>, vector<1x16xf32>,
        %slice3A_579 = vector.extract_strided_slice %get3A_503 {offsets = [6], sizes = [1], strides = [1]} : vector<16xf32> to vector<1xf32>
        %squeeze3A_580 = vector.extract %slice3A_579[0] : f32 from vector<1xf32>
        %broadcast_in_dim3A_581 = vector.broadcast %squeeze3A_580 : f32 to vector<16xf32>
        %get3A_582 = arith.index_cast %scan3A_498 : i32 to index
        %get3A_583 = arith.constant 96 : index
        %get3A_584 = tpu.vector_load %arg12[%get3A_582, %get3A_583] {strides = array<i32>} : memref<80x128xf32, #tpu.memory_space<vmem>>, vector<1x16xf32>,
        %get3A_585 = vector.shape_cast %get3A_584 : vector<1x16xf32> to vector<16xf32>
        %mul3A_586 = arith.mulf %get3A_585, %broadcast_in_dim3A_581 : vector<16xf32>
        %swap3A_587 = arith.index_cast %scan3A_498 : i32 to index
        %swap3A_588 = arith.constant 96 : index
        %swap3A_589 = tpu.vector_load %arg12[%swap3A_587, %swap3A_588] {strides = array<i32>} : memref<80x128xf32, #tpu.memory_space<vmem>>, vector<1x16xf32>,
        %swap3A_590 = vector.shape_cast %swap3A_589 : vector<1x16xf32> to vector<16xf32>
        %swap3A_591 = vector.shape_cast %mul3A_586 : vector<16xf32> to vector<1x16xf32>
        tpu.vector_store %arg12[%swap3A_587, %swap3A_588], %swap3A_591 {strides = array<i32>} : memref<80x128xf32, #tpu.memory_space<vmem>>, vector<1x16xf32>,
        %slice3A_592 = vector.extract_strided_slice %get3A_503 {offsets = [7], sizes = [1], strides = [1]} : vector<16xf32> to vector<1xf32>
        %squeeze3A_593 = vector.extract %slice3A_592[0] : f32 from vector<1xf32>
        %broadcast_in_dim3A_594 = vector.broadcast %squeeze3A_593 : f32 to vector<16xf32>
        %get3A_595 = arith.index_cast %scan3A_498 : i32 to index
        %get3A_596 = arith.constant 112 : index
        %get3A_597 = tpu.vector_load %arg12[%get3A_595, %get3A_596] {strides = array<i32>} : memref<80x128xf32, #tpu.memory_space<vmem>>, vector<1x16xf32>,
        %get3A_598 = vector.shape_cast %get3A_597 : vector<1x16xf32> to vector<16xf32>
        %mul3A_599 = arith.mulf %get3A_598, %broadcast_in_dim3A_594 : vector<16xf32>
        %swap3A_600 = arith.index_cast %scan3A_498 : i32 to index
        %swap3A_601 = arith.constant 112 : index
        %swap3A_602 = tpu.vector_load %arg12[%swap3A_600, %swap3A_601] {strides = array<i32>} : memref<80x128xf32, #tpu.memory_space<vmem>>, vector<1x16xf32>,
        %swap3A_603 = vector.shape_cast %swap3A_602 : vector<1x16xf32> to vector<16xf32>
        %swap3A_604 = vector.shape_cast %mul3A_599 : vector<16xf32> to vector<1x16xf32>
        tpu.vector_store %arg12[%swap3A_600, %swap3A_601], %swap3A_604 {strides = array<i32>} : memref<80x128xf32, #tpu.memory_space<vmem>>, vector<1x16xf32>,
        %scan3A_605 = arith.constant 0 : i32
        scf.yield %scan3A_605 : i32
      }
      %scan3A_272 = arith.constant 80 : i32
      %dma_start3A_273 = arith.constant 1 : i32
      %dma_start3A_274 = arith.constant 0 : i32
      %dma_start3A_275 = tpu.memref_slice %arg17[%dma_start3A_273, %dma_start3A_274] : memref<2x80xi32, #tpu.memory_space<vmem>> -> memref<1x80xi32, #tpu.memory_space<vmem>>
      %dma_start3A_276 = tpu.memref_squeeze %dma_start3A_275 : memref<1x80xi32, #tpu.memory_space<vmem>> -> memref<80xi32, #tpu.memory_space<vmem>>
      %dma_start3A_277 = arith.constant 0 : i32
      %dma_start3A_278 = arith.constant 0 : i32
      %dma_start3A_279 = tpu.memref_slice %arg23[%dma_start3A_277, %dma_start3A_278] : memref<10000x16xf32, #tpu.memory_space<vmem_shared>> -> memref<10000x16xf32, #tpu.memory_space<vmem_shared>>
      tpu.enqueue_indirect_dma source(%arg11 : memref<80x16xf32, #tpu.memory_space<vmem>>) target(%dma_start3A_279 : memref<10000x16xf32, #tpu.memory_space<vmem_shared>>) offsets(%dma_start3A_276 : memref<80xi32, #tpu.memory_space<vmem>>) semaphore(%arg30 : memref<!tpu.dma_semaphore, #tpu.memory_space<semaphore_mem>>) {add = true}
      %dma_start3A_280 = arith.constant 1 : i32
      %dma_start3A_281 = arith.constant 0 : i32
      %dma_start3A_282 = tpu.memref_slice %arg17[%dma_start3A_280, %dma_start3A_281] : memref<2x80xi32, #tpu.memory_space<vmem>> -> memref<1x80xi32, #tpu.memory_space<vmem>>
      %dma_start3A_283 = tpu.memref_squeeze %dma_start3A_282 : memref<1x80xi32, #tpu.memory_space<vmem>> -> memref<80xi32, #tpu.memory_space<vmem>>
      %dma_start3A_284 = arith.constant 0 : i32
      %dma_start3A_285 = arith.constant 0 : i32
      %dma_start3A_286 = tpu.memref_slice %arg22[%dma_start3A_284, %dma_start3A_285] : memref<10000x128xf32, #tpu.memory_space<vmem_shared>> -> memref<10000x128xf32, #tpu.memory_space<vmem_shared>>
      tpu.enqueue_indirect_dma source(%arg12 : memref<80x128xf32, #tpu.memory_space<vmem>>) target(%dma_start3A_286 : memref<10000x128xf32, #tpu.memory_space<vmem_shared>>) offsets(%dma_start3A_283 : memref<80xi32, #tpu.memory_space<vmem>>) semaphore(%arg31 : memref<!tpu.dma_semaphore, #tpu.memory_space<semaphore_mem>>) {add = true}
      %add3A_287 = arith.constant 1 : i32
      %add3A_288 = arith.addi %mul3A_220, %add3A_287 : i32
      %gt3A_289 = arith.constant 0 : i32
      %gt3A_290 = arith.cmpi sgt, %add3A_288, %gt3A_289 : i32
      %convert_element_type3A_291 = arith.extui %gt3A_290 : i1 to i32
      %cond3A_292 = arith.constant 0 : i32
      %cond3A_293 = arith.cmpi ne, %convert_element_type3A_291, %cond3A_292 : i32
      scf.if %cond3A_293 {
        %dma_wait3A_498 = arith.constant 1 : i32
        %dma_wait3A_499 = arith.constant 0 : i32
        %dma_wait3A_500 = tpu.memref_slice %arg17[%dma_wait3A_498, %dma_wait3A_499] : memref<2x80xi32, #tpu.memory_space<vmem>> -> memref<1x80xi32, #tpu.memory_space<vmem>>
        %dma_wait3A_501 = tpu.memref_squeeze %dma_wait3A_500 : memref<1x80xi32, #tpu.memory_space<vmem>> -> memref<80xi32, #tpu.memory_space<vmem>>
        %dma_wait3A_502 = arith.constant 0 : i32
        %dma_wait3A_503 = arith.constant 0 : i32
        %dma_wait3A_504 = tpu.memref_slice %arg23[%dma_wait3A_502, %dma_wait3A_503] : memref<10000x16xf32, #tpu.memory_space<vmem_shared>> -> memref<10000x16xf32, #tpu.memory_space<vmem_shared>>
        tpu.wait_indirect_dma semaphore(%arg30 : memref<!tpu.dma_semaphore, #tpu.memory_space<semaphore_mem>>) src(%arg11 : memref<80x16xf32, #tpu.memory_space<vmem>>) dst(%dma_wait3A_504 : memref<10000x16xf32, #tpu.memory_space<vmem_shared>>)
        %dma_wait3A_505 = arith.constant 1 : i32
        %dma_wait3A_506 = arith.constant 0 : i32
        %dma_wait3A_507 = tpu.memref_slice %arg17[%dma_wait3A_505, %dma_wait3A_506] : memref<2x80xi32, #tpu.memory_space<vmem>> -> memref<1x80xi32, #tpu.memory_space<vmem>>
        %dma_wait3A_508 = tpu.memref_squeeze %dma_wait3A_507 : memref<1x80xi32, #tpu.memory_space<vmem>> -> memref<80xi32, #tpu.memory_space<vmem>>
        %dma_wait3A_509 = arith.constant 0 : i32
        %dma_wait3A_510 = arith.constant 0 : i32
        %dma_wait3A_511 = tpu.memref_slice %arg22[%dma_wait3A_509, %dma_wait3A_510] : memref<10000x128xf32, #tpu.memory_space<vmem_shared>> -> memref<10000x128xf32, #tpu.memory_space<vmem_shared>>
        tpu.wait_indirect_dma semaphore(%arg31 : memref<!tpu.dma_semaphore, #tpu.memory_space<semaphore_mem>>) src(%arg12 : memref<80x128xf32, #tpu.memory_space<vmem>>) dst(%dma_wait3A_511 : memref<10000x128xf32, #tpu.memory_space<vmem_shared>>)
      } else {
      }
      %add3A_294 = arith.constant 3 : i32
      %add3A_295 = arith.addi %add3A_288, %add3A_294 : i32
      %lt3A_296 = arith.constant 125 : i32
      %lt3A_297 = arith.cmpi slt, %add3A_295, %lt3A_296 : i32
      %convert_element_type3A_298 = arith.extui %lt3A_297 : i1 to i32
      %cond3A_299 = arith.constant 0 : i32
      %cond3A_300 = arith.cmpi ne, %convert_element_type3A_298, %cond3A_299 : i32
      scf.if %cond3A_300 {
        %add3A_498 = arith.constant 3 : i32
        %add3A_499 = arith.addi %add3A_288, %add3A_498 : i32
        %mul3A_500 = arith.constant 10000 : i32
        %mul3A_501 = arith.muli %add3A, %mul3A_500 : i32
        %mul3A_502 = arith.constant 80 : i32
        %mul3A_503 = arith.muli %add3A_499, %mul3A_502 : i32
        %add3A_504 = arith.addi %mul3A_501, %mul3A_503 : i32
        %dma_start3A_505 = arith.constant 0 : i32
        %dma_start3A_506 = tpu.memref_slice %arg2[%dma_start3A_505, %add3A_504] : memref<2x320000xi32, #tpu.memory_space<hbm>> -> memref<2x80xi32, #tpu.memory_space<hbm>>
        %dma_start3A_507 = arith.constant 0 : i32
        %dma_start3A_508 = tpu.memref_slice %arg2[%dma_start3A_507, %add3A_504] : memref<2x320000xi32, #tpu.memory_space<hbm>> -> memref<2x80xi32, #tpu.memory_space<hbm>>
        tpu.enqueue_dma source(%dma_start3A_508 : memref<2x80xi32, #tpu.memory_space<hbm>>) target(%arg17 : memref<2x80xi32, #tpu.memory_space<vmem>>) target_semaphore(%arg34 : memref<!tpu.dma_semaphore, #tpu.memory_space<semaphore_mem>>)
      } else {
      }
      %add3A_301 = arith.constant 1 : i32
      %add3A_302 = arith.addi %add3A_288, %add3A_301 : i32
      %lt3A_303 = arith.constant 125 : i32
      %lt3A_304 = arith.cmpi slt, %add3A_302, %lt3A_303 : i32
      %convert_element_type3A_305 = arith.extui %lt3A_304 : i1 to i32
      %cond3A_306 = arith.constant 0 : i32
      %cond3A_307 = arith.cmpi ne, %convert_element_type3A_305, %cond3A_306 : i32
      scf.if %cond3A_307 {
        %dma_wait3A_498 = arith.constant 0 : i32
        %dma_wait3A_499 = arith.constant 0 : i32
        %dma_wait3A_500 = tpu.memref_slice %arg2[%dma_wait3A_498, %dma_wait3A_499] : memref<2x320000xi32, #tpu.memory_space<hbm>> -> memref<2x80xi32, #tpu.memory_space<hbm>>
        %dma_wait3A_501 = arith.constant 0 : i32
        %dma_wait3A_502 = arith.constant 0 : i32
        %dma_wait3A_503 = tpu.memref_slice %arg2[%dma_wait3A_501, %dma_wait3A_502] : memref<2x320000xi32, #tpu.memory_space<hbm>> -> memref<2x80xi32, #tpu.memory_space<hbm>>
        tpu.wait_dma2 semaphore(%arg36 : memref<!tpu.dma_semaphore, #tpu.memory_space<semaphore_mem>>) src(%dma_wait3A_503 : memref<2x80xi32, #tpu.memory_space<hbm>>) dst(%arg19 : memref<2x80xi32, #tpu.memory_space<vmem>>)
        %dma_start3A_504 = arith.constant 0 : i32
        %dma_start3A_505 = arith.constant 0 : i32
        %dma_start3A_506 = tpu.memref_slice %arg19[%dma_start3A_504, %dma_start3A_505] : memref<2x80xi32, #tpu.memory_space<vmem>> -> memref<1x80xi32, #tpu.memory_space<vmem>>
        %dma_start3A_507 = tpu.memref_squeeze %dma_start3A_506 : memref<1x80xi32, #tpu.memory_space<vmem>> -> memref<80xi32, #tpu.memory_space<vmem>>
        %dma_start3A_508 = arith.constant 0 : i32
        %dma_start3A_509 = arith.constant 0 : i32
        %dma_start3A_510 = tpu.memref_slice %arg3[%dma_start3A_508, %dma_start3A_509] : memref<10000x128xf32, #tpu.memory_space<hbm>> -> memref<10000x128xf32, #tpu.memory_space<hbm>>
        tpu.enqueue_indirect_dma source(%dma_start3A_510 : memref<10000x128xf32, #tpu.memory_space<hbm>>) target(%arg12 : memref<80x128xf32, #tpu.memory_space<vmem>>) offsets(%dma_start3A_507 : memref<80xi32, #tpu.memory_space<vmem>>) semaphore(%arg24 : memref<!tpu.dma_semaphore, #tpu.memory_space<semaphore_mem>>)
        %dma_start3A_511 = arith.constant 0 : i32
        %dma_start3A_512 = arith.constant 0 : i32
        %dma_start3A_513 = tpu.memref_slice %arg19[%dma_start3A_511, %dma_start3A_512] : memref<2x80xi32, #tpu.memory_space<vmem>> -> memref<1x80xi32, #tpu.memory_space<vmem>>
        %dma_start3A_514 = tpu.memref_squeeze %dma_start3A_513 : memref<1x80xi32, #tpu.memory_space<vmem>> -> memref<80xi32, #tpu.memory_space<vmem>>
        %dma_start3A_515 = arith.constant 0 : i32
        %dma_start3A_516 = arith.constant 0 : i32
        %dma_start3A_517 = tpu.memref_slice %arg4[%dma_start3A_515, %dma_start3A_516] : memref<10000x16xf32, #tpu.memory_space<hbm>> -> memref<10000x16xf32, #tpu.memory_space<hbm>>
        tpu.enqueue_indirect_dma source(%dma_start3A_517 : memref<10000x16xf32, #tpu.memory_space<hbm>>) target(%arg9 : memref<80x16xf32, #tpu.memory_space<vmem>>) offsets(%dma_start3A_514 : memref<80xi32, #tpu.memory_space<vmem>>) semaphore(%arg25 : memref<!tpu.dma_semaphore, #tpu.memory_space<semaphore_mem>>)
        %dma_start3A_518 = arith.constant 1 : i32
        %dma_start3A_519 = arith.constant 0 : i32
        %dma_start3A_520 = tpu.memref_slice %arg19[%dma_start3A_518, %dma_start3A_519] : memref<2x80xi32, #tpu.memory_space<vmem>> -> memref<1x80xi32, #tpu.memory_space<vmem>>
        %dma_start3A_521 = tpu.memref_squeeze %dma_start3A_520 : memref<1x80xi32, #tpu.memory_space<vmem>> -> memref<80xi32, #tpu.memory_space<vmem>>
        %dma_start3A_522 = arith.constant 0 : i32
        %dma_start3A_523 = arith.constant 0 : i32
        %dma_start3A_524 = tpu.memref_slice %arg5[%dma_start3A_522, %dma_start3A_523] : memref<10000x16xf32, #tpu.memory_space<hbm>> -> memref<10000x16xf32, #tpu.memory_space<hbm>>
        tpu.enqueue_indirect_dma source(%dma_start3A_524 : memref<10000x16xf32, #tpu.memory_space<hbm>>) target(%arg10 : memref<80x16xf32, #tpu.memory_space<vmem>>) offsets(%dma_start3A_521 : memref<80xi32, #tpu.memory_space<vmem>>) semaphore(%arg26 : memref<!tpu.dma_semaphore, #tpu.memory_space<semaphore_mem>>)
      } else {
      }
      %dma_wait3A_308 = arith.constant 0 : i32
      %dma_wait3A_309 = arith.constant 0 : i32
      %dma_wait3A_310 = tpu.memref_slice %arg18[%dma_wait3A_308, %dma_wait3A_309] : memref<2x80xi32, #tpu.memory_space<vmem>> -> memref<1x80xi32, #tpu.memory_space<vmem>>
      %dma_wait3A_311 = tpu.memref_squeeze %dma_wait3A_310 : memref<1x80xi32, #tpu.memory_space<vmem>> -> memref<80xi32, #tpu.memory_space<vmem>>
      %dma_wait3A_312 = arith.constant 0 : i32
      %dma_wait3A_313 = arith.constant 0 : i32
      %dma_wait3A_314 = tpu.memref_slice %arg3[%dma_wait3A_312, %dma_wait3A_313] : memref<10000x128xf32, #tpu.memory_space<hbm>> -> memref<10000x128xf32, #tpu.memory_space<hbm>>
      tpu.wait_indirect_dma semaphore(%arg27 : memref<!tpu.dma_semaphore, #tpu.memory_space<semaphore_mem>>) src(%dma_wait3A_314 : memref<10000x128xf32, #tpu.memory_space<hbm>>) dst(%arg16 : memref<80x128xf32, #tpu.memory_space<vmem>>)
      %dma_wait3A_315 = arith.constant 0 : i32
      %dma_wait3A_316 = arith.constant 0 : i32
      %dma_wait3A_317 = tpu.memref_slice %arg18[%dma_wait3A_315, %dma_wait3A_316] : memref<2x80xi32, #tpu.memory_space<vmem>> -> memref<1x80xi32, #tpu.memory_space<vmem>>
      %dma_wait3A_318 = tpu.memref_squeeze %dma_wait3A_317 : memref<1x80xi32, #tpu.memory_space<vmem>> -> memref<80xi32, #tpu.memory_space<vmem>>
      %dma_wait3A_319 = arith.constant 0 : i32
      %dma_wait3A_320 = arith.constant 0 : i32
      %dma_wait3A_321 = tpu.memref_slice %arg4[%dma_wait3A_319, %dma_wait3A_320] : memref<10000x16xf32, #tpu.memory_space<hbm>> -> memref<10000x16xf32, #tpu.memory_space<hbm>>
      tpu.wait_indirect_dma semaphore(%arg28 : memref<!tpu.dma_semaphore, #tpu.memory_space<semaphore_mem>>) src(%dma_wait3A_321 : memref<10000x16xf32, #tpu.memory_space<hbm>>) dst(%arg13 : memref<80x16xf32, #tpu.memory_space<vmem>>)
      %dma_wait3A_322 = arith.constant 1 : i32
      %dma_wait3A_323 = arith.constant 0 : i32
      %dma_wait3A_324 = tpu.memref_slice %arg18[%dma_wait3A_322, %dma_wait3A_323] : memref<2x80xi32, #tpu.memory_space<vmem>> -> memref<1x80xi32, #tpu.memory_space<vmem>>
      %dma_wait3A_325 = tpu.memref_squeeze %dma_wait3A_324 : memref<1x80xi32, #tpu.memory_space<vmem>> -> memref<80xi32, #tpu.memory_space<vmem>>
      %dma_wait3A_326 = arith.constant 0 : i32
      %dma_wait3A_327 = arith.constant 0 : i32
      %dma_wait3A_328 = tpu.memref_slice %arg5[%dma_wait3A_326, %dma_wait3A_327] : memref<10000x16xf32, #tpu.memory_space<hbm>> -> memref<10000x16xf32, #tpu.memory_space<hbm>>
      tpu.wait_indirect_dma semaphore(%arg29 : memref<!tpu.dma_semaphore, #tpu.memory_space<semaphore_mem>>) src(%dma_wait3A_328 : memref<10000x16xf32, #tpu.memory_space<hbm>>) dst(%arg14 : memref<80x16xf32, #tpu.memory_space<vmem>>)
      %scan3A_329 = arith.constant 0 : i32
      %scan3A_330 = arith.constant 0 : i32
      %scan3A_331 = arith.constant 80 : i32
      %scan3A_332 = arith.addi %scan3A_330, %scan3A_331 : i32
      %scan3A_333 = arith.constant 1 : i32
      %scan3A_334 = scf.for %scan3A_498 = %scan3A_330 to %scan3A_332 step %scan3A_333 iter_args(%scan3A_499 = %scan3A_329) -> (i32)  : i32 {
        %get3A_500 = arith.index_cast %scan3A_498 : i32 to index
        %get3A_501 = arith.constant 0 : index
        %get3A_502 = tpu.vector_load %arg13[%get3A_500, %get3A_501] {strides = array<i32>} : memref<80x16xf32, #tpu.memory_space<vmem>>, vector<1x16xf32>,
        %get3A_503 = vector.shape_cast %get3A_502 : vector<1x16xf32> to vector<16xf32>
        %get3A_504 = arith.index_cast %scan3A_498 : i32 to index
        %get3A_505 = arith.constant 0 : index
        %get3A_506 = tpu.vector_load %arg14[%get3A_504, %get3A_505] {strides = array<i32>} : memref<80x16xf32, #tpu.memory_space<vmem>>, vector<1x16xf32>,
        %get3A_507 = vector.shape_cast %get3A_506 : vector<1x16xf32> to vector<16xf32>
        %add3A_508 = arith.addf %get3A_503, %get3A_507 : vector<16xf32>
        %lt3A_509 = arith.constant 0.000000e+00 : f32
        %lt3A_510 = vector.broadcast %lt3A_509 : f32 to vector<16xf32>
        %lt3A_511 = arith.cmpf olt, %add3A_508, %lt3A_510 : vector<16xf32>
        %mul3A_512 = arith.constant 2.000000e-01 : f32
        %mul3A_513 = vector.broadcast %mul3A_512 : f32 to vector<16xf32>
        %mul3A_514 = arith.mulf %add3A_508, %mul3A_513 : vector<16xf32>
        %select_n3A = arith.select %lt3A_511, %mul3A_514, %add3A_508 : vector<16xi1>, vector<16xf32>
        %sub3A = arith.subf %select_n3A, %get3A_75 : vector<16xf32>
        %exp3A = math.exp %sub3A : vector<16xf32>
        %swap3A = arith.index_cast %scan3A_498 : i32 to index
        %swap3A_515 = arith.constant 0 : index
        %swap3A_516 = tpu.vector_load %arg15[%swap3A, %swap3A_515] {strides = array<i32>} : memref<80x16xf32, #tpu.memory_space<vmem>>, vector<1x16xf32>,
        %swap3A_517 = vector.shape_cast %swap3A_516 : vector<1x16xf32> to vector<16xf32>
        %swap3A_518 = vector.shape_cast %exp3A : vector<16xf32> to vector<1x16xf32>
        tpu.vector_store %arg15[%swap3A, %swap3A_515], %swap3A_518 {strides = array<i32>} : memref<80x16xf32, #tpu.memory_space<vmem>>, vector<1x16xf32>,
        %scan3A_519 = arith.constant 0 : i32
        scf.yield %scan3A_519 : i32
      }
      %scan3A_335 = arith.constant 80 : i32
      %scan3A_336 = arith.constant 0 : i32
      %scan3A_337 = arith.constant 0 : i32
      %scan3A_338 = arith.constant 80 : i32
      %scan3A_339 = arith.addi %scan3A_337, %scan3A_338 : i32
      %scan3A_340 = arith.constant 1 : i32
      %scan3A_341 = scf.for %scan3A_498 = %scan3A_337 to %scan3A_339 step %scan3A_340 iter_args(%scan3A_499 = %scan3A_336) -> (i32)  : i32 {
        %get3A_500 = arith.index_cast %scan3A_498 : i32 to index
        %get3A_501 = arith.constant 0 : index
        %get3A_502 = tpu.vector_load %arg15[%get3A_500, %get3A_501] {strides = array<i32>} : memref<80x16xf32, #tpu.memory_space<vmem>>, vector<1x16xf32>,
        %get3A_503 = vector.shape_cast %get3A_502 : vector<1x16xf32> to vector<16xf32>
        %slice3A = vector.extract_strided_slice %get3A_503 {offsets = [0], sizes = [1], strides = [1]} : vector<16xf32> to vector<1xf32>
        %squeeze3A = vector.extract %slice3A[0] : f32 from vector<1xf32>
        %broadcast_in_dim3A_504 = vector.broadcast %squeeze3A : f32 to vector<16xf32>
        %get3A_505 = arith.index_cast %scan3A_498 : i32 to index
        %get3A_506 = arith.constant 0 : index
        %get3A_507 = tpu.vector_load %arg16[%get3A_505, %get3A_506] {strides = array<i32>} : memref<80x128xf32, #tpu.memory_space<vmem>>, vector<1x16xf32>,
        %get3A_508 = vector.shape_cast %get3A_507 : vector<1x16xf32> to vector<16xf32>
        %mul3A_509 = arith.mulf %get3A_508, %broadcast_in_dim3A_504 : vector<16xf32>
        %swap3A = arith.index_cast %scan3A_498 : i32 to index
        %swap3A_510 = arith.constant 0 : index
        %swap3A_511 = tpu.vector_load %arg16[%swap3A, %swap3A_510] {strides = array<i32>} : memref<80x128xf32, #tpu.memory_space<vmem>>, vector<1x16xf32>,
        %swap3A_512 = vector.shape_cast %swap3A_511 : vector<1x16xf32> to vector<16xf32>
        %swap3A_513 = vector.shape_cast %mul3A_509 : vector<16xf32> to vector<1x16xf32>
        tpu.vector_store %arg16[%swap3A, %swap3A_510], %swap3A_513 {strides = array<i32>} : memref<80x128xf32, #tpu.memory_space<vmem>>, vector<1x16xf32>,
        %slice3A_514 = vector.extract_strided_slice %get3A_503 {offsets = [1], sizes = [1], strides = [1]} : vector<16xf32> to vector<1xf32>
        %squeeze3A_515 = vector.extract %slice3A_514[0] : f32 from vector<1xf32>
        %broadcast_in_dim3A_516 = vector.broadcast %squeeze3A_515 : f32 to vector<16xf32>
        %get3A_517 = arith.index_cast %scan3A_498 : i32 to index
        %get3A_518 = arith.constant 16 : index
        %get3A_519 = tpu.vector_load %arg16[%get3A_517, %get3A_518] {strides = array<i32>} : memref<80x128xf32, #tpu.memory_space<vmem>>, vector<1x16xf32>,
        %get3A_520 = vector.shape_cast %get3A_519 : vector<1x16xf32> to vector<16xf32>
        %mul3A_521 = arith.mulf %get3A_520, %broadcast_in_dim3A_516 : vector<16xf32>
        %swap3A_522 = arith.index_cast %scan3A_498 : i32 to index
        %swap3A_523 = arith.constant 16 : index
        %swap3A_524 = tpu.vector_load %arg16[%swap3A_522, %swap3A_523] {strides = array<i32>} : memref<80x128xf32, #tpu.memory_space<vmem>>, vector<1x16xf32>,
        %swap3A_525 = vector.shape_cast %swap3A_524 : vector<1x16xf32> to vector<16xf32>
        %swap3A_526 = vector.shape_cast %mul3A_521 : vector<16xf32> to vector<1x16xf32>
        tpu.vector_store %arg16[%swap3A_522, %swap3A_523], %swap3A_526 {strides = array<i32>} : memref<80x128xf32, #tpu.memory_space<vmem>>, vector<1x16xf32>,
        %slice3A_527 = vector.extract_strided_slice %get3A_503 {offsets = [2], sizes = [1], strides = [1]} : vector<16xf32> to vector<1xf32>
        %squeeze3A_528 = vector.extract %slice3A_527[0] : f32 from vector<1xf32>
        %broadcast_in_dim3A_529 = vector.broadcast %squeeze3A_528 : f32 to vector<16xf32>
        %get3A_530 = arith.index_cast %scan3A_498 : i32 to index
        %get3A_531 = arith.constant 32 : index
        %get3A_532 = tpu.vector_load %arg16[%get3A_530, %get3A_531] {strides = array<i32>} : memref<80x128xf32, #tpu.memory_space<vmem>>, vector<1x16xf32>,
        %get3A_533 = vector.shape_cast %get3A_532 : vector<1x16xf32> to vector<16xf32>
        %mul3A_534 = arith.mulf %get3A_533, %broadcast_in_dim3A_529 : vector<16xf32>
        %swap3A_535 = arith.index_cast %scan3A_498 : i32 to index
        %swap3A_536 = arith.constant 32 : index
        %swap3A_537 = tpu.vector_load %arg16[%swap3A_535, %swap3A_536] {strides = array<i32>} : memref<80x128xf32, #tpu.memory_space<vmem>>, vector<1x16xf32>,
        %swap3A_538 = vector.shape_cast %swap3A_537 : vector<1x16xf32> to vector<16xf32>
        %swap3A_539 = vector.shape_cast %mul3A_534 : vector<16xf32> to vector<1x16xf32>
        tpu.vector_store %arg16[%swap3A_535, %swap3A_536], %swap3A_539 {strides = array<i32>} : memref<80x128xf32, #tpu.memory_space<vmem>>, vector<1x16xf32>,
        %slice3A_540 = vector.extract_strided_slice %get3A_503 {offsets = [3], sizes = [1], strides = [1]} : vector<16xf32> to vector<1xf32>
        %squeeze3A_541 = vector.extract %slice3A_540[0] : f32 from vector<1xf32>
        %broadcast_in_dim3A_542 = vector.broadcast %squeeze3A_541 : f32 to vector<16xf32>
        %get3A_543 = arith.index_cast %scan3A_498 : i32 to index
        %get3A_544 = arith.constant 48 : index
        %get3A_545 = tpu.vector_load %arg16[%get3A_543, %get3A_544] {strides = array<i32>} : memref<80x128xf32, #tpu.memory_space<vmem>>, vector<1x16xf32>,
        %get3A_546 = vector.shape_cast %get3A_545 : vector<1x16xf32> to vector<16xf32>
        %mul3A_547 = arith.mulf %get3A_546, %broadcast_in_dim3A_542 : vector<16xf32>
        %swap3A_548 = arith.index_cast %scan3A_498 : i32 to index
        %swap3A_549 = arith.constant 48 : index
        %swap3A_550 = tpu.vector_load %arg16[%swap3A_548, %swap3A_549] {strides = array<i32>} : memref<80x128xf32, #tpu.memory_space<vmem>>, vector<1x16xf32>,
        %swap3A_551 = vector.shape_cast %swap3A_550 : vector<1x16xf32> to vector<16xf32>
        %swap3A_552 = vector.shape_cast %mul3A_547 : vector<16xf32> to vector<1x16xf32>
        tpu.vector_store %arg16[%swap3A_548, %swap3A_549], %swap3A_552 {strides = array<i32>} : memref<80x128xf32, #tpu.memory_space<vmem>>, vector<1x16xf32>,
        %slice3A_553 = vector.extract_strided_slice %get3A_503 {offsets = [4], sizes = [1], strides = [1]} : vector<16xf32> to vector<1xf32>
        %squeeze3A_554 = vector.extract %slice3A_553[0] : f32 from vector<1xf32>
        %broadcast_in_dim3A_555 = vector.broadcast %squeeze3A_554 : f32 to vector<16xf32>
        %get3A_556 = arith.index_cast %scan3A_498 : i32 to index
        %get3A_557 = arith.constant 64 : index
        %get3A_558 = tpu.vector_load %arg16[%get3A_556, %get3A_557] {strides = array<i32>} : memref<80x128xf32, #tpu.memory_space<vmem>>, vector<1x16xf32>,
        %get3A_559 = vector.shape_cast %get3A_558 : vector<1x16xf32> to vector<16xf32>
        %mul3A_560 = arith.mulf %get3A_559, %broadcast_in_dim3A_555 : vector<16xf32>
        %swap3A_561 = arith.index_cast %scan3A_498 : i32 to index
        %swap3A_562 = arith.constant 64 : index
        %swap3A_563 = tpu.vector_load %arg16[%swap3A_561, %swap3A_562] {strides = array<i32>} : memref<80x128xf32, #tpu.memory_space<vmem>>, vector<1x16xf32>,
        %swap3A_564 = vector.shape_cast %swap3A_563 : vector<1x16xf32> to vector<16xf32>
        %swap3A_565 = vector.shape_cast %mul3A_560 : vector<16xf32> to vector<1x16xf32>
        tpu.vector_store %arg16[%swap3A_561, %swap3A_562], %swap3A_565 {strides = array<i32>} : memref<80x128xf32, #tpu.memory_space<vmem>>, vector<1x16xf32>,
        %slice3A_566 = vector.extract_strided_slice %get3A_503 {offsets = [5], sizes = [1], strides = [1]} : vector<16xf32> to vector<1xf32>
        %squeeze3A_567 = vector.extract %slice3A_566[0] : f32 from vector<1xf32>
        %broadcast_in_dim3A_568 = vector.broadcast %squeeze3A_567 : f32 to vector<16xf32>
        %get3A_569 = arith.index_cast %scan3A_498 : i32 to index
        %get3A_570 = arith.constant 80 : index
        %get3A_571 = tpu.vector_load %arg16[%get3A_569, %get3A_570] {strides = array<i32>} : memref<80x128xf32, #tpu.memory_space<vmem>>, vector<1x16xf32>,
        %get3A_572 = vector.shape_cast %get3A_571 : vector<1x16xf32> to vector<16xf32>
        %mul3A_573 = arith.mulf %get3A_572, %broadcast_in_dim3A_568 : vector<16xf32>
        %swap3A_574 = arith.index_cast %scan3A_498 : i32 to index
        %swap3A_575 = arith.constant 80 : index
        %swap3A_576 = tpu.vector_load %arg16[%swap3A_574, %swap3A_575] {strides = array<i32>} : memref<80x128xf32, #tpu.memory_space<vmem>>, vector<1x16xf32>,
        %swap3A_577 = vector.shape_cast %swap3A_576 : vector<1x16xf32> to vector<16xf32>
        %swap3A_578 = vector.shape_cast %mul3A_573 : vector<16xf32> to vector<1x16xf32>
        tpu.vector_store %arg16[%swap3A_574, %swap3A_575], %swap3A_578 {strides = array<i32>} : memref<80x128xf32, #tpu.memory_space<vmem>>, vector<1x16xf32>,
        %slice3A_579 = vector.extract_strided_slice %get3A_503 {offsets = [6], sizes = [1], strides = [1]} : vector<16xf32> to vector<1xf32>
        %squeeze3A_580 = vector.extract %slice3A_579[0] : f32 from vector<1xf32>
        %broadcast_in_dim3A_581 = vector.broadcast %squeeze3A_580 : f32 to vector<16xf32>
        %get3A_582 = arith.index_cast %scan3A_498 : i32 to index
        %get3A_583 = arith.constant 96 : index
        %get3A_584 = tpu.vector_load %arg16[%get3A_582, %get3A_583] {strides = array<i32>} : memref<80x128xf32, #tpu.memory_space<vmem>>, vector<1x16xf32>,
        %get3A_585 = vector.shape_cast %get3A_584 : vector<1x16xf32> to vector<16xf32>
        %mul3A_586 = arith.mulf %get3A_585, %broadcast_in_dim3A_581 : vector<16xf32>
        %swap3A_587 = arith.index_cast %scan3A_498 : i32 to index
        %swap3A_588 = arith.constant 96 : index
        %swap3A_589 = tpu.vector_load %arg16[%swap3A_587, %swap3A_588] {strides = array<i32>} : memref<80x128xf32, #tpu.memory_space<vmem>>, vector<1x16xf32>,
        %swap3A_590 = vector.shape_cast %swap3A_589 : vector<1x16xf32> to vector<16xf32>
        %swap3A_591 = vector.shape_cast %mul3A_586 : vector<16xf32> to vector<1x16xf32>
        tpu.vector_store %arg16[%swap3A_587, %swap3A_588], %swap3A_591 {strides = array<i32>} : memref<80x128xf32, #tpu.memory_space<vmem>>, vector<1x16xf32>,
        %slice3A_592 = vector.extract_strided_slice %get3A_503 {offsets = [7], sizes = [1], strides = [1]} : vector<16xf32> to vector<1xf32>
        %squeeze3A_593 = vector.extract %slice3A_592[0] : f32 from vector<1xf32>
        %broadcast_in_dim3A_594 = vector.broadcast %squeeze3A_593 : f32 to vector<16xf32>
        %get3A_595 = arith.index_cast %scan3A_498 : i32 to index
        %get3A_596 = arith.constant 112 : index
        %get3A_597 = tpu.vector_load %arg16[%get3A_595, %get3A_596] {strides = array<i32>} : memref<80x128xf32, #tpu.memory_space<vmem>>, vector<1x16xf32>,
        %get3A_598 = vector.shape_cast %get3A_597 : vector<1x16xf32> to vector<16xf32>
        %mul3A_599 = arith.mulf %get3A_598, %broadcast_in_dim3A_594 : vector<16xf32>
        %swap3A_600 = arith.index_cast %scan3A_498 : i32 to index
        %swap3A_601 = arith.constant 112 : index
        %swap3A_602 = tpu.vector_load %arg16[%swap3A_600, %swap3A_601] {strides = array<i32>} : memref<80x128xf32, #tpu.memory_space<vmem>>, vector<1x16xf32>,
        %swap3A_603 = vector.shape_cast %swap3A_602 : vector<1x16xf32> to vector<16xf32>
        %swap3A_604 = vector.shape_cast %mul3A_599 : vector<16xf32> to vector<1x16xf32>
        tpu.vector_store %arg16[%swap3A_600, %swap3A_601], %swap3A_604 {strides = array<i32>} : memref<80x128xf32, #tpu.memory_space<vmem>>, vector<1x16xf32>,
        %scan3A_605 = arith.constant 0 : i32
        scf.yield %scan3A_605 : i32
      }
      %scan3A_342 = arith.constant 80 : i32
      %dma_start3A_343 = arith.constant 1 : i32
      %dma_start3A_344 = arith.constant 0 : i32
      %dma_start3A_345 = tpu.memref_slice %arg18[%dma_start3A_343, %dma_start3A_344] : memref<2x80xi32, #tpu.memory_space<vmem>> -> memref<1x80xi32, #tpu.memory_space<vmem>>
      %dma_start3A_346 = tpu.memref_squeeze %dma_start3A_345 : memref<1x80xi32, #tpu.memory_space<vmem>> -> memref<80xi32, #tpu.memory_space<vmem>>
      %dma_start3A_347 = arith.constant 0 : i32
      %dma_start3A_348 = arith.constant 0 : i32
      %dma_start3A_349 = tpu.memref_slice %arg23[%dma_start3A_347, %dma_start3A_348] : memref<10000x16xf32, #tpu.memory_space<vmem_shared>> -> memref<10000x16xf32, #tpu.memory_space<vmem_shared>>
      tpu.enqueue_indirect_dma source(%arg15 : memref<80x16xf32, #tpu.memory_space<vmem>>) target(%dma_start3A_349 : memref<10000x16xf32, #tpu.memory_space<vmem_shared>>) offsets(%dma_start3A_346 : memref<80xi32, #tpu.memory_space<vmem>>) semaphore(%arg32 : memref<!tpu.dma_semaphore, #tpu.memory_space<semaphore_mem>>) {add = true}
      %dma_start3A_350 = arith.constant 1 : i32
      %dma_start3A_351 = arith.constant 0 : i32
      %dma_start3A_352 = tpu.memref_slice %arg18[%dma_start3A_350, %dma_start3A_351] : memref<2x80xi32, #tpu.memory_space<vmem>> -> memref<1x80xi32, #tpu.memory_space<vmem>>
      %dma_start3A_353 = tpu.memref_squeeze %dma_start3A_352 : memref<1x80xi32, #tpu.memory_space<vmem>> -> memref<80xi32, #tpu.memory_space<vmem>>
      %dma_start3A_354 = arith.constant 0 : i32
      %dma_start3A_355 = arith.constant 0 : i32
      %dma_start3A_356 = tpu.memref_slice %arg22[%dma_start3A_354, %dma_start3A_355] : memref<10000x128xf32, #tpu.memory_space<vmem_shared>> -> memref<10000x128xf32, #tpu.memory_space<vmem_shared>>
      tpu.enqueue_indirect_dma source(%arg16 : memref<80x128xf32, #tpu.memory_space<vmem>>) target(%dma_start3A_356 : memref<10000x128xf32, #tpu.memory_space<vmem_shared>>) offsets(%dma_start3A_353 : memref<80xi32, #tpu.memory_space<vmem>>) semaphore(%arg33 : memref<!tpu.dma_semaphore, #tpu.memory_space<semaphore_mem>>) {add = true}
      %add3A_357 = arith.constant 2 : i32
      %add3A_358 = arith.addi %mul3A_220, %add3A_357 : i32
      %gt3A_359 = arith.constant 0 : i32
      %gt3A_360 = arith.cmpi sgt, %add3A_358, %gt3A_359 : i32
      %convert_element_type3A_361 = arith.extui %gt3A_360 : i1 to i32
      %cond3A_362 = arith.constant 0 : i32
      %cond3A_363 = arith.cmpi ne, %convert_element_type3A_361, %cond3A_362 : i32
      scf.if %cond3A_363 {
        %dma_wait3A_498 = arith.constant 1 : i32
        %dma_wait3A_499 = arith.constant 0 : i32
        %dma_wait3A_500 = tpu.memref_slice %arg18[%dma_wait3A_498, %dma_wait3A_499] : memref<2x80xi32, #tpu.memory_space<vmem>> -> memref<1x80xi32, #tpu.memory_space<vmem>>
        %dma_wait3A_501 = tpu.memref_squeeze %dma_wait3A_500 : memref<1x80xi32, #tpu.memory_space<vmem>> -> memref<80xi32, #tpu.memory_space<vmem>>
        %dma_wait3A_502 = arith.constant 0 : i32
        %dma_wait3A_503 = arith.constant 0 : i32
        %dma_wait3A_504 = tpu.memref_slice %arg23[%dma_wait3A_502, %dma_wait3A_503] : memref<10000x16xf32, #tpu.memory_space<vmem_shared>> -> memref<10000x16xf32, #tpu.memory_space<vmem_shared>>
        tpu.wait_indirect_dma semaphore(%arg32 : memref<!tpu.dma_semaphore, #tpu.memory_space<semaphore_mem>>) src(%arg15 : memref<80x16xf32, #tpu.memory_space<vmem>>) dst(%dma_wait3A_504 : memref<10000x16xf32, #tpu.memory_space<vmem_shared>>)
        %dma_wait3A_505 = arith.constant 1 : i32
        %dma_wait3A_506 = arith.constant 0 : i32
        %dma_wait3A_507 = tpu.memref_slice %arg18[%dma_wait3A_505, %dma_wait3A_506] : memref<2x80xi32, #tpu.memory_space<vmem>> -> memref<1x80xi32, #tpu.memory_space<vmem>>
        %dma_wait3A_508 = tpu.memref_squeeze %dma_wait3A_507 : memref<1x80xi32, #tpu.memory_space<vmem>> -> memref<80xi32, #tpu.memory_space<vmem>>
        %dma_wait3A_509 = arith.constant 0 : i32
        %dma_wait3A_510 = arith.constant 0 : i32
        %dma_wait3A_511 = tpu.memref_slice %arg22[%dma_wait3A_509, %dma_wait3A_510] : memref<10000x128xf32, #tpu.memory_space<vmem_shared>> -> memref<10000x128xf32, #tpu.memory_space<vmem_shared>>
        tpu.wait_indirect_dma semaphore(%arg33 : memref<!tpu.dma_semaphore, #tpu.memory_space<semaphore_mem>>) src(%arg16 : memref<80x128xf32, #tpu.memory_space<vmem>>) dst(%dma_wait3A_511 : memref<10000x128xf32, #tpu.memory_space<vmem_shared>>)
      } else {
      }
      %add3A_364 = arith.constant 3 : i32
      %add3A_365 = arith.addi %add3A_358, %add3A_364 : i32
      %lt3A_366 = arith.constant 125 : i32
      %lt3A_367 = arith.cmpi slt, %add3A_365, %lt3A_366 : i32
      %convert_element_type3A_368 = arith.extui %lt3A_367 : i1 to i32
      %cond3A_369 = arith.constant 0 : i32
      %cond3A_370 = arith.cmpi ne, %convert_element_type3A_368, %cond3A_369 : i32
      scf.if %cond3A_370 {
        %add3A_498 = arith.constant 3 : i32
        %add3A_499 = arith.addi %add3A_358, %add3A_498 : i32
        %mul3A_500 = arith.constant 10000 : i32
        %mul3A_501 = arith.muli %add3A, %mul3A_500 : i32
        %mul3A_502 = arith.constant 80 : i32
        %mul3A_503 = arith.muli %add3A_499, %mul3A_502 : i32
        %add3A_504 = arith.addi %mul3A_501, %mul3A_503 : i32
        %dma_start3A_505 = arith.constant 0 : i32
        %dma_start3A_506 = tpu.memref_slice %arg2[%dma_start3A_505, %add3A_504] : memref<2x320000xi32, #tpu.memory_space<hbm>> -> memref<2x80xi32, #tpu.memory_space<hbm>>
        %dma_start3A_507 = arith.constant 0 : i32
        %dma_start3A_508 = tpu.memref_slice %arg2[%dma_start3A_507, %add3A_504] : memref<2x320000xi32, #tpu.memory_space<hbm>> -> memref<2x80xi32, #tpu.memory_space<hbm>>
        tpu.enqueue_dma source(%dma_start3A_508 : memref<2x80xi32, #tpu.memory_space<hbm>>) target(%arg18 : memref<2x80xi32, #tpu.memory_space<vmem>>) target_semaphore(%arg35 : memref<!tpu.dma_semaphore, #tpu.memory_space<semaphore_mem>>)
      } else {
      }
      %add3A_371 = arith.constant 1 : i32
      %add3A_372 = arith.addi %add3A_358, %add3A_371 : i32
      %lt3A_373 = arith.constant 125 : i32
      %lt3A_374 = arith.cmpi slt, %add3A_372, %lt3A_373 : i32
      %convert_element_type3A_375 = arith.extui %lt3A_374 : i1 to i32
      %cond3A_376 = arith.constant 0 : i32
      %cond3A_377 = arith.cmpi ne, %convert_element_type3A_375, %cond3A_376 : i32
      scf.if %cond3A_377 {
        %dma_wait3A_498 = arith.constant 0 : i32
        %dma_wait3A_499 = arith.constant 0 : i32
        %dma_wait3A_500 = tpu.memref_slice %arg2[%dma_wait3A_498, %dma_wait3A_499] : memref<2x320000xi32, #tpu.memory_space<hbm>> -> memref<2x80xi32, #tpu.memory_space<hbm>>
        %dma_wait3A_501 = arith.constant 0 : i32
        %dma_wait3A_502 = arith.constant 0 : i32
        %dma_wait3A_503 = tpu.memref_slice %arg2[%dma_wait3A_501, %dma_wait3A_502] : memref<2x320000xi32, #tpu.memory_space<hbm>> -> memref<2x80xi32, #tpu.memory_space<hbm>>
        tpu.wait_dma2 semaphore(%arg37 : memref<!tpu.dma_semaphore, #tpu.memory_space<semaphore_mem>>) src(%dma_wait3A_503 : memref<2x80xi32, #tpu.memory_space<hbm>>) dst(%arg20 : memref<2x80xi32, #tpu.memory_space<vmem>>)
        %dma_start3A_504 = arith.constant 0 : i32
        %dma_start3A_505 = arith.constant 0 : i32
        %dma_start3A_506 = tpu.memref_slice %arg20[%dma_start3A_504, %dma_start3A_505] : memref<2x80xi32, #tpu.memory_space<vmem>> -> memref<1x80xi32, #tpu.memory_space<vmem>>
        %dma_start3A_507 = tpu.memref_squeeze %dma_start3A_506 : memref<1x80xi32, #tpu.memory_space<vmem>> -> memref<80xi32, #tpu.memory_space<vmem>>
        %dma_start3A_508 = arith.constant 0 : i32
        %dma_start3A_509 = arith.constant 0 : i32
        %dma_start3A_510 = tpu.memref_slice %arg3[%dma_start3A_508, %dma_start3A_509] : memref<10000x128xf32, #tpu.memory_space<hbm>> -> memref<10000x128xf32, #tpu.memory_space<hbm>>
        tpu.enqueue_indirect_dma source(%dma_start3A_510 : memref<10000x128xf32, #tpu.memory_space<hbm>>) target(%arg16 : memref<80x128xf32, #tpu.memory_space<vmem>>) offsets(%dma_start3A_507 : memref<80xi32, #tpu.memory_space<vmem>>) semaphore(%arg27 : memref<!tpu.dma_semaphore, #tpu.memory_space<semaphore_mem>>)
        %dma_start3A_511 = arith.constant 0 : i32
        %dma_start3A_512 = arith.constant 0 : i32
        %dma_start3A_513 = tpu.memref_slice %arg20[%dma_start3A_511, %dma_start3A_512] : memref<2x80xi32, #tpu.memory_space<vmem>> -> memref<1x80xi32, #tpu.memory_space<vmem>>
        %dma_start3A_514 = tpu.memref_squeeze %dma_start3A_513 : memref<1x80xi32, #tpu.memory_space<vmem>> -> memref<80xi32, #tpu.memory_space<vmem>>
        %dma_start3A_515 = arith.constant 0 : i32
        %dma_start3A_516 = arith.constant 0 : i32
        %dma_start3A_517 = tpu.memref_slice %arg4[%dma_start3A_515, %dma_start3A_516] : memref<10000x16xf32, #tpu.memory_space<hbm>> -> memref<10000x16xf32, #tpu.memory_space<hbm>>
        tpu.enqueue_indirect_dma source(%dma_start3A_517 : memref<10000x16xf32, #tpu.memory_space<hbm>>) target(%arg13 : memref<80x16xf32, #tpu.memory_space<vmem>>) offsets(%dma_start3A_514 : memref<80xi32, #tpu.memory_space<vmem>>) semaphore(%arg28 : memref<!tpu.dma_semaphore, #tpu.memory_space<semaphore_mem>>)
        %dma_start3A_518 = arith.constant 1 : i32
        %dma_start3A_519 = arith.constant 0 : i32
        %dma_start3A_520 = tpu.memref_slice %arg20[%dma_start3A_518, %dma_start3A_519] : memref<2x80xi32, #tpu.memory_space<vmem>> -> memref<1x80xi32, #tpu.memory_space<vmem>>
        %dma_start3A_521 = tpu.memref_squeeze %dma_start3A_520 : memref<1x80xi32, #tpu.memory_space<vmem>> -> memref<80xi32, #tpu.memory_space<vmem>>
        %dma_start3A_522 = arith.constant 0 : i32
        %dma_start3A_523 = arith.constant 0 : i32
        %dma_start3A_524 = tpu.memref_slice %arg5[%dma_start3A_522, %dma_start3A_523] : memref<10000x16xf32, #tpu.memory_space<hbm>> -> memref<10000x16xf32, #tpu.memory_space<hbm>>
        tpu.enqueue_indirect_dma source(%dma_start3A_524 : memref<10000x16xf32, #tpu.memory_space<hbm>>) target(%arg14 : memref<80x16xf32, #tpu.memory_space<vmem>>) offsets(%dma_start3A_521 : memref<80xi32, #tpu.memory_space<vmem>>) semaphore(%arg29 : memref<!tpu.dma_semaphore, #tpu.memory_space<semaphore_mem>>)
      } else {
      }
      %dma_wait3A_378 = arith.constant 0 : i32
      %dma_wait3A_379 = arith.constant 0 : i32
      %dma_wait3A_380 = tpu.memref_slice %arg19[%dma_wait3A_378, %dma_wait3A_379] : memref<2x80xi32, #tpu.memory_space<vmem>> -> memref<1x80xi32, #tpu.memory_space<vmem>>
      %dma_wait3A_381 = tpu.memref_squeeze %dma_wait3A_380 : memref<1x80xi32, #tpu.memory_space<vmem>> -> memref<80xi32, #tpu.memory_space<vmem>>
      %dma_wait3A_382 = arith.constant 0 : i32
      %dma_wait3A_383 = arith.constant 0 : i32
      %dma_wait3A_384 = tpu.memref_slice %arg3[%dma_wait3A_382, %dma_wait3A_383] : memref<10000x128xf32, #tpu.memory_space<hbm>> -> memref<10000x128xf32, #tpu.memory_space<hbm>>
      tpu.wait_indirect_dma semaphore(%arg24 : memref<!tpu.dma_semaphore, #tpu.memory_space<semaphore_mem>>) src(%dma_wait3A_384 : memref<10000x128xf32, #tpu.memory_space<hbm>>) dst(%arg12 : memref<80x128xf32, #tpu.memory_space<vmem>>)
      %dma_wait3A_385 = arith.constant 0 : i32
      %dma_wait3A_386 = arith.constant 0 : i32
      %dma_wait3A_387 = tpu.memref_slice %arg19[%dma_wait3A_385, %dma_wait3A_386] : memref<2x80xi32, #tpu.memory_space<vmem>> -> memref<1x80xi32, #tpu.memory_space<vmem>>
      %dma_wait3A_388 = tpu.memref_squeeze %dma_wait3A_387 : memref<1x80xi32, #tpu.memory_space<vmem>> -> memref<80xi32, #tpu.memory_space<vmem>>
      %dma_wait3A_389 = arith.constant 0 : i32
      %dma_wait3A_390 = arith.constant 0 : i32
      %dma_wait3A_391 = tpu.memref_slice %arg4[%dma_wait3A_389, %dma_wait3A_390] : memref<10000x16xf32, #tpu.memory_space<hbm>> -> memref<10000x16xf32, #tpu.memory_space<hbm>>
      tpu.wait_indirect_dma semaphore(%arg25 : memref<!tpu.dma_semaphore, #tpu.memory_space<semaphore_mem>>) src(%dma_wait3A_391 : memref<10000x16xf32, #tpu.memory_space<hbm>>) dst(%arg9 : memref<80x16xf32, #tpu.memory_space<vmem>>)
      %dma_wait3A_392 = arith.constant 1 : i32
      %dma_wait3A_393 = arith.constant 0 : i32
      %dma_wait3A_394 = tpu.memref_slice %arg19[%dma_wait3A_392, %dma_wait3A_393] : memref<2x80xi32, #tpu.memory_space<vmem>> -> memref<1x80xi32, #tpu.memory_space<vmem>>
      %dma_wait3A_395 = tpu.memref_squeeze %dma_wait3A_394 : memref<1x80xi32, #tpu.memory_space<vmem>> -> memref<80xi32, #tpu.memory_space<vmem>>
      %dma_wait3A_396 = arith.constant 0 : i32
      %dma_wait3A_397 = arith.constant 0 : i32
      %dma_wait3A_398 = tpu.memref_slice %arg5[%dma_wait3A_396, %dma_wait3A_397] : memref<10000x16xf32, #tpu.memory_space<hbm>> -> memref<10000x16xf32, #tpu.memory_space<hbm>>
      tpu.wait_indirect_dma semaphore(%arg26 : memref<!tpu.dma_semaphore, #tpu.memory_space<semaphore_mem>>) src(%dma_wait3A_398 : memref<10000x16xf32, #tpu.memory_space<hbm>>) dst(%arg10 : memref<80x16xf32, #tpu.memory_space<vmem>>)
      %scan3A_399 = arith.constant 0 : i32
      %scan3A_400 = arith.constant 0 : i32
      %scan3A_401 = arith.constant 80 : i32
      %scan3A_402 = arith.addi %scan3A_400, %scan3A_401 : i32
      %scan3A_403 = arith.constant 1 : i32
      %scan3A_404 = scf.for %scan3A_498 = %scan3A_400 to %scan3A_402 step %scan3A_403 iter_args(%scan3A_499 = %scan3A_399) -> (i32)  : i32 {
        %get3A_500 = arith.index_cast %scan3A_498 : i32 to index
        %get3A_501 = arith.constant 0 : index
        %get3A_502 = tpu.vector_load %arg9[%get3A_500, %get3A_501] {strides = array<i32>} : memref<80x16xf32, #tpu.memory_space<vmem>>, vector<1x16xf32>,
        %get3A_503 = vector.shape_cast %get3A_502 : vector<1x16xf32> to vector<16xf32>
        %get3A_504 = arith.index_cast %scan3A_498 : i32 to index
        %get3A_505 = arith.constant 0 : index
        %get3A_506 = tpu.vector_load %arg10[%get3A_504, %get3A_505] {strides = array<i32>} : memref<80x16xf32, #tpu.memory_space<vmem>>, vector<1x16xf32>,
        %get3A_507 = vector.shape_cast %get3A_506 : vector<1x16xf32> to vector<16xf32>
        %add3A_508 = arith.addf %get3A_503, %get3A_507 : vector<16xf32>
        %lt3A_509 = arith.constant 0.000000e+00 : f32
        %lt3A_510 = vector.broadcast %lt3A_509 : f32 to vector<16xf32>
        %lt3A_511 = arith.cmpf olt, %add3A_508, %lt3A_510 : vector<16xf32>
        %mul3A_512 = arith.constant 2.000000e-01 : f32
        %mul3A_513 = vector.broadcast %mul3A_512 : f32 to vector<16xf32>
        %mul3A_514 = arith.mulf %add3A_508, %mul3A_513 : vector<16xf32>
        %select_n3A = arith.select %lt3A_511, %mul3A_514, %add3A_508 : vector<16xi1>, vector<16xf32>
        %sub3A = arith.subf %select_n3A, %get3A_75 : vector<16xf32>
        %exp3A = math.exp %sub3A : vector<16xf32>
        %swap3A = arith.index_cast %scan3A_498 : i32 to index
        %swap3A_515 = arith.constant 0 : index
        %swap3A_516 = tpu.vector_load %arg11[%swap3A, %swap3A_515] {strides = array<i32>} : memref<80x16xf32, #tpu.memory_space<vmem>>, vector<1x16xf32>,
        %swap3A_517 = vector.shape_cast %swap3A_516 : vector<1x16xf32> to vector<16xf32>
        %swap3A_518 = vector.shape_cast %exp3A : vector<16xf32> to vector<1x16xf32>
        tpu.vector_store %arg11[%swap3A, %swap3A_515], %swap3A_518 {strides = array<i32>} : memref<80x16xf32, #tpu.memory_space<vmem>>, vector<1x16xf32>,
        %scan3A_519 = arith.constant 0 : i32
        scf.yield %scan3A_519 : i32
      }
      %scan3A_405 = arith.constant 80 : i32
      %scan3A_406 = arith.constant 0 : i32
      %scan3A_407 = arith.constant 0 : i32
      %scan3A_408 = arith.constant 80 : i32
      %scan3A_409 = arith.addi %scan3A_407, %scan3A_408 : i32
      %scan3A_410 = arith.constant 1 : i32
      %scan3A_411 = scf.for %scan3A_498 = %scan3A_407 to %scan3A_409 step %scan3A_410 iter_args(%scan3A_499 = %scan3A_406) -> (i32)  : i32 {
        %get3A_500 = arith.index_cast %scan3A_498 : i32 to index
        %get3A_501 = arith.constant 0 : index
        %get3A_502 = tpu.vector_load %arg11[%get3A_500, %get3A_501] {strides = array<i32>} : memref<80x16xf32, #tpu.memory_space<vmem>>, vector<1x16xf32>,
        %get3A_503 = vector.shape_cast %get3A_502 : vector<1x16xf32> to vector<16xf32>
        %slice3A = vector.extract_strided_slice %get3A_503 {offsets = [0], sizes = [1], strides = [1]} : vector<16xf32> to vector<1xf32>
        %squeeze3A = vector.extract %slice3A[0] : f32 from vector<1xf32>
        %broadcast_in_dim3A_504 = vector.broadcast %squeeze3A : f32 to vector<16xf32>
        %get3A_505 = arith.index_cast %scan3A_498 : i32 to index
        %get3A_506 = arith.constant 0 : index
        %get3A_507 = tpu.vector_load %arg12[%get3A_505, %get3A_506] {strides = array<i32>} : memref<80x128xf32, #tpu.memory_space<vmem>>, vector<1x16xf32>,
        %get3A_508 = vector.shape_cast %get3A_507 : vector<1x16xf32> to vector<16xf32>
        %mul3A_509 = arith.mulf %get3A_508, %broadcast_in_dim3A_504 : vector<16xf32>
        %swap3A = arith.index_cast %scan3A_498 : i32 to index
        %swap3A_510 = arith.constant 0 : index
        %swap3A_511 = tpu.vector_load %arg12[%swap3A, %swap3A_510] {strides = array<i32>} : memref<80x128xf32, #tpu.memory_space<vmem>>, vector<1x16xf32>,
        %swap3A_512 = vector.shape_cast %swap3A_511 : vector<1x16xf32> to vector<16xf32>
        %swap3A_513 = vector.shape_cast %mul3A_509 : vector<16xf32> to vector<1x16xf32>
        tpu.vector_store %arg12[%swap3A, %swap3A_510], %swap3A_513 {strides = array<i32>} : memref<80x128xf32, #tpu.memory_space<vmem>>, vector<1x16xf32>,
        %slice3A_514 = vector.extract_strided_slice %get3A_503 {offsets = [1], sizes = [1], strides = [1]} : vector<16xf32> to vector<1xf32>
        %squeeze3A_515 = vector.extract %slice3A_514[0] : f32 from vector<1xf32>
        %broadcast_in_dim3A_516 = vector.broadcast %squeeze3A_515 : f32 to vector<16xf32>
        %get3A_517 = arith.index_cast %scan3A_498 : i32 to index
        %get3A_518 = arith.constant 16 : index
        %get3A_519 = tpu.vector_load %arg12[%get3A_517, %get3A_518] {strides = array<i32>} : memref<80x128xf32, #tpu.memory_space<vmem>>, vector<1x16xf32>,
        %get3A_520 = vector.shape_cast %get3A_519 : vector<1x16xf32> to vector<16xf32>
        %mul3A_521 = arith.mulf %get3A_520, %broadcast_in_dim3A_516 : vector<16xf32>
        %swap3A_522 = arith.index_cast %scan3A_498 : i32 to index
        %swap3A_523 = arith.constant 16 : index
        %swap3A_524 = tpu.vector_load %arg12[%swap3A_522, %swap3A_523] {strides = array<i32>} : memref<80x128xf32, #tpu.memory_space<vmem>>, vector<1x16xf32>,
        %swap3A_525 = vector.shape_cast %swap3A_524 : vector<1x16xf32> to vector<16xf32>
        %swap3A_526 = vector.shape_cast %mul3A_521 : vector<16xf32> to vector<1x16xf32>
        tpu.vector_store %arg12[%swap3A_522, %swap3A_523], %swap3A_526 {strides = array<i32>} : memref<80x128xf32, #tpu.memory_space<vmem>>, vector<1x16xf32>,
        %slice3A_527 = vector.extract_strided_slice %get3A_503 {offsets = [2], sizes = [1], strides = [1]} : vector<16xf32> to vector<1xf32>
        %squeeze3A_528 = vector.extract %slice3A_527[0] : f32 from vector<1xf32>
        %broadcast_in_dim3A_529 = vector.broadcast %squeeze3A_528 : f32 to vector<16xf32>
        %get3A_530 = arith.index_cast %scan3A_498 : i32 to index
        %get3A_531 = arith.constant 32 : index
        %get3A_532 = tpu.vector_load %arg12[%get3A_530, %get3A_531] {strides = array<i32>} : memref<80x128xf32, #tpu.memory_space<vmem>>, vector<1x16xf32>,
        %get3A_533 = vector.shape_cast %get3A_532 : vector<1x16xf32> to vector<16xf32>
        %mul3A_534 = arith.mulf %get3A_533, %broadcast_in_dim3A_529 : vector<16xf32>
        %swap3A_535 = arith.index_cast %scan3A_498 : i32 to index
        %swap3A_536 = arith.constant 32 : index
        %swap3A_537 = tpu.vector_load %arg12[%swap3A_535, %swap3A_536] {strides = array<i32>} : memref<80x128xf32, #tpu.memory_space<vmem>>, vector<1x16xf32>,
        %swap3A_538 = vector.shape_cast %swap3A_537 : vector<1x16xf32> to vector<16xf32>
        %swap3A_539 = vector.shape_cast %mul3A_534 : vector<16xf32> to vector<1x16xf32>
        tpu.vector_store %arg12[%swap3A_535, %swap3A_536], %swap3A_539 {strides = array<i32>} : memref<80x128xf32, #tpu.memory_space<vmem>>, vector<1x16xf32>,
        %slice3A_540 = vector.extract_strided_slice %get3A_503 {offsets = [3], sizes = [1], strides = [1]} : vector<16xf32> to vector<1xf32>
        %squeeze3A_541 = vector.extract %slice3A_540[0] : f32 from vector<1xf32>
        %broadcast_in_dim3A_542 = vector.broadcast %squeeze3A_541 : f32 to vector<16xf32>
        %get3A_543 = arith.index_cast %scan3A_498 : i32 to index
        %get3A_544 = arith.constant 48 : index
        %get3A_545 = tpu.vector_load %arg12[%get3A_543, %get3A_544] {strides = array<i32>} : memref<80x128xf32, #tpu.memory_space<vmem>>, vector<1x16xf32>,
        %get3A_546 = vector.shape_cast %get3A_545 : vector<1x16xf32> to vector<16xf32>
        %mul3A_547 = arith.mulf %get3A_546, %broadcast_in_dim3A_542 : vector<16xf32>
        %swap3A_548 = arith.index_cast %scan3A_498 : i32 to index
        %swap3A_549 = arith.constant 48 : index
        %swap3A_550 = tpu.vector_load %arg12[%swap3A_548, %swap3A_549] {strides = array<i32>} : memref<80x128xf32, #tpu.memory_space<vmem>>, vector<1x16xf32>,
        %swap3A_551 = vector.shape_cast %swap3A_550 : vector<1x16xf32> to vector<16xf32>
        %swap3A_552 = vector.shape_cast %mul3A_547 : vector<16xf32> to vector<1x16xf32>
        tpu.vector_store %arg12[%swap3A_548, %swap3A_549], %swap3A_552 {strides = array<i32>} : memref<80x128xf32, #tpu.memory_space<vmem>>, vector<1x16xf32>,
        %slice3A_553 = vector.extract_strided_slice %get3A_503 {offsets = [4], sizes = [1], strides = [1]} : vector<16xf32> to vector<1xf32>
        %squeeze3A_554 = vector.extract %slice3A_553[0] : f32 from vector<1xf32>
        %broadcast_in_dim3A_555 = vector.broadcast %squeeze3A_554 : f32 to vector<16xf32>
        %get3A_556 = arith.index_cast %scan3A_498 : i32 to index
        %get3A_557 = arith.constant 64 : index
        %get3A_558 = tpu.vector_load %arg12[%get3A_556, %get3A_557] {strides = array<i32>} : memref<80x128xf32, #tpu.memory_space<vmem>>, vector<1x16xf32>,
        %get3A_559 = vector.shape_cast %get3A_558 : vector<1x16xf32> to vector<16xf32>
        %mul3A_560 = arith.mulf %get3A_559, %broadcast_in_dim3A_555 : vector<16xf32>
        %swap3A_561 = arith.index_cast %scan3A_498 : i32 to index
        %swap3A_562 = arith.constant 64 : index
        %swap3A_563 = tpu.vector_load %arg12[%swap3A_561, %swap3A_562] {strides = array<i32>} : memref<80x128xf32, #tpu.memory_space<vmem>>, vector<1x16xf32>,
        %swap3A_564 = vector.shape_cast %swap3A_563 : vector<1x16xf32> to vector<16xf32>
        %swap3A_565 = vector.shape_cast %mul3A_560 : vector<16xf32> to vector<1x16xf32>
        tpu.vector_store %arg12[%swap3A_561, %swap3A_562], %swap3A_565 {strides = array<i32>} : memref<80x128xf32, #tpu.memory_space<vmem>>, vector<1x16xf32>,
        %slice3A_566 = vector.extract_strided_slice %get3A_503 {offsets = [5], sizes = [1], strides = [1]} : vector<16xf32> to vector<1xf32>
        %squeeze3A_567 = vector.extract %slice3A_566[0] : f32 from vector<1xf32>
        %broadcast_in_dim3A_568 = vector.broadcast %squeeze3A_567 : f32 to vector<16xf32>
        %get3A_569 = arith.index_cast %scan3A_498 : i32 to index
        %get3A_570 = arith.constant 80 : index
        %get3A_571 = tpu.vector_load %arg12[%get3A_569, %get3A_570] {strides = array<i32>} : memref<80x128xf32, #tpu.memory_space<vmem>>, vector<1x16xf32>,
        %get3A_572 = vector.shape_cast %get3A_571 : vector<1x16xf32> to vector<16xf32>
        %mul3A_573 = arith.mulf %get3A_572, %broadcast_in_dim3A_568 : vector<16xf32>
        %swap3A_574 = arith.index_cast %scan3A_498 : i32 to index
        %swap3A_575 = arith.constant 80 : index
        %swap3A_576 = tpu.vector_load %arg12[%swap3A_574, %swap3A_575] {strides = array<i32>} : memref<80x128xf32, #tpu.memory_space<vmem>>, vector<1x16xf32>,
        %swap3A_577 = vector.shape_cast %swap3A_576 : vector<1x16xf32> to vector<16xf32>
        %swap3A_578 = vector.shape_cast %mul3A_573 : vector<16xf32> to vector<1x16xf32>
        tpu.vector_store %arg12[%swap3A_574, %swap3A_575], %swap3A_578 {strides = array<i32>} : memref<80x128xf32, #tpu.memory_space<vmem>>, vector<1x16xf32>,
        %slice3A_579 = vector.extract_strided_slice %get3A_503 {offsets = [6], sizes = [1], strides = [1]} : vector<16xf32> to vector<1xf32>
        %squeeze3A_580 = vector.extract %slice3A_579[0] : f32 from vector<1xf32>
        %broadcast_in_dim3A_581 = vector.broadcast %squeeze3A_580 : f32 to vector<16xf32>
        %get3A_582 = arith.index_cast %scan3A_498 : i32 to index
        %get3A_583 = arith.constant 96 : index
        %get3A_584 = tpu.vector_load %arg12[%get3A_582, %get3A_583] {strides = array<i32>} : memref<80x128xf32, #tpu.memory_space<vmem>>, vector<1x16xf32>,
        %get3A_585 = vector.shape_cast %get3A_584 : vector<1x16xf32> to vector<16xf32>
        %mul3A_586 = arith.mulf %get3A_585, %broadcast_in_dim3A_581 : vector<16xf32>
        %swap3A_587 = arith.index_cast %scan3A_498 : i32 to index
        %swap3A_588 = arith.constant 96 : index
        %swap3A_589 = tpu.vector_load %arg12[%swap3A_587, %swap3A_588] {strides = array<i32>} : memref<80x128xf32, #tpu.memory_space<vmem>>, vector<1x16xf32>,
        %swap3A_590 = vector.shape_cast %swap3A_589 : vector<1x16xf32> to vector<16xf32>
        %swap3A_591 = vector.shape_cast %mul3A_586 : vector<16xf32> to vector<1x16xf32>
        tpu.vector_store %arg12[%swap3A_587, %swap3A_588], %swap3A_591 {strides = array<i32>} : memref<80x128xf32, #tpu.memory_space<vmem>>, vector<1x16xf32>,
        %slice3A_592 = vector.extract_strided_slice %get3A_503 {offsets = [7], sizes = [1], strides = [1]} : vector<16xf32> to vector<1xf32>
        %squeeze3A_593 = vector.extract %slice3A_592[0] : f32 from vector<1xf32>
        %broadcast_in_dim3A_594 = vector.broadcast %squeeze3A_593 : f32 to vector<16xf32>
        %get3A_595 = arith.index_cast %scan3A_498 : i32 to index
        %get3A_596 = arith.constant 112 : index
        %get3A_597 = tpu.vector_load %arg12[%get3A_595, %get3A_596] {strides = array<i32>} : memref<80x128xf32, #tpu.memory_space<vmem>>, vector<1x16xf32>,
        %get3A_598 = vector.shape_cast %get3A_597 : vector<1x16xf32> to vector<16xf32>
        %mul3A_599 = arith.mulf %get3A_598, %broadcast_in_dim3A_594 : vector<16xf32>
        %swap3A_600 = arith.index_cast %scan3A_498 : i32 to index
        %swap3A_601 = arith.constant 112 : index
        %swap3A_602 = tpu.vector_load %arg12[%swap3A_600, %swap3A_601] {strides = array<i32>} : memref<80x128xf32, #tpu.memory_space<vmem>>, vector<1x16xf32>,
        %swap3A_603 = vector.shape_cast %swap3A_602 : vector<1x16xf32> to vector<16xf32>
        %swap3A_604 = vector.shape_cast %mul3A_599 : vector<16xf32> to vector<1x16xf32>
        tpu.vector_store %arg12[%swap3A_600, %swap3A_601], %swap3A_604 {strides = array<i32>} : memref<80x128xf32, #tpu.memory_space<vmem>>, vector<1x16xf32>,
        %scan3A_605 = arith.constant 0 : i32
        scf.yield %scan3A_605 : i32
      }
      %scan3A_412 = arith.constant 80 : i32
      %dma_start3A_413 = arith.constant 1 : i32
      %dma_start3A_414 = arith.constant 0 : i32
      %dma_start3A_415 = tpu.memref_slice %arg19[%dma_start3A_413, %dma_start3A_414] : memref<2x80xi32, #tpu.memory_space<vmem>> -> memref<1x80xi32, #tpu.memory_space<vmem>>
      %dma_start3A_416 = tpu.memref_squeeze %dma_start3A_415 : memref<1x80xi32, #tpu.memory_space<vmem>> -> memref<80xi32, #tpu.memory_space<vmem>>
      %dma_start3A_417 = arith.constant 0 : i32
      %dma_start3A_418 = arith.constant 0 : i32
      %dma_start3A_419 = tpu.memref_slice %arg23[%dma_start3A_417, %dma_start3A_418] : memref<10000x16xf32, #tpu.memory_space<vmem_shared>> -> memref<10000x16xf32, #tpu.memory_space<vmem_shared>>
      tpu.enqueue_indirect_dma source(%arg11 : memref<80x16xf32, #tpu.memory_space<vmem>>) target(%dma_start3A_419 : memref<10000x16xf32, #tpu.memory_space<vmem_shared>>) offsets(%dma_start3A_416 : memref<80xi32, #tpu.memory_space<vmem>>) semaphore(%arg30 : memref<!tpu.dma_semaphore, #tpu.memory_space<semaphore_mem>>) {add = true}
      %dma_start3A_420 = arith.constant 1 : i32
      %dma_start3A_421 = arith.constant 0 : i32
      %dma_start3A_422 = tpu.memref_slice %arg19[%dma_start3A_420, %dma_start3A_421] : memref<2x80xi32, #tpu.memory_space<vmem>> -> memref<1x80xi32, #tpu.memory_space<vmem>>
      %dma_start3A_423 = tpu.memref_squeeze %dma_start3A_422 : memref<1x80xi32, #tpu.memory_space<vmem>> -> memref<80xi32, #tpu.memory_space<vmem>>
      %dma_start3A_424 = arith.constant 0 : i32
      %dma_start3A_425 = arith.constant 0 : i32
      %dma_start3A_426 = tpu.memref_slice %arg22[%dma_start3A_424, %dma_start3A_425] : memref<10000x128xf32, #tpu.memory_space<vmem_shared>> -> memref<10000x128xf32, #tpu.memory_space<vmem_shared>>
      tpu.enqueue_indirect_dma source(%arg12 : memref<80x128xf32, #tpu.memory_space<vmem>>) target(%dma_start3A_426 : memref<10000x128xf32, #tpu.memory_space<vmem_shared>>) offsets(%dma_start3A_423 : memref<80xi32, #tpu.memory_space<vmem>>) semaphore(%arg31 : memref<!tpu.dma_semaphore, #tpu.memory_space<semaphore_mem>>) {add = true}
      %add3A_427 = arith.constant 3 : i32
      %add3A_428 = arith.addi %mul3A_220, %add3A_427 : i32
      %gt3A_429 = arith.constant 0 : i32
      %gt3A_430 = arith.cmpi sgt, %add3A_428, %gt3A_429 : i32
      %convert_element_type3A_431 = arith.extui %gt3A_430 : i1 to i32
      %cond3A_432 = arith.constant 0 : i32
      %cond3A_433 = arith.cmpi ne, %convert_element_type3A_431, %cond3A_432 : i32
      scf.if %cond3A_433 {
        %dma_wait3A_498 = arith.constant 1 : i32
        %dma_wait3A_499 = arith.constant 0 : i32
        %dma_wait3A_500 = tpu.memref_slice %arg19[%dma_wait3A_498, %dma_wait3A_499] : memref<2x80xi32, #tpu.memory_space<vmem>> -> memref<1x80xi32, #tpu.memory_space<vmem>>
        %dma_wait3A_501 = tpu.memref_squeeze %dma_wait3A_500 : memref<1x80xi32, #tpu.memory_space<vmem>> -> memref<80xi32, #tpu.memory_space<vmem>>
        %dma_wait3A_502 = arith.constant 0 : i32
        %dma_wait3A_503 = arith.constant 0 : i32
        %dma_wait3A_504 = tpu.memref_slice %arg23[%dma_wait3A_502, %dma_wait3A_503] : memref<10000x16xf32, #tpu.memory_space<vmem_shared>> -> memref<10000x16xf32, #tpu.memory_space<vmem_shared>>
        tpu.wait_indirect_dma semaphore(%arg30 : memref<!tpu.dma_semaphore, #tpu.memory_space<semaphore_mem>>) src(%arg11 : memref<80x16xf32, #tpu.memory_space<vmem>>) dst(%dma_wait3A_504 : memref<10000x16xf32, #tpu.memory_space<vmem_shared>>)
        %dma_wait3A_505 = arith.constant 1 : i32
        %dma_wait3A_506 = arith.constant 0 : i32
        %dma_wait3A_507 = tpu.memref_slice %arg19[%dma_wait3A_505, %dma_wait3A_506] : memref<2x80xi32, #tpu.memory_space<vmem>> -> memref<1x80xi32, #tpu.memory_space<vmem>>
        %dma_wait3A_508 = tpu.memref_squeeze %dma_wait3A_507 : memref<1x80xi32, #tpu.memory_space<vmem>> -> memref<80xi32, #tpu.memory_space<vmem>>
        %dma_wait3A_509 = arith.constant 0 : i32
        %dma_wait3A_510 = arith.constant 0 : i32
        %dma_wait3A_511 = tpu.memref_slice %arg22[%dma_wait3A_509, %dma_wait3A_510] : memref<10000x128xf32, #tpu.memory_space<vmem_shared>> -> memref<10000x128xf32, #tpu.memory_space<vmem_shared>>
        tpu.wait_indirect_dma semaphore(%arg31 : memref<!tpu.dma_semaphore, #tpu.memory_space<semaphore_mem>>) src(%arg12 : memref<80x128xf32, #tpu.memory_space<vmem>>) dst(%dma_wait3A_511 : memref<10000x128xf32, #tpu.memory_space<vmem_shared>>)
      } else {
      }
      %add3A_434 = arith.constant 3 : i32
      %add3A_435 = arith.addi %add3A_428, %add3A_434 : i32
      %lt3A_436 = arith.constant 125 : i32
      %lt3A_437 = arith.cmpi slt, %add3A_435, %lt3A_436 : i32
      %convert_element_type3A_438 = arith.extui %lt3A_437 : i1 to i32
      %cond3A_439 = arith.constant 0 : i32
      %cond3A_440 = arith.cmpi ne, %convert_element_type3A_438, %cond3A_439 : i32
      scf.if %cond3A_440 {
        %add3A_498 = arith.constant 3 : i32
        %add3A_499 = arith.addi %add3A_428, %add3A_498 : i32
        %mul3A_500 = arith.constant 10000 : i32
        %mul3A_501 = arith.muli %add3A, %mul3A_500 : i32
        %mul3A_502 = arith.constant 80 : i32
        %mul3A_503 = arith.muli %add3A_499, %mul3A_502 : i32
        %add3A_504 = arith.addi %mul3A_501, %mul3A_503 : i32
        %dma_start3A_505 = arith.constant 0 : i32
        %dma_start3A_506 = tpu.memref_slice %arg2[%dma_start3A_505, %add3A_504] : memref<2x320000xi32, #tpu.memory_space<hbm>> -> memref<2x80xi32, #tpu.memory_space<hbm>>
        %dma_start3A_507 = arith.constant 0 : i32
        %dma_start3A_508 = tpu.memref_slice %arg2[%dma_start3A_507, %add3A_504] : memref<2x320000xi32, #tpu.memory_space<hbm>> -> memref<2x80xi32, #tpu.memory_space<hbm>>
        tpu.enqueue_dma source(%dma_start3A_508 : memref<2x80xi32, #tpu.memory_space<hbm>>) target(%arg19 : memref<2x80xi32, #tpu.memory_space<vmem>>) target_semaphore(%arg36 : memref<!tpu.dma_semaphore, #tpu.memory_space<semaphore_mem>>)
      } else {
      }
      %add3A_441 = arith.constant 1 : i32
      %add3A_442 = arith.addi %add3A_428, %add3A_441 : i32
      %lt3A_443 = arith.constant 125 : i32
      %lt3A_444 = arith.cmpi slt, %add3A_442, %lt3A_443 : i32
      %convert_element_type3A_445 = arith.extui %lt3A_444 : i1 to i32
      %cond3A_446 = arith.constant 0 : i32
      %cond3A_447 = arith.cmpi ne, %convert_element_type3A_445, %cond3A_446 : i32
      scf.if %cond3A_447 {
        %dma_wait3A_498 = arith.constant 0 : i32
        %dma_wait3A_499 = arith.constant 0 : i32
        %dma_wait3A_500 = tpu.memref_slice %arg2[%dma_wait3A_498, %dma_wait3A_499] : memref<2x320000xi32, #tpu.memory_space<hbm>> -> memref<2x80xi32, #tpu.memory_space<hbm>>
        %dma_wait3A_501 = arith.constant 0 : i32
        %dma_wait3A_502 = arith.constant 0 : i32
        %dma_wait3A_503 = tpu.memref_slice %arg2[%dma_wait3A_501, %dma_wait3A_502] : memref<2x320000xi32, #tpu.memory_space<hbm>> -> memref<2x80xi32, #tpu.memory_space<hbm>>
        tpu.wait_dma2 semaphore(%arg34 : memref<!tpu.dma_semaphore, #tpu.memory_space<semaphore_mem>>) src(%dma_wait3A_503 : memref<2x80xi32, #tpu.memory_space<hbm>>) dst(%arg17 : memref<2x80xi32, #tpu.memory_space<vmem>>)
        %dma_start3A_504 = arith.constant 0 : i32
        %dma_start3A_505 = arith.constant 0 : i32
        %dma_start3A_506 = tpu.memref_slice %arg17[%dma_start3A_504, %dma_start3A_505] : memref<2x80xi32, #tpu.memory_space<vmem>> -> memref<1x80xi32, #tpu.memory_space<vmem>>
        %dma_start3A_507 = tpu.memref_squeeze %dma_start3A_506 : memref<1x80xi32, #tpu.memory_space<vmem>> -> memref<80xi32, #tpu.memory_space<vmem>>
        %dma_start3A_508 = arith.constant 0 : i32
        %dma_start3A_509 = arith.constant 0 : i32
        %dma_start3A_510 = tpu.memref_slice %arg3[%dma_start3A_508, %dma_start3A_509] : memref<10000x128xf32, #tpu.memory_space<hbm>> -> memref<10000x128xf32, #tpu.memory_space<hbm>>
        tpu.enqueue_indirect_dma source(%dma_start3A_510 : memref<10000x128xf32, #tpu.memory_space<hbm>>) target(%arg12 : memref<80x128xf32, #tpu.memory_space<vmem>>) offsets(%dma_start3A_507 : memref<80xi32, #tpu.memory_space<vmem>>) semaphore(%arg24 : memref<!tpu.dma_semaphore, #tpu.memory_space<semaphore_mem>>)
        %dma_start3A_511 = arith.constant 0 : i32
        %dma_start3A_512 = arith.constant 0 : i32
        %dma_start3A_513 = tpu.memref_slice %arg17[%dma_start3A_511, %dma_start3A_512] : memref<2x80xi32, #tpu.memory_space<vmem>> -> memref<1x80xi32, #tpu.memory_space<vmem>>
        %dma_start3A_514 = tpu.memref_squeeze %dma_start3A_513 : memref<1x80xi32, #tpu.memory_space<vmem>> -> memref<80xi32, #tpu.memory_space<vmem>>
        %dma_start3A_515 = arith.constant 0 : i32
        %dma_start3A_516 = arith.constant 0 : i32
        %dma_start3A_517 = tpu.memref_slice %arg4[%dma_start3A_515, %dma_start3A_516] : memref<10000x16xf32, #tpu.memory_space<hbm>> -> memref<10000x16xf32, #tpu.memory_space<hbm>>
        tpu.enqueue_indirect_dma source(%dma_start3A_517 : memref<10000x16xf32, #tpu.memory_space<hbm>>) target(%arg9 : memref<80x16xf32, #tpu.memory_space<vmem>>) offsets(%dma_start3A_514 : memref<80xi32, #tpu.memory_space<vmem>>) semaphore(%arg25 : memref<!tpu.dma_semaphore, #tpu.memory_space<semaphore_mem>>)
        %dma_start3A_518 = arith.constant 1 : i32
        %dma_start3A_519 = arith.constant 0 : i32
        %dma_start3A_520 = tpu.memref_slice %arg17[%dma_start3A_518, %dma_start3A_519] : memref<2x80xi32, #tpu.memory_space<vmem>> -> memref<1x80xi32, #tpu.memory_space<vmem>>
        %dma_start3A_521 = tpu.memref_squeeze %dma_start3A_520 : memref<1x80xi32, #tpu.memory_space<vmem>> -> memref<80xi32, #tpu.memory_space<vmem>>
        %dma_start3A_522 = arith.constant 0 : i32
        %dma_start3A_523 = arith.constant 0 : i32
        %dma_start3A_524 = tpu.memref_slice %arg5[%dma_start3A_522, %dma_start3A_523] : memref<10000x16xf32, #tpu.memory_space<hbm>> -> memref<10000x16xf32, #tpu.memory_space<hbm>>
        tpu.enqueue_indirect_dma source(%dma_start3A_524 : memref<10000x16xf32, #tpu.memory_space<hbm>>) target(%arg10 : memref<80x16xf32, #tpu.memory_space<vmem>>) offsets(%dma_start3A_521 : memref<80xi32, #tpu.memory_space<vmem>>) semaphore(%arg26 : memref<!tpu.dma_semaphore, #tpu.memory_space<semaphore_mem>>)
      } else {
      }
      %dma_wait3A_448 = arith.constant 0 : i32
      %dma_wait3A_449 = arith.constant 0 : i32
      %dma_wait3A_450 = tpu.memref_slice %arg20[%dma_wait3A_448, %dma_wait3A_449] : memref<2x80xi32, #tpu.memory_space<vmem>> -> memref<1x80xi32, #tpu.memory_space<vmem>>
      %dma_wait3A_451 = tpu.memref_squeeze %dma_wait3A_450 : memref<1x80xi32, #tpu.memory_space<vmem>> -> memref<80xi32, #tpu.memory_space<vmem>>
      %dma_wait3A_452 = arith.constant 0 : i32
      %dma_wait3A_453 = arith.constant 0 : i32
      %dma_wait3A_454 = tpu.memref_slice %arg3[%dma_wait3A_452, %dma_wait3A_453] : memref<10000x128xf32, #tpu.memory_space<hbm>> -> memref<10000x128xf32, #tpu.memory_space<hbm>>
      tpu.wait_indirect_dma semaphore(%arg27 : memref<!tpu.dma_semaphore, #tpu.memory_space<semaphore_mem>>) src(%dma_wait3A_454 : memref<10000x128xf32, #tpu.memory_space<hbm>>) dst(%arg16 : memref<80x128xf32, #tpu.memory_space<vmem>>)
      %dma_wait3A_455 = arith.constant 0 : i32
      %dma_wait3A_456 = arith.constant 0 : i32
      %dma_wait3A_457 = tpu.memref_slice %arg20[%dma_wait3A_455, %dma_wait3A_456] : memref<2x80xi32, #tpu.memory_space<vmem>> -> memref<1x80xi32, #tpu.memory_space<vmem>>
      %dma_wait3A_458 = tpu.memref_squeeze %dma_wait3A_457 : memref<1x80xi32, #tpu.memory_space<vmem>> -> memref<80xi32, #tpu.memory_space<vmem>>
      %dma_wait3A_459 = arith.constant 0 : i32
      %dma_wait3A_460 = arith.constant 0 : i32
      %dma_wait3A_461 = tpu.memref_slice %arg4[%dma_wait3A_459, %dma_wait3A_460] : memref<10000x16xf32, #tpu.memory_space<hbm>> -> memref<10000x16xf32, #tpu.memory_space<hbm>>
      tpu.wait_indirect_dma semaphore(%arg28 : memref<!tpu.dma_semaphore, #tpu.memory_space<semaphore_mem>>) src(%dma_wait3A_461 : memref<10000x16xf32, #tpu.memory_space<hbm>>) dst(%arg13 : memref<80x16xf32, #tpu.memory_space<vmem>>)
      %dma_wait3A_462 = arith.constant 1 : i32
      %dma_wait3A_463 = arith.constant 0 : i32
      %dma_wait3A_464 = tpu.memref_slice %arg20[%dma_wait3A_462, %dma_wait3A_463] : memref<2x80xi32, #tpu.memory_space<vmem>> -> memref<1x80xi32, #tpu.memory_space<vmem>>
      %dma_wait3A_465 = tpu.memref_squeeze %dma_wait3A_464 : memref<1x80xi32, #tpu.memory_space<vmem>> -> memref<80xi32, #tpu.memory_space<vmem>>
      %dma_wait3A_466 = arith.constant 0 : i32
      %dma_wait3A_467 = arith.constant 0 : i32
      %dma_wait3A_468 = tpu.memref_slice %arg5[%dma_wait3A_466, %dma_wait3A_467] : memref<10000x16xf32, #tpu.memory_space<hbm>> -> memref<10000x16xf32, #tpu.memory_space<hbm>>
      tpu.wait_indirect_dma semaphore(%arg29 : memref<!tpu.dma_semaphore, #tpu.memory_space<semaphore_mem>>) src(%dma_wait3A_468 : memref<10000x16xf32, #tpu.memory_space<hbm>>) dst(%arg14 : memref<80x16xf32, #tpu.memory_space<vmem>>)
      %scan3A_469 = arith.constant 0 : i32
      %scan3A_470 = arith.constant 0 : i32
      %scan3A_471 = arith.constant 80 : i32
      %scan3A_472 = arith.addi %scan3A_470, %scan3A_471 : i32
      %scan3A_473 = arith.constant 1 : i32
      %scan3A_474 = scf.for %scan3A_498 = %scan3A_470 to %scan3A_472 step %scan3A_473 iter_args(%scan3A_499 = %scan3A_469) -> (i32)  : i32 {
        %get3A_500 = arith.index_cast %scan3A_498 : i32 to index
        %get3A_501 = arith.constant 0 : index
        %get3A_502 = tpu.vector_load %arg13[%get3A_500, %get3A_501] {strides = array<i32>} : memref<80x16xf32, #tpu.memory_space<vmem>>, vector<1x16xf32>,
        %get3A_503 = vector.shape_cast %get3A_502 : vector<1x16xf32> to vector<16xf32>
        %get3A_504 = arith.index_cast %scan3A_498 : i32 to index
        %get3A_505 = arith.constant 0 : index
        %get3A_506 = tpu.vector_load %arg14[%get3A_504, %get3A_505] {strides = array<i32>} : memref<80x16xf32, #tpu.memory_space<vmem>>, vector<1x16xf32>,
        %get3A_507 = vector.shape_cast %get3A_506 : vector<1x16xf32> to vector<16xf32>
        %add3A_508 = arith.addf %get3A_503, %get3A_507 : vector<16xf32>
        %lt3A_509 = arith.constant 0.000000e+00 : f32
        %lt3A_510 = vector.broadcast %lt3A_509 : f32 to vector<16xf32>
        %lt3A_511 = arith.cmpf olt, %add3A_508, %lt3A_510 : vector<16xf32>
        %mul3A_512 = arith.constant 2.000000e-01 : f32
        %mul3A_513 = vector.broadcast %mul3A_512 : f32 to vector<16xf32>
        %mul3A_514 = arith.mulf %add3A_508, %mul3A_513 : vector<16xf32>
        %select_n3A = arith.select %lt3A_511, %mul3A_514, %add3A_508 : vector<16xi1>, vector<16xf32>
        %sub3A = arith.subf %select_n3A, %get3A_75 : vector<16xf32>
        %exp3A = math.exp %sub3A : vector<16xf32>
        %swap3A = arith.index_cast %scan3A_498 : i32 to index
        %swap3A_515 = arith.constant 0 : index
        %swap3A_516 = tpu.vector_load %arg15[%swap3A, %swap3A_515] {strides = array<i32>} : memref<80x16xf32, #tpu.memory_space<vmem>>, vector<1x16xf32>,
        %swap3A_517 = vector.shape_cast %swap3A_516 : vector<1x16xf32> to vector<16xf32>
        %swap3A_518 = vector.shape_cast %exp3A : vector<16xf32> to vector<1x16xf32>
        tpu.vector_store %arg15[%swap3A, %swap3A_515], %swap3A_518 {strides = array<i32>} : memref<80x16xf32, #tpu.memory_space<vmem>>, vector<1x16xf32>,
        %scan3A_519 = arith.constant 0 : i32
        scf.yield %scan3A_519 : i32
      }
      %scan3A_475 = arith.constant 80 : i32
      %scan3A_476 = arith.constant 0 : i32
      %scan3A_477 = arith.constant 0 : i32
      %scan3A_478 = arith.constant 80 : i32
      %scan3A_479 = arith.addi %scan3A_477, %scan3A_478 : i32
      %scan3A_480 = arith.constant 1 : i32
      %scan3A_481 = scf.for %scan3A_498 = %scan3A_477 to %scan3A_479 step %scan3A_480 iter_args(%scan3A_499 = %scan3A_476) -> (i32)  : i32 {
        %get3A_500 = arith.index_cast %scan3A_498 : i32 to index
        %get3A_501 = arith.constant 0 : index
        %get3A_502 = tpu.vector_load %arg15[%get3A_500, %get3A_501] {strides = array<i32>} : memref<80x16xf32, #tpu.memory_space<vmem>>, vector<1x16xf32>,
        %get3A_503 = vector.shape_cast %get3A_502 : vector<1x16xf32> to vector<16xf32>
        %slice3A = vector.extract_strided_slice %get3A_503 {offsets = [0], sizes = [1], strides = [1]} : vector<16xf32> to vector<1xf32>
        %squeeze3A = vector.extract %slice3A[0] : f32 from vector<1xf32>
        %broadcast_in_dim3A_504 = vector.broadcast %squeeze3A : f32 to vector<16xf32>
        %get3A_505 = arith.index_cast %scan3A_498 : i32 to index
        %get3A_506 = arith.constant 0 : index
        %get3A_507 = tpu.vector_load %arg16[%get3A_505, %get3A_506] {strides = array<i32>} : memref<80x128xf32, #tpu.memory_space<vmem>>, vector<1x16xf32>,
        %get3A_508 = vector.shape_cast %get3A_507 : vector<1x16xf32> to vector<16xf32>
        %mul3A_509 = arith.mulf %get3A_508, %broadcast_in_dim3A_504 : vector<16xf32>
        %swap3A = arith.index_cast %scan3A_498 : i32 to index
        %swap3A_510 = arith.constant 0 : index
        %swap3A_511 = tpu.vector_load %arg16[%swap3A, %swap3A_510] {strides = array<i32>} : memref<80x128xf32, #tpu.memory_space<vmem>>, vector<1x16xf32>,
        %swap3A_512 = vector.shape_cast %swap3A_511 : vector<1x16xf32> to vector<16xf32>
        %swap3A_513 = vector.shape_cast %mul3A_509 : vector<16xf32> to vector<1x16xf32>
        tpu.vector_store %arg16[%swap3A, %swap3A_510], %swap3A_513 {strides = array<i32>} : memref<80x128xf32, #tpu.memory_space<vmem>>, vector<1x16xf32>,
        %slice3A_514 = vector.extract_strided_slice %get3A_503 {offsets = [1], sizes = [1], strides = [1]} : vector<16xf32> to vector<1xf32>
        %squeeze3A_515 = vector.extract %slice3A_514[0] : f32 from vector<1xf32>
        %broadcast_in_dim3A_516 = vector.broadcast %squeeze3A_515 : f32 to vector<16xf32>
        %get3A_517 = arith.index_cast %scan3A_498 : i32 to index
        %get3A_518 = arith.constant 16 : index
        %get3A_519 = tpu.vector_load %arg16[%get3A_517, %get3A_518] {strides = array<i32>} : memref<80x128xf32, #tpu.memory_space<vmem>>, vector<1x16xf32>,
        %get3A_520 = vector.shape_cast %get3A_519 : vector<1x16xf32> to vector<16xf32>
        %mul3A_521 = arith.mulf %get3A_520, %broadcast_in_dim3A_516 : vector<16xf32>
        %swap3A_522 = arith.index_cast %scan3A_498 : i32 to index
        %swap3A_523 = arith.constant 16 : index
        %swap3A_524 = tpu.vector_load %arg16[%swap3A_522, %swap3A_523] {strides = array<i32>} : memref<80x128xf32, #tpu.memory_space<vmem>>, vector<1x16xf32>,
        %swap3A_525 = vector.shape_cast %swap3A_524 : vector<1x16xf32> to vector<16xf32>
        %swap3A_526 = vector.shape_cast %mul3A_521 : vector<16xf32> to vector<1x16xf32>
        tpu.vector_store %arg16[%swap3A_522, %swap3A_523], %swap3A_526 {strides = array<i32>} : memref<80x128xf32, #tpu.memory_space<vmem>>, vector<1x16xf32>,
        %slice3A_527 = vector.extract_strided_slice %get3A_503 {offsets = [2], sizes = [1], strides = [1]} : vector<16xf32> to vector<1xf32>
        %squeeze3A_528 = vector.extract %slice3A_527[0] : f32 from vector<1xf32>
        %broadcast_in_dim3A_529 = vector.broadcast %squeeze3A_528 : f32 to vector<16xf32>
        %get3A_530 = arith.index_cast %scan3A_498 : i32 to index
        %get3A_531 = arith.constant 32 : index
        %get3A_532 = tpu.vector_load %arg16[%get3A_530, %get3A_531] {strides = array<i32>} : memref<80x128xf32, #tpu.memory_space<vmem>>, vector<1x16xf32>,
        %get3A_533 = vector.shape_cast %get3A_532 : vector<1x16xf32> to vector<16xf32>
        %mul3A_534 = arith.mulf %get3A_533, %broadcast_in_dim3A_529 : vector<16xf32>
        %swap3A_535 = arith.index_cast %scan3A_498 : i32 to index
        %swap3A_536 = arith.constant 32 : index
        %swap3A_537 = tpu.vector_load %arg16[%swap3A_535, %swap3A_536] {strides = array<i32>} : memref<80x128xf32, #tpu.memory_space<vmem>>, vector<1x16xf32>,
        %swap3A_538 = vector.shape_cast %swap3A_537 : vector<1x16xf32> to vector<16xf32>
        %swap3A_539 = vector.shape_cast %mul3A_534 : vector<16xf32> to vector<1x16xf32>
        tpu.vector_store %arg16[%swap3A_535, %swap3A_536], %swap3A_539 {strides = array<i32>} : memref<80x128xf32, #tpu.memory_space<vmem>>, vector<1x16xf32>,
        %slice3A_540 = vector.extract_strided_slice %get3A_503 {offsets = [3], sizes = [1], strides = [1]} : vector<16xf32> to vector<1xf32>
        %squeeze3A_541 = vector.extract %slice3A_540[0] : f32 from vector<1xf32>
        %broadcast_in_dim3A_542 = vector.broadcast %squeeze3A_541 : f32 to vector<16xf32>
        %get3A_543 = arith.index_cast %scan3A_498 : i32 to index
        %get3A_544 = arith.constant 48 : index
        %get3A_545 = tpu.vector_load %arg16[%get3A_543, %get3A_544] {strides = array<i32>} : memref<80x128xf32, #tpu.memory_space<vmem>>, vector<1x16xf32>,
        %get3A_546 = vector.shape_cast %get3A_545 : vector<1x16xf32> to vector<16xf32>
        %mul3A_547 = arith.mulf %get3A_546, %broadcast_in_dim3A_542 : vector<16xf32>
        %swap3A_548 = arith.index_cast %scan3A_498 : i32 to index
        %swap3A_549 = arith.constant 48 : index
        %swap3A_550 = tpu.vector_load %arg16[%swap3A_548, %swap3A_549] {strides = array<i32>} : memref<80x128xf32, #tpu.memory_space<vmem>>, vector<1x16xf32>,
        %swap3A_551 = vector.shape_cast %swap3A_550 : vector<1x16xf32> to vector<16xf32>
        %swap3A_552 = vector.shape_cast %mul3A_547 : vector<16xf32> to vector<1x16xf32>
        tpu.vector_store %arg16[%swap3A_548, %swap3A_549], %swap3A_552 {strides = array<i32>} : memref<80x128xf32, #tpu.memory_space<vmem>>, vector<1x16xf32>,
        %slice3A_553 = vector.extract_strided_slice %get3A_503 {offsets = [4], sizes = [1], strides = [1]} : vector<16xf32> to vector<1xf32>
        %squeeze3A_554 = vector.extract %slice3A_553[0] : f32 from vector<1xf32>
        %broadcast_in_dim3A_555 = vector.broadcast %squeeze3A_554 : f32 to vector<16xf32>
        %get3A_556 = arith.index_cast %scan3A_498 : i32 to index
        %get3A_557 = arith.constant 64 : index
        %get3A_558 = tpu.vector_load %arg16[%get3A_556, %get3A_557] {strides = array<i32>} : memref<80x128xf32, #tpu.memory_space<vmem>>, vector<1x16xf32>,
        %get3A_559 = vector.shape_cast %get3A_558 : vector<1x16xf32> to vector<16xf32>
        %mul3A_560 = arith.mulf %get3A_559, %broadcast_in_dim3A_555 : vector<16xf32>
        %swap3A_561 = arith.index_cast %scan3A_498 : i32 to index
        %swap3A_562 = arith.constant 64 : index
        %swap3A_563 = tpu.vector_load %arg16[%swap3A_561, %swap3A_562] {strides = array<i32>} : memref<80x128xf32, #tpu.memory_space<vmem>>, vector<1x16xf32>,
        %swap3A_564 = vector.shape_cast %swap3A_563 : vector<1x16xf32> to vector<16xf32>
        %swap3A_565 = vector.shape_cast %mul3A_560 : vector<16xf32> to vector<1x16xf32>
        tpu.vector_store %arg16[%swap3A_561, %swap3A_562], %swap3A_565 {strides = array<i32>} : memref<80x128xf32, #tpu.memory_space<vmem>>, vector<1x16xf32>,
        %slice3A_566 = vector.extract_strided_slice %get3A_503 {offsets = [5], sizes = [1], strides = [1]} : vector<16xf32> to vector<1xf32>
        %squeeze3A_567 = vector.extract %slice3A_566[0] : f32 from vector<1xf32>
        %broadcast_in_dim3A_568 = vector.broadcast %squeeze3A_567 : f32 to vector<16xf32>
        %get3A_569 = arith.index_cast %scan3A_498 : i32 to index
        %get3A_570 = arith.constant 80 : index
        %get3A_571 = tpu.vector_load %arg16[%get3A_569, %get3A_570] {strides = array<i32>} : memref<80x128xf32, #tpu.memory_space<vmem>>, vector<1x16xf32>,
        %get3A_572 = vector.shape_cast %get3A_571 : vector<1x16xf32> to vector<16xf32>
        %mul3A_573 = arith.mulf %get3A_572, %broadcast_in_dim3A_568 : vector<16xf32>
        %swap3A_574 = arith.index_cast %scan3A_498 : i32 to index
        %swap3A_575 = arith.constant 80 : index
        %swap3A_576 = tpu.vector_load %arg16[%swap3A_574, %swap3A_575] {strides = array<i32>} : memref<80x128xf32, #tpu.memory_space<vmem>>, vector<1x16xf32>,
        %swap3A_577 = vector.shape_cast %swap3A_576 : vector<1x16xf32> to vector<16xf32>
        %swap3A_578 = vector.shape_cast %mul3A_573 : vector<16xf32> to vector<1x16xf32>
        tpu.vector_store %arg16[%swap3A_574, %swap3A_575], %swap3A_578 {strides = array<i32>} : memref<80x128xf32, #tpu.memory_space<vmem>>, vector<1x16xf32>,
        %slice3A_579 = vector.extract_strided_slice %get3A_503 {offsets = [6], sizes = [1], strides = [1]} : vector<16xf32> to vector<1xf32>
        %squeeze3A_580 = vector.extract %slice3A_579[0] : f32 from vector<1xf32>
        %broadcast_in_dim3A_581 = vector.broadcast %squeeze3A_580 : f32 to vector<16xf32>
        %get3A_582 = arith.index_cast %scan3A_498 : i32 to index
        %get3A_583 = arith.constant 96 : index
        %get3A_584 = tpu.vector_load %arg16[%get3A_582, %get3A_583] {strides = array<i32>} : memref<80x128xf32, #tpu.memory_space<vmem>>, vector<1x16xf32>,
        %get3A_585 = vector.shape_cast %get3A_584 : vector<1x16xf32> to vector<16xf32>
        %mul3A_586 = arith.mulf %get3A_585, %broadcast_in_dim3A_581 : vector<16xf32>
        %swap3A_587 = arith.index_cast %scan3A_498 : i32 to index
        %swap3A_588 = arith.constant 96 : index
        %swap3A_589 = tpu.vector_load %arg16[%swap3A_587, %swap3A_588] {strides = array<i32>} : memref<80x128xf32, #tpu.memory_space<vmem>>, vector<1x16xf32>,
        %swap3A_590 = vector.shape_cast %swap3A_589 : vector<1x16xf32> to vector<16xf32>
        %swap3A_591 = vector.shape_cast %mul3A_586 : vector<16xf32> to vector<1x16xf32>
        tpu.vector_store %arg16[%swap3A_587, %swap3A_588], %swap3A_591 {strides = array<i32>} : memref<80x128xf32, #tpu.memory_space<vmem>>, vector<1x16xf32>,
        %slice3A_592 = vector.extract_strided_slice %get3A_503 {offsets = [7], sizes = [1], strides = [1]} : vector<16xf32> to vector<1xf32>
        %squeeze3A_593 = vector.extract %slice3A_592[0] : f32 from vector<1xf32>
        %broadcast_in_dim3A_594 = vector.broadcast %squeeze3A_593 : f32 to vector<16xf32>
        %get3A_595 = arith.index_cast %scan3A_498 : i32 to index
        %get3A_596 = arith.constant 112 : index
        %get3A_597 = tpu.vector_load %arg16[%get3A_595, %get3A_596] {strides = array<i32>} : memref<80x128xf32, #tpu.memory_space<vmem>>, vector<1x16xf32>,
        %get3A_598 = vector.shape_cast %get3A_597 : vector<1x16xf32> to vector<16xf32>
        %mul3A_599 = arith.mulf %get3A_598, %broadcast_in_dim3A_594 : vector<16xf32>
        %swap3A_600 = arith.index_cast %scan3A_498 : i32 to index
        %swap3A_601 = arith.constant 112 : index
        %swap3A_602 = tpu.vector_load %arg16[%swap3A_600, %swap3A_601] {strides = array<i32>} : memref<80x128xf32, #tpu.memory_space<vmem>>, vector<1x16xf32>,
        %swap3A_603 = vector.shape_cast %swap3A_602 : vector<1x16xf32> to vector<16xf32>
        %swap3A_604 = vector.shape_cast %mul3A_599 : vector<16xf32> to vector<1x16xf32>
        tpu.vector_store %arg16[%swap3A_600, %swap3A_601], %swap3A_604 {strides = array<i32>} : memref<80x128xf32, #tpu.memory_space<vmem>>, vector<1x16xf32>,
        %scan3A_605 = arith.constant 0 : i32
        scf.yield %scan3A_605 : i32
      }
      %scan3A_482 = arith.constant 80 : i32
      %dma_start3A_483 = arith.constant 1 : i32
      %dma_start3A_484 = arith.constant 0 : i32
      %dma_start3A_485 = tpu.memref_slice %arg20[%dma_start3A_483, %dma_start3A_484] : memref<2x80xi32, #tpu.memory_space<vmem>> -> memref<1x80xi32, #tpu.memory_space<vmem>>
      %dma_start3A_486 = tpu.memref_squeeze %dma_start3A_485 : memref<1x80xi32, #tpu.memory_space<vmem>> -> memref<80xi32, #tpu.memory_space<vmem>>
      %dma_start3A_487 = arith.constant 0 : i32
      %dma_start3A_488 = arith.constant 0 : i32
      %dma_start3A_489 = tpu.memref_slice %arg23[%dma_start3A_487, %dma_start3A_488] : memref<10000x16xf32, #tpu.memory_space<vmem_shared>> -> memref<10000x16xf32, #tpu.memory_space<vmem_shared>>
      tpu.enqueue_indirect_dma source(%arg15 : memref<80x16xf32, #tpu.memory_space<vmem>>) target(%dma_start3A_489 : memref<10000x16xf32, #tpu.memory_space<vmem_shared>>) offsets(%dma_start3A_486 : memref<80xi32, #tpu.memory_space<vmem>>) semaphore(%arg32 : memref<!tpu.dma_semaphore, #tpu.memory_space<semaphore_mem>>) {add = true}
      %dma_start3A_490 = arith.constant 1 : i32
      %dma_start3A_491 = arith.constant 0 : i32
      %dma_start3A_492 = tpu.memref_slice %arg20[%dma_start3A_490, %dma_start3A_491] : memref<2x80xi32, #tpu.memory_space<vmem>> -> memref<1x80xi32, #tpu.memory_space<vmem>>
      %dma_start3A_493 = tpu.memref_squeeze %dma_start3A_492 : memref<1x80xi32, #tpu.memory_space<vmem>> -> memref<80xi32, #tpu.memory_space<vmem>>
      %dma_start3A_494 = arith.constant 0 : i32
      %dma_start3A_495 = arith.constant 0 : i32
      %dma_start3A_496 = tpu.memref_slice %arg22[%dma_start3A_494, %dma_start3A_495] : memref<10000x128xf32, #tpu.memory_space<vmem_shared>> -> memref<10000x128xf32, #tpu.memory_space<vmem_shared>>
      tpu.enqueue_indirect_dma source(%arg16 : memref<80x128xf32, #tpu.memory_space<vmem>>) target(%dma_start3A_496 : memref<10000x128xf32, #tpu.memory_space<vmem_shared>>) offsets(%dma_start3A_493 : memref<80xi32, #tpu.memory_space<vmem>>) semaphore(%arg33 : memref<!tpu.dma_semaphore, #tpu.memory_space<semaphore_mem>>) {add = true}
      %scan3A_497 = arith.constant 0 : i32
      scf.yield %scan3A_497 : i32
    }
    %scan3A_131 = arith.constant 31 : i32
    %dma_wait3A_132 = arith.constant 1 : i32
    %dma_wait3A_133 = arith.constant 0 : i32
    %dma_wait3A_134 = tpu.memref_slice %arg20[%dma_wait3A_132, %dma_wait3A_133] : memref<2x80xi32, #tpu.memory_space<vmem>> -> memref<1x80xi32, #tpu.memory_space<vmem>>
    %dma_wait3A_135 = tpu.memref_squeeze %dma_wait3A_134 : memref<1x80xi32, #tpu.memory_space<vmem>> -> memref<80xi32, #tpu.memory_space<vmem>>
    %dma_wait3A_136 = arith.constant 0 : i32
    %dma_wait3A_137 = arith.constant 0 : i32
    %dma_wait3A_138 = tpu.memref_slice %arg23[%dma_wait3A_136, %dma_wait3A_137] : memref<10000x16xf32, #tpu.memory_space<vmem_shared>> -> memref<10000x16xf32, #tpu.memory_space<vmem_shared>>
    tpu.wait_indirect_dma semaphore(%arg32 : memref<!tpu.dma_semaphore, #tpu.memory_space<semaphore_mem>>) src(%arg15 : memref<80x16xf32, #tpu.memory_space<vmem>>) dst(%dma_wait3A_138 : memref<10000x16xf32, #tpu.memory_space<vmem_shared>>)
    %dma_wait3A_139 = arith.constant 1 : i32
    %dma_wait3A_140 = arith.constant 0 : i32
    %dma_wait3A_141 = tpu.memref_slice %arg20[%dma_wait3A_139, %dma_wait3A_140] : memref<2x80xi32, #tpu.memory_space<vmem>> -> memref<1x80xi32, #tpu.memory_space<vmem>>
    %dma_wait3A_142 = tpu.memref_squeeze %dma_wait3A_141 : memref<1x80xi32, #tpu.memory_space<vmem>> -> memref<80xi32, #tpu.memory_space<vmem>>
    %dma_wait3A_143 = arith.constant 0 : i32
    %dma_wait3A_144 = arith.constant 0 : i32
    %dma_wait3A_145 = tpu.memref_slice %arg22[%dma_wait3A_143, %dma_wait3A_144] : memref<10000x128xf32, #tpu.memory_space<vmem_shared>> -> memref<10000x128xf32, #tpu.memory_space<vmem_shared>>
    tpu.wait_indirect_dma semaphore(%arg33 : memref<!tpu.dma_semaphore, #tpu.memory_space<semaphore_mem>>) src(%arg16 : memref<80x128xf32, #tpu.memory_space<vmem>>) dst(%dma_wait3A_145 : memref<10000x128xf32, #tpu.memory_space<vmem_shared>>)
    %dma_wait3A_146 = arith.constant 0 : i32
    %dma_wait3A_147 = arith.constant 0 : i32
    %dma_wait3A_148 = tpu.memref_slice %arg17[%dma_wait3A_146, %dma_wait3A_147] : memref<2x80xi32, #tpu.memory_space<vmem>> -> memref<1x80xi32, #tpu.memory_space<vmem>>
    %dma_wait3A_149 = tpu.memref_squeeze %dma_wait3A_148 : memref<1x80xi32, #tpu.memory_space<vmem>> -> memref<80xi32, #tpu.memory_space<vmem>>
    %dma_wait3A_150 = arith.constant 0 : i32
    %dma_wait3A_151 = arith.constant 0 : i32
    %dma_wait3A_152 = tpu.memref_slice %arg3[%dma_wait3A_150, %dma_wait3A_151] : memref<10000x128xf32, #tpu.memory_space<hbm>> -> memref<10000x128xf32, #tpu.memory_space<hbm>>
    tpu.wait_indirect_dma semaphore(%arg24 : memref<!tpu.dma_semaphore, #tpu.memory_space<semaphore_mem>>) src(%dma_wait3A_152 : memref<10000x128xf32, #tpu.memory_space<hbm>>) dst(%arg12 : memref<80x128xf32, #tpu.memory_space<vmem>>)
    %dma_wait3A_153 = arith.constant 0 : i32
    %dma_wait3A_154 = arith.constant 0 : i32
    %dma_wait3A_155 = tpu.memref_slice %arg17[%dma_wait3A_153, %dma_wait3A_154] : memref<2x80xi32, #tpu.memory_space<vmem>> -> memref<1x80xi32, #tpu.memory_space<vmem>>
    %dma_wait3A_156 = tpu.memref_squeeze %dma_wait3A_155 : memref<1x80xi32, #tpu.memory_space<vmem>> -> memref<80xi32, #tpu.memory_space<vmem>>
    %dma_wait3A_157 = arith.constant 0 : i32
    %dma_wait3A_158 = arith.constant 0 : i32
    %dma_wait3A_159 = tpu.memref_slice %arg4[%dma_wait3A_157, %dma_wait3A_158] : memref<10000x16xf32, #tpu.memory_space<hbm>> -> memref<10000x16xf32, #tpu.memory_space<hbm>>
    tpu.wait_indirect_dma semaphore(%arg25 : memref<!tpu.dma_semaphore, #tpu.memory_space<semaphore_mem>>) src(%dma_wait3A_159 : memref<10000x16xf32, #tpu.memory_space<hbm>>) dst(%arg9 : memref<80x16xf32, #tpu.memory_space<vmem>>)
    %dma_wait3A_160 = arith.constant 1 : i32
    %dma_wait3A_161 = arith.constant 0 : i32
    %dma_wait3A_162 = tpu.memref_slice %arg17[%dma_wait3A_160, %dma_wait3A_161] : memref<2x80xi32, #tpu.memory_space<vmem>> -> memref<1x80xi32, #tpu.memory_space<vmem>>
    %dma_wait3A_163 = tpu.memref_squeeze %dma_wait3A_162 : memref<1x80xi32, #tpu.memory_space<vmem>> -> memref<80xi32, #tpu.memory_space<vmem>>
    %dma_wait3A_164 = arith.constant 0 : i32
    %dma_wait3A_165 = arith.constant 0 : i32
    %dma_wait3A_166 = tpu.memref_slice %arg5[%dma_wait3A_164, %dma_wait3A_165] : memref<10000x16xf32, #tpu.memory_space<hbm>> -> memref<10000x16xf32, #tpu.memory_space<hbm>>
    tpu.wait_indirect_dma semaphore(%arg26 : memref<!tpu.dma_semaphore, #tpu.memory_space<semaphore_mem>>) src(%dma_wait3A_166 : memref<10000x16xf32, #tpu.memory_space<hbm>>) dst(%arg10 : memref<80x16xf32, #tpu.memory_space<vmem>>)
    %scan3A_167 = arith.constant 0 : i32
    %scan3A_168 = arith.constant 0 : i32
    %scan3A_169 = arith.constant 80 : i32
    %scan3A_170 = arith.addi %scan3A_168, %scan3A_169 : i32
    %scan3A_171 = arith.constant 1 : i32
    %scan3A_172 = scf.for %scan3A_217 = %scan3A_168 to %scan3A_170 step %scan3A_171 iter_args(%scan3A_218 = %scan3A_167) -> (i32)  : i32 {
      %get3A_219 = arith.index_cast %scan3A_217 : i32 to index
      %get3A_220 = arith.constant 0 : index
      %get3A_221 = tpu.vector_load %arg9[%get3A_219, %get3A_220] {strides = array<i32>} : memref<80x16xf32, #tpu.memory_space<vmem>>, vector<1x16xf32>,
      %get3A_222 = vector.shape_cast %get3A_221 : vector<1x16xf32> to vector<16xf32>
      %get3A_223 = arith.index_cast %scan3A_217 : i32 to index
      %get3A_224 = arith.constant 0 : index
      %get3A_225 = tpu.vector_load %arg10[%get3A_223, %get3A_224] {strides = array<i32>} : memref<80x16xf32, #tpu.memory_space<vmem>>, vector<1x16xf32>,
      %get3A_226 = vector.shape_cast %get3A_225 : vector<1x16xf32> to vector<16xf32>
      %add3A_227 = arith.addf %get3A_222, %get3A_226 : vector<16xf32>
      %lt3A = arith.constant 0.000000e+00 : f32
      %lt3A_228 = vector.broadcast %lt3A : f32 to vector<16xf32>
      %lt3A_229 = arith.cmpf olt, %add3A_227, %lt3A_228 : vector<16xf32>
      %mul3A_230 = arith.constant 2.000000e-01 : f32
      %mul3A_231 = vector.broadcast %mul3A_230 : f32 to vector<16xf32>
      %mul3A_232 = arith.mulf %add3A_227, %mul3A_231 : vector<16xf32>
      %select_n3A = arith.select %lt3A_229, %mul3A_232, %add3A_227 : vector<16xi1>, vector<16xf32>
      %sub3A = arith.subf %select_n3A, %get3A_75 : vector<16xf32>
      %exp3A = math.exp %sub3A : vector<16xf32>
      %swap3A = arith.index_cast %scan3A_217 : i32 to index
      %swap3A_233 = arith.constant 0 : index
      %swap3A_234 = tpu.vector_load %arg11[%swap3A, %swap3A_233] {strides = array<i32>} : memref<80x16xf32, #tpu.memory_space<vmem>>, vector<1x16xf32>,
      %swap3A_235 = vector.shape_cast %swap3A_234 : vector<1x16xf32> to vector<16xf32>
      %swap3A_236 = vector.shape_cast %exp3A : vector<16xf32> to vector<1x16xf32>
      tpu.vector_store %arg11[%swap3A, %swap3A_233], %swap3A_236 {strides = array<i32>} : memref<80x16xf32, #tpu.memory_space<vmem>>, vector<1x16xf32>,
      %scan3A_237 = arith.constant 0 : i32
      scf.yield %scan3A_237 : i32
    }
    %scan3A_173 = arith.constant 80 : i32
    %scan3A_174 = arith.constant 0 : i32
    %scan3A_175 = arith.constant 0 : i32
    %scan3A_176 = arith.constant 80 : i32
    %scan3A_177 = arith.addi %scan3A_175, %scan3A_176 : i32
    %scan3A_178 = arith.constant 1 : i32
    %scan3A_179 = scf.for %scan3A_217 = %scan3A_175 to %scan3A_177 step %scan3A_178 iter_args(%scan3A_218 = %scan3A_174) -> (i32)  : i32 {
      %get3A_219 = arith.index_cast %scan3A_217 : i32 to index
      %get3A_220 = arith.constant 0 : index
      %get3A_221 = tpu.vector_load %arg11[%get3A_219, %get3A_220] {strides = array<i32>} : memref<80x16xf32, #tpu.memory_space<vmem>>, vector<1x16xf32>,
      %get3A_222 = vector.shape_cast %get3A_221 : vector<1x16xf32> to vector<16xf32>
      %slice3A = vector.extract_strided_slice %get3A_222 {offsets = [0], sizes = [1], strides = [1]} : vector<16xf32> to vector<1xf32>
      %squeeze3A = vector.extract %slice3A[0] : f32 from vector<1xf32>
      %broadcast_in_dim3A_223 = vector.broadcast %squeeze3A : f32 to vector<16xf32>
      %get3A_224 = arith.index_cast %scan3A_217 : i32 to index
      %get3A_225 = arith.constant 0 : index
      %get3A_226 = tpu.vector_load %arg12[%get3A_224, %get3A_225] {strides = array<i32>} : memref<80x128xf32, #tpu.memory_space<vmem>>, vector<1x16xf32>,
      %get3A_227 = vector.shape_cast %get3A_226 : vector<1x16xf32> to vector<16xf32>
      %mul3A_228 = arith.mulf %get3A_227, %broadcast_in_dim3A_223 : vector<16xf32>
      %swap3A = arith.index_cast %scan3A_217 : i32 to index
      %swap3A_229 = arith.constant 0 : index
      %swap3A_230 = tpu.vector_load %arg12[%swap3A, %swap3A_229] {strides = array<i32>} : memref<80x128xf32, #tpu.memory_space<vmem>>, vector<1x16xf32>,
      %swap3A_231 = vector.shape_cast %swap3A_230 : vector<1x16xf32> to vector<16xf32>
      %swap3A_232 = vector.shape_cast %mul3A_228 : vector<16xf32> to vector<1x16xf32>
      tpu.vector_store %arg12[%swap3A, %swap3A_229], %swap3A_232 {strides = array<i32>} : memref<80x128xf32, #tpu.memory_space<vmem>>, vector<1x16xf32>,
      %slice3A_233 = vector.extract_strided_slice %get3A_222 {offsets = [1], sizes = [1], strides = [1]} : vector<16xf32> to vector<1xf32>
      %squeeze3A_234 = vector.extract %slice3A_233[0] : f32 from vector<1xf32>
      %broadcast_in_dim3A_235 = vector.broadcast %squeeze3A_234 : f32 to vector<16xf32>
      %get3A_236 = arith.index_cast %scan3A_217 : i32 to index
      %get3A_237 = arith.constant 16 : index
      %get3A_238 = tpu.vector_load %arg12[%get3A_236, %get3A_237] {strides = array<i32>} : memref<80x128xf32, #tpu.memory_space<vmem>>, vector<1x16xf32>,
      %get3A_239 = vector.shape_cast %get3A_238 : vector<1x16xf32> to vector<16xf32>
      %mul3A_240 = arith.mulf %get3A_239, %broadcast_in_dim3A_235 : vector<16xf32>
      %swap3A_241 = arith.index_cast %scan3A_217 : i32 to index
      %swap3A_242 = arith.constant 16 : index
      %swap3A_243 = tpu.vector_load %arg12[%swap3A_241, %swap3A_242] {strides = array<i32>} : memref<80x128xf32, #tpu.memory_space<vmem>>, vector<1x16xf32>,
      %swap3A_244 = vector.shape_cast %swap3A_243 : vector<1x16xf32> to vector<16xf32>
      %swap3A_245 = vector.shape_cast %mul3A_240 : vector<16xf32> to vector<1x16xf32>
      tpu.vector_store %arg12[%swap3A_241, %swap3A_242], %swap3A_245 {strides = array<i32>} : memref<80x128xf32, #tpu.memory_space<vmem>>, vector<1x16xf32>,
      %slice3A_246 = vector.extract_strided_slice %get3A_222 {offsets = [2], sizes = [1], strides = [1]} : vector<16xf32> to vector<1xf32>
      %squeeze3A_247 = vector.extract %slice3A_246[0] : f32 from vector<1xf32>
      %broadcast_in_dim3A_248 = vector.broadcast %squeeze3A_247 : f32 to vector<16xf32>
      %get3A_249 = arith.index_cast %scan3A_217 : i32 to index
      %get3A_250 = arith.constant 32 : index
      %get3A_251 = tpu.vector_load %arg12[%get3A_249, %get3A_250] {strides = array<i32>} : memref<80x128xf32, #tpu.memory_space<vmem>>, vector<1x16xf32>,
      %get3A_252 = vector.shape_cast %get3A_251 : vector<1x16xf32> to vector<16xf32>
      %mul3A_253 = arith.mulf %get3A_252, %broadcast_in_dim3A_248 : vector<16xf32>
      %swap3A_254 = arith.index_cast %scan3A_217 : i32 to index
      %swap3A_255 = arith.constant 32 : index
      %swap3A_256 = tpu.vector_load %arg12[%swap3A_254, %swap3A_255] {strides = array<i32>} : memref<80x128xf32, #tpu.memory_space<vmem>>, vector<1x16xf32>,
      %swap3A_257 = vector.shape_cast %swap3A_256 : vector<1x16xf32> to vector<16xf32>
      %swap3A_258 = vector.shape_cast %mul3A_253 : vector<16xf32> to vector<1x16xf32>
      tpu.vector_store %arg12[%swap3A_254, %swap3A_255], %swap3A_258 {strides = array<i32>} : memref<80x128xf32, #tpu.memory_space<vmem>>, vector<1x16xf32>,
      %slice3A_259 = vector.extract_strided_slice %get3A_222 {offsets = [3], sizes = [1], strides = [1]} : vector<16xf32> to vector<1xf32>
      %squeeze3A_260 = vector.extract %slice3A_259[0] : f32 from vector<1xf32>
      %broadcast_in_dim3A_261 = vector.broadcast %squeeze3A_260 : f32 to vector<16xf32>
      %get3A_262 = arith.index_cast %scan3A_217 : i32 to index
      %get3A_263 = arith.constant 48 : index
      %get3A_264 = tpu.vector_load %arg12[%get3A_262, %get3A_263] {strides = array<i32>} : memref<80x128xf32, #tpu.memory_space<vmem>>, vector<1x16xf32>,
      %get3A_265 = vector.shape_cast %get3A_264 : vector<1x16xf32> to vector<16xf32>
      %mul3A_266 = arith.mulf %get3A_265, %broadcast_in_dim3A_261 : vector<16xf32>
      %swap3A_267 = arith.index_cast %scan3A_217 : i32 to index
      %swap3A_268 = arith.constant 48 : index
      %swap3A_269 = tpu.vector_load %arg12[%swap3A_267, %swap3A_268] {strides = array<i32>} : memref<80x128xf32, #tpu.memory_space<vmem>>, vector<1x16xf32>,
      %swap3A_270 = vector.shape_cast %swap3A_269 : vector<1x16xf32> to vector<16xf32>
      %swap3A_271 = vector.shape_cast %mul3A_266 : vector<16xf32> to vector<1x16xf32>
      tpu.vector_store %arg12[%swap3A_267, %swap3A_268], %swap3A_271 {strides = array<i32>} : memref<80x128xf32, #tpu.memory_space<vmem>>, vector<1x16xf32>,
      %slice3A_272 = vector.extract_strided_slice %get3A_222 {offsets = [4], sizes = [1], strides = [1]} : vector<16xf32> to vector<1xf32>
      %squeeze3A_273 = vector.extract %slice3A_272[0] : f32 from vector<1xf32>
      %broadcast_in_dim3A_274 = vector.broadcast %squeeze3A_273 : f32 to vector<16xf32>
      %get3A_275 = arith.index_cast %scan3A_217 : i32 to index
      %get3A_276 = arith.constant 64 : index
      %get3A_277 = tpu.vector_load %arg12[%get3A_275, %get3A_276] {strides = array<i32>} : memref<80x128xf32, #tpu.memory_space<vmem>>, vector<1x16xf32>,
      %get3A_278 = vector.shape_cast %get3A_277 : vector<1x16xf32> to vector<16xf32>
      %mul3A_279 = arith.mulf %get3A_278, %broadcast_in_dim3A_274 : vector<16xf32>
      %swap3A_280 = arith.index_cast %scan3A_217 : i32 to index
      %swap3A_281 = arith.constant 64 : index
      %swap3A_282 = tpu.vector_load %arg12[%swap3A_280, %swap3A_281] {strides = array<i32>} : memref<80x128xf32, #tpu.memory_space<vmem>>, vector<1x16xf32>,
      %swap3A_283 = vector.shape_cast %swap3A_282 : vector<1x16xf32> to vector<16xf32>
      %swap3A_284 = vector.shape_cast %mul3A_279 : vector<16xf32> to vector<1x16xf32>
      tpu.vector_store %arg12[%swap3A_280, %swap3A_281], %swap3A_284 {strides = array<i32>} : memref<80x128xf32, #tpu.memory_space<vmem>>, vector<1x16xf32>,
      %slice3A_285 = vector.extract_strided_slice %get3A_222 {offsets = [5], sizes = [1], strides = [1]} : vector<16xf32> to vector<1xf32>
      %squeeze3A_286 = vector.extract %slice3A_285[0] : f32 from vector<1xf32>
      %broadcast_in_dim3A_287 = vector.broadcast %squeeze3A_286 : f32 to vector<16xf32>
      %get3A_288 = arith.index_cast %scan3A_217 : i32 to index
      %get3A_289 = arith.constant 80 : index
      %get3A_290 = tpu.vector_load %arg12[%get3A_288, %get3A_289] {strides = array<i32>} : memref<80x128xf32, #tpu.memory_space<vmem>>, vector<1x16xf32>,
      %get3A_291 = vector.shape_cast %get3A_290 : vector<1x16xf32> to vector<16xf32>
      %mul3A_292 = arith.mulf %get3A_291, %broadcast_in_dim3A_287 : vector<16xf32>
      %swap3A_293 = arith.index_cast %scan3A_217 : i32 to index
      %swap3A_294 = arith.constant 80 : index
      %swap3A_295 = tpu.vector_load %arg12[%swap3A_293, %swap3A_294] {strides = array<i32>} : memref<80x128xf32, #tpu.memory_space<vmem>>, vector<1x16xf32>,
      %swap3A_296 = vector.shape_cast %swap3A_295 : vector<1x16xf32> to vector<16xf32>
      %swap3A_297 = vector.shape_cast %mul3A_292 : vector<16xf32> to vector<1x16xf32>
      tpu.vector_store %arg12[%swap3A_293, %swap3A_294], %swap3A_297 {strides = array<i32>} : memref<80x128xf32, #tpu.memory_space<vmem>>, vector<1x16xf32>,
      %slice3A_298 = vector.extract_strided_slice %get3A_222 {offsets = [6], sizes = [1], strides = [1]} : vector<16xf32> to vector<1xf32>
      %squeeze3A_299 = vector.extract %slice3A_298[0] : f32 from vector<1xf32>
      %broadcast_in_dim3A_300 = vector.broadcast %squeeze3A_299 : f32 to vector<16xf32>
      %get3A_301 = arith.index_cast %scan3A_217 : i32 to index
      %get3A_302 = arith.constant 96 : index
      %get3A_303 = tpu.vector_load %arg12[%get3A_301, %get3A_302] {strides = array<i32>} : memref<80x128xf32, #tpu.memory_space<vmem>>, vector<1x16xf32>,
      %get3A_304 = vector.shape_cast %get3A_303 : vector<1x16xf32> to vector<16xf32>
      %mul3A_305 = arith.mulf %get3A_304, %broadcast_in_dim3A_300 : vector<16xf32>
      %swap3A_306 = arith.index_cast %scan3A_217 : i32 to index
      %swap3A_307 = arith.constant 96 : index
      %swap3A_308 = tpu.vector_load %arg12[%swap3A_306, %swap3A_307] {strides = array<i32>} : memref<80x128xf32, #tpu.memory_space<vmem>>, vector<1x16xf32>,
      %swap3A_309 = vector.shape_cast %swap3A_308 : vector<1x16xf32> to vector<16xf32>
      %swap3A_310 = vector.shape_cast %mul3A_305 : vector<16xf32> to vector<1x16xf32>
      tpu.vector_store %arg12[%swap3A_306, %swap3A_307], %swap3A_310 {strides = array<i32>} : memref<80x128xf32, #tpu.memory_space<vmem>>, vector<1x16xf32>,
      %slice3A_311 = vector.extract_strided_slice %get3A_222 {offsets = [7], sizes = [1], strides = [1]} : vector<16xf32> to vector<1xf32>
      %squeeze3A_312 = vector.extract %slice3A_311[0] : f32 from vector<1xf32>
      %broadcast_in_dim3A_313 = vector.broadcast %squeeze3A_312 : f32 to vector<16xf32>
      %get3A_314 = arith.index_cast %scan3A_217 : i32 to index
      %get3A_315 = arith.constant 112 : index
      %get3A_316 = tpu.vector_load %arg12[%get3A_314, %get3A_315] {strides = array<i32>} : memref<80x128xf32, #tpu.memory_space<vmem>>, vector<1x16xf32>,
      %get3A_317 = vector.shape_cast %get3A_316 : vector<1x16xf32> to vector<16xf32>
      %mul3A_318 = arith.mulf %get3A_317, %broadcast_in_dim3A_313 : vector<16xf32>
      %swap3A_319 = arith.index_cast %scan3A_217 : i32 to index
      %swap3A_320 = arith.constant 112 : index
      %swap3A_321 = tpu.vector_load %arg12[%swap3A_319, %swap3A_320] {strides = array<i32>} : memref<80x128xf32, #tpu.memory_space<vmem>>, vector<1x16xf32>,
      %swap3A_322 = vector.shape_cast %swap3A_321 : vector<1x16xf32> to vector<16xf32>
      %swap3A_323 = vector.shape_cast %mul3A_318 : vector<16xf32> to vector<1x16xf32>
      tpu.vector_store %arg12[%swap3A_319, %swap3A_320], %swap3A_323 {strides = array<i32>} : memref<80x128xf32, #tpu.memory_space<vmem>>, vector<1x16xf32>,
      %scan3A_324 = arith.constant 0 : i32
      scf.yield %scan3A_324 : i32
    }
    %scan3A_180 = arith.constant 80 : i32
    %dma_start3A_181 = arith.constant 1 : i32
    %dma_start3A_182 = arith.constant 0 : i32
    %dma_start3A_183 = tpu.memref_slice %arg17[%dma_start3A_181, %dma_start3A_182] : memref<2x80xi32, #tpu.memory_space<vmem>> -> memref<1x80xi32, #tpu.memory_space<vmem>>
    %dma_start3A_184 = tpu.memref_squeeze %dma_start3A_183 : memref<1x80xi32, #tpu.memory_space<vmem>> -> memref<80xi32, #tpu.memory_space<vmem>>
    %dma_start3A_185 = arith.constant 0 : i32
    %dma_start3A_186 = arith.constant 0 : i32
    %dma_start3A_187 = tpu.memref_slice %arg23[%dma_start3A_185, %dma_start3A_186] : memref<10000x16xf32, #tpu.memory_space<vmem_shared>> -> memref<10000x16xf32, #tpu.memory_space<vmem_shared>>
    tpu.enqueue_indirect_dma source(%arg11 : memref<80x16xf32, #tpu.memory_space<vmem>>) target(%dma_start3A_187 : memref<10000x16xf32, #tpu.memory_space<vmem_shared>>) offsets(%dma_start3A_184 : memref<80xi32, #tpu.memory_space<vmem>>) semaphore(%arg30 : memref<!tpu.dma_semaphore, #tpu.memory_space<semaphore_mem>>) {add = true}
    %dma_start3A_188 = arith.constant 1 : i32
    %dma_start3A_189 = arith.constant 0 : i32
    %dma_start3A_190 = tpu.memref_slice %arg17[%dma_start3A_188, %dma_start3A_189] : memref<2x80xi32, #tpu.memory_space<vmem>> -> memref<1x80xi32, #tpu.memory_space<vmem>>
    %dma_start3A_191 = tpu.memref_squeeze %dma_start3A_190 : memref<1x80xi32, #tpu.memory_space<vmem>> -> memref<80xi32, #tpu.memory_space<vmem>>
    %dma_start3A_192 = arith.constant 0 : i32
    %dma_start3A_193 = arith.constant 0 : i32
    %dma_start3A_194 = tpu.memref_slice %arg22[%dma_start3A_192, %dma_start3A_193] : memref<10000x128xf32, #tpu.memory_space<vmem_shared>> -> memref<10000x128xf32, #tpu.memory_space<vmem_shared>>
    tpu.enqueue_indirect_dma source(%arg12 : memref<80x128xf32, #tpu.memory_space<vmem>>) target(%dma_start3A_194 : memref<10000x128xf32, #tpu.memory_space<vmem_shared>>) offsets(%dma_start3A_191 : memref<80xi32, #tpu.memory_space<vmem>>) semaphore(%arg31 : memref<!tpu.dma_semaphore, #tpu.memory_space<semaphore_mem>>) {add = true}
    %dma_wait3A_195 = arith.constant 1 : i32
    %dma_wait3A_196 = arith.constant 0 : i32
    %dma_wait3A_197 = tpu.memref_slice %arg17[%dma_wait3A_195, %dma_wait3A_196] : memref<2x80xi32, #tpu.memory_space<vmem>> -> memref<1x80xi32, #tpu.memory_space<vmem>>
    %dma_wait3A_198 = tpu.memref_squeeze %dma_wait3A_197 : memref<1x80xi32, #tpu.memory_space<vmem>> -> memref<80xi32, #tpu.memory_space<vmem>>
    %dma_wait3A_199 = arith.constant 0 : i32
    %dma_wait3A_200 = arith.constant 0 : i32
    %dma_wait3A_201 = tpu.memref_slice %arg23[%dma_wait3A_199, %dma_wait3A_200] : memref<10000x16xf32, #tpu.memory_space<vmem_shared>> -> memref<10000x16xf32, #tpu.memory_space<vmem_shared>>
    tpu.wait_indirect_dma semaphore(%arg30 : memref<!tpu.dma_semaphore, #tpu.memory_space<semaphore_mem>>) src(%arg11 : memref<80x16xf32, #tpu.memory_space<vmem>>) dst(%dma_wait3A_201 : memref<10000x16xf32, #tpu.memory_space<vmem_shared>>)
    %dma_wait3A_202 = arith.constant 1 : i32
    %dma_wait3A_203 = arith.constant 0 : i32
    %dma_wait3A_204 = tpu.memref_slice %arg17[%dma_wait3A_202, %dma_wait3A_203] : memref<2x80xi32, #tpu.memory_space<vmem>> -> memref<1x80xi32, #tpu.memory_space<vmem>>
    %dma_wait3A_205 = tpu.memref_squeeze %dma_wait3A_204 : memref<1x80xi32, #tpu.memory_space<vmem>> -> memref<80xi32, #tpu.memory_space<vmem>>
    %dma_wait3A_206 = arith.constant 0 : i32
    %dma_wait3A_207 = arith.constant 0 : i32
    %dma_wait3A_208 = tpu.memref_slice %arg22[%dma_wait3A_206, %dma_wait3A_207] : memref<10000x128xf32, #tpu.memory_space<vmem_shared>> -> memref<10000x128xf32, #tpu.memory_space<vmem_shared>>
    tpu.wait_indirect_dma semaphore(%arg31 : memref<!tpu.dma_semaphore, #tpu.memory_space<semaphore_mem>>) src(%arg12 : memref<80x128xf32, #tpu.memory_space<vmem>>) dst(%dma_wait3A_208 : memref<10000x128xf32, #tpu.memory_space<vmem_shared>>)
    %barrier3A_209 = arith.constant 0 : index
    tpu.barrier barrier_id(%barrier3A_209)
    %mul3A_210 = arith.constant 624 : i32
    %mul3A_211 = arith.muli %arg1, %mul3A_210 : i32
    "tpu.region"() ({
      %run_scoped3A = tpu.sem_alloc : memref<!tpu.dma_semaphore, #tpu.memory_space<semaphore_mem>>
      %dma_start3A_217 = arith.constant 0 : i32
      %dma_start3A_218 = tpu.memref_slice %arg7[%arg0, %mul3A_211, %dma_start3A_217] : memref<2x10000x128xf32, #tpu.memory_space<hbm>> -> memref<1x624x128xf32, #tpu.memory_space<hbm>>
      %dma_start3A_219 = tpu.memref_squeeze %dma_start3A_218 : memref<1x624x128xf32, #tpu.memory_space<hbm>> -> memref<624x128xf32, #tpu.memory_space<hbm>>
      %dma_start3A_220 = arith.constant 0 : i32
      %dma_start3A_221 = tpu.memref_slice %arg22[%mul3A_211, %dma_start3A_220] : memref<10000x128xf32, #tpu.memory_space<vmem_shared>> -> memref<624x128xf32, #tpu.memory_space<vmem_shared>>
      tpu.enqueue_dma source(%dma_start3A_221 : memref<624x128xf32, #tpu.memory_space<vmem_shared>>) target(%dma_start3A_219 : memref<624x128xf32, #tpu.memory_space<hbm>>) target_semaphore(%run_scoped3A : memref<!tpu.dma_semaphore, #tpu.memory_space<semaphore_mem>>)
      %dma_wait3A_222 = arith.constant 0 : i32
      %dma_wait3A_223 = tpu.memref_slice %arg7[%arg0, %mul3A_211, %dma_wait3A_222] : memref<2x10000x128xf32, #tpu.memory_space<hbm>> -> memref<1x624x128xf32, #tpu.memory_space<hbm>>
      %dma_wait3A_224 = tpu.memref_squeeze %dma_wait3A_223 : memref<1x624x128xf32, #tpu.memory_space<hbm>> -> memref<624x128xf32, #tpu.memory_space<hbm>>
      %dma_wait3A_225 = arith.constant 0 : i32
      %dma_wait3A_226 = tpu.memref_slice %arg22[%mul3A_211, %dma_wait3A_225] : memref<10000x128xf32, #tpu.memory_space<vmem_shared>> -> memref<624x128xf32, #tpu.memory_space<vmem_shared>>
      tpu.wait_dma2 semaphore(%run_scoped3A : memref<!tpu.dma_semaphore, #tpu.memory_space<semaphore_mem>>) src(%dma_wait3A_226 : memref<624x128xf32, #tpu.memory_space<vmem_shared>>) dst(%dma_wait3A_224 : memref<624x128xf32, #tpu.memory_space<hbm>>)
      tpu.yield
    }) : () -> ()
    "tpu.region"() ({
      %run_scoped3A = tpu.sem_alloc : memref<!tpu.dma_semaphore, #tpu.memory_space<semaphore_mem>>
      %dma_start3A_217 = arith.constant 0 : i32
      %dma_start3A_218 = tpu.memref_slice %arg8[%arg0, %mul3A_211, %dma_start3A_217] : memref<2x10000x16xf32, #tpu.memory_space<hbm>> -> memref<1x624x16xf32, #tpu.memory_space<hbm>>
      %dma_start3A_219 = tpu.memref_squeeze %dma_start3A_218 : memref<1x624x16xf32, #tpu.memory_space<hbm>> -> memref<624x16xf32, #tpu.memory_space<hbm>>
      %dma_start3A_220 = arith.constant 0 : i32
      %dma_start3A_221 = tpu.memref_slice %arg23[%mul3A_211, %dma_start3A_220] : memref<10000x16xf32, #tpu.memory_space<vmem_shared>> -> memref<624x16xf32, #tpu.memory_space<vmem_shared>>
      tpu.enqueue_dma source(%dma_start3A_221 : memref<624x16xf32, #tpu.memory_space<vmem_shared>>) target(%dma_start3A_219 : memref<624x16xf32, #tpu.memory_space<hbm>>) target_semaphore(%run_scoped3A : memref<!tpu.dma_semaphore, #tpu.memory_space<semaphore_mem>>)
      %dma_wait3A_222 = arith.constant 0 : i32
      %dma_wait3A_223 = tpu.memref_slice %arg8[%arg0, %mul3A_211, %dma_wait3A_222] : memref<2x10000x16xf32, #tpu.memory_space<hbm>> -> memref<1x624x16xf32, #tpu.memory_space<hbm>>
      %dma_wait3A_224 = tpu.memref_squeeze %dma_wait3A_223 : memref<1x624x16xf32, #tpu.memory_space<hbm>> -> memref<624x16xf32, #tpu.memory_space<hbm>>
      %dma_wait3A_225 = arith.constant 0 : i32
      %dma_wait3A_226 = tpu.memref_slice %arg23[%mul3A_211, %dma_wait3A_225] : memref<10000x16xf32, #tpu.memory_space<vmem_shared>> -> memref<624x16xf32, #tpu.memory_space<vmem_shared>>
      tpu.wait_dma2 semaphore(%run_scoped3A : memref<!tpu.dma_semaphore, #tpu.memory_space<semaphore_mem>>) src(%dma_wait3A_226 : memref<624x16xf32, #tpu.memory_space<vmem_shared>>) dst(%dma_wait3A_224 : memref<624x16xf32, #tpu.memory_space<hbm>>)
      tpu.yield
    }) : () -> ()
    %eq3A_212 = arith.constant 15 : i32
    %eq3A_213 = arith.cmpi eq, %arg1, %eq3A_212 : i32
    %convert_element_type3A_214 = arith.extui %eq3A_213 : i1 to i32
    %cond3A_215 = arith.constant 0 : i32
    %cond3A_216 = arith.cmpi ne, %convert_element_type3A_214, %cond3A_215 : i32
    scf.if %cond3A_216 {
      "tpu.region"() ({
        %run_scoped3A = tpu.sem_alloc : memref<!tpu.dma_semaphore, #tpu.memory_space<semaphore_mem>>
        %dma_start3A_217 = arith.constant 9984 : i32
        %dma_start3A_218 = arith.constant 0 : i32
        %dma_start3A_219 = tpu.memref_slice %arg7[%arg0, %dma_start3A_217, %dma_start3A_218] : memref<2x10000x128xf32, #tpu.memory_space<hbm>> -> memref<1x16x128xf32, #tpu.memory_space<hbm>>
        %dma_start3A_220 = tpu.memref_squeeze %dma_start3A_219 : memref<1x16x128xf32, #tpu.memory_space<hbm>> -> memref<16x128xf32, #tpu.memory_space<hbm>>
        %dma_start3A_221 = arith.constant 9984 : i32
        %dma_start3A_222 = arith.constant 0 : i32
        %dma_start3A_223 = tpu.memref_slice %arg22[%dma_start3A_221, %dma_start3A_222] : memref<10000x128xf32, #tpu.memory_space<vmem_shared>> -> memref<16x128xf32, #tpu.memory_space<vmem_shared>>
        tpu.enqueue_dma source(%dma_start3A_223 : memref<16x128xf32, #tpu.memory_space<vmem_shared>>) target(%dma_start3A_220 : memref<16x128xf32, #tpu.memory_space<hbm>>) target_semaphore(%run_scoped3A : memref<!tpu.dma_semaphore, #tpu.memory_space<semaphore_mem>>)
        %dma_wait3A_224 = arith.constant 9984 : i32
        %dma_wait3A_225 = arith.constant 0 : i32
        %dma_wait3A_226 = tpu.memref_slice %arg7[%arg0, %dma_wait3A_224, %dma_wait3A_225] : memref<2x10000x128xf32, #tpu.memory_space<hbm>> -> memref<1x16x128xf32, #tpu.memory_space<hbm>>
        %dma_wait3A_227 = tpu.memref_squeeze %dma_wait3A_226 : memref<1x16x128xf32, #tpu.memory_space<hbm>> -> memref<16x128xf32, #tpu.memory_space<hbm>>
        %dma_wait3A_228 = arith.constant 9984 : i32
        %dma_wait3A_229 = arith.constant 0 : i32
        %dma_wait3A_230 = tpu.memref_slice %arg22[%dma_wait3A_228, %dma_wait3A_229] : memref<10000x128xf32, #tpu.memory_space<vmem_shared>> -> memref<16x128xf32, #tpu.memory_space<vmem_shared>>
        tpu.wait_dma2 semaphore(%run_scoped3A : memref<!tpu.dma_semaphore, #tpu.memory_space<semaphore_mem>>) src(%dma_wait3A_230 : memref<16x128xf32, #tpu.memory_space<vmem_shared>>) dst(%dma_wait3A_227 : memref<16x128xf32, #tpu.memory_space<hbm>>)
        tpu.yield
      }) : () -> ()
      "tpu.region"() ({
        %run_scoped3A = tpu.sem_alloc : memref<!tpu.dma_semaphore, #tpu.memory_space<semaphore_mem>>
        %dma_start3A_217 = arith.constant 9984 : i32
        %dma_start3A_218 = arith.constant 0 : i32
        %dma_start3A_219 = tpu.memref_slice %arg8[%arg0, %dma_start3A_217, %dma_start3A_218] : memref<2x10000x16xf32, #tpu.memory_space<hbm>> -> memref<1x16x16xf32, #tpu.memory_space<hbm>>
        %dma_start3A_220 = tpu.memref_squeeze %dma_start3A_219 : memref<1x16x16xf32, #tpu.memory_space<hbm>> -> memref<16x16xf32, #tpu.memory_space<hbm>>
        %dma_start3A_221 = arith.constant 9984 : i32
        %dma_start3A_222 = arith.constant 0 : i32
        %dma_start3A_223 = tpu.memref_slice %arg23[%dma_start3A_221, %dma_start3A_222] : memref<10000x16xf32, #tpu.memory_space<vmem_shared>> -> memref<16x16xf32, #tpu.memory_space<vmem_shared>>
        tpu.enqueue_dma source(%dma_start3A_223 : memref<16x16xf32, #tpu.memory_space<vmem_shared>>) target(%dma_start3A_220 : memref<16x16xf32, #tpu.memory_space<hbm>>) target_semaphore(%run_scoped3A : memref<!tpu.dma_semaphore, #tpu.memory_space<semaphore_mem>>)
        %dma_wait3A_224 = arith.constant 9984 : i32
        %dma_wait3A_225 = arith.constant 0 : i32
        %dma_wait3A_226 = tpu.memref_slice %arg8[%arg0, %dma_wait3A_224, %dma_wait3A_225] : memref<2x10000x16xf32, #tpu.memory_space<hbm>> -> memref<1x16x16xf32, #tpu.memory_space<hbm>>
        %dma_wait3A_227 = tpu.memref_squeeze %dma_wait3A_226 : memref<1x16x16xf32, #tpu.memory_space<hbm>> -> memref<16x16xf32, #tpu.memory_space<hbm>>
        %dma_wait3A_228 = arith.constant 9984 : i32
        %dma_wait3A_229 = arith.constant 0 : i32
        %dma_wait3A_230 = tpu.memref_slice %arg23[%dma_wait3A_228, %dma_wait3A_229] : memref<10000x16xf32, #tpu.memory_space<vmem_shared>> -> memref<16x16xf32, #tpu.memory_space<vmem_shared>>
        tpu.wait_dma2 semaphore(%run_scoped3A : memref<!tpu.dma_semaphore, #tpu.memory_space<semaphore_mem>>) src(%dma_wait3A_230 : memref<16x16xf32, #tpu.memory_space<vmem_shared>>) dst(%dma_wait3A_227 : memref<16x16xf32, #tpu.memory_space<hbm>>)
        tpu.yield
      }) : () -> ()
    } else {
    }
    return
  }
}

module attributes {stable_mosaic.version = 14 : i64} {
  func.func @_proj_body(%arg0: i32, %arg1: memref<1000x128xf32, #tpu.memory_space<vmem>>, %arg2: memref<128x128xf32, #tpu.memory_space<vmem>>, %arg3: memref<128x16xf32, #tpu.memory_space<vmem>>, %arg4: memref<128x16xf32, #tpu.memory_space<vmem>>, %arg5: memref<1000x128xf32, #tpu.memory_space<vmem>>, %arg6: memref<1000x16xf32, #tpu.memory_space<vmem>>, %arg7: memref<1000x16xf32, #tpu.memory_space<vmem>>, %arg8: memref<2x16xf32, #tpu.memory_space<vmem>>) attributes {dimension_semantics = [#tpu.dimension_semantics<arbitrary>], iteration_bounds = array<i64: 10>, scalar_prefetch = 0 : i64, scratch_operands = 0 : i64, tpu.core_type = #tpu.core_type<tc>, window_params = [{transform_indices = @transform_0, window_bounds = array<i64: 1000, 128>}, {pipeline_mode = #tpu.pipeline_mode<synchronous>, transform_indices = @transform_1, window_bounds = array<i64: 128, 128>}, {pipeline_mode = #tpu.pipeline_mode<synchronous>, transform_indices = @transform_2, window_bounds = array<i64: 128, 16>}, {pipeline_mode = #tpu.pipeline_mode<synchronous>, transform_indices = @transform_3, window_bounds = array<i64: 128, 16>}, {transform_indices = @transform_4, window_bounds = array<i64: 1000, 128>}, {transform_indices = @transform_5, window_bounds = array<i64: 1000, 16>}, {transform_indices = @transform_6, window_bounds = array<i64: 1000, 16>}, {pipeline_mode = #tpu.pipeline_mode<synchronous>, transform_indices = @transform_7, window_bounds = array<i64: 2, 16>}]} {
    %get3A = arith.constant 0 : index
    %get3A_0 = arith.constant 0 : index
    %get3A_1 = vector.load %arg1[%get3A, %get3A_0] : memref<1000x128xf32, #tpu.memory_space<vmem>>, vector<1000x128xf32>
    %get3A_2 = arith.constant 0 : index
    %get3A_3 = arith.constant 0 : index
    %get3A_4 = vector.load %arg2[%get3A_2, %get3A_3] : memref<128x128xf32, #tpu.memory_space<vmem>>, vector<128x128xf32>
    %dot_general3A = arith.constant dense<0.000000e+00> : vector<1000x128xf32>
    %dot_general3A_5 = tpu.matmul %get3A_1, %get3A_4, %dot_general3A {dimension_numbers = #tpu.dot_dimension_numbers<[1], [0], [0], [1], [0, 0, 1, 1], [], []>, transpose_lhs_hint = false} : vector<1000x128xf32>, vector<128x128xf32>, vector<1000x128xf32> -> vector<1000x128xf32>
    %swap3A = arith.constant 0 : index
    %swap3A_6 = arith.constant 0 : index
    %swap3A_7 = vector.load %arg5[%swap3A, %swap3A_6] : memref<1000x128xf32, #tpu.memory_space<vmem>>, vector<1000x128xf32>
    tpu.vector_store %arg5[%swap3A, %swap3A_6], %dot_general3A_5 {strides = array<i32>} : memref<1000x128xf32, #tpu.memory_space<vmem>>, vector<1000x128xf32>,
    %get3A_8 = arith.constant 0 : index
    %get3A_9 = arith.constant 0 : index
    %get3A_10 = vector.load %arg3[%get3A_8, %get3A_9] : memref<128x16xf32, #tpu.memory_space<vmem>>, vector<128x16xf32>
    %dot_general3A_11 = arith.constant dense<0.000000e+00> : vector<1000x16xf32>
    %dot_general3A_12 = tpu.matmul %dot_general3A_5, %get3A_10, %dot_general3A_11 {dimension_numbers = #tpu.dot_dimension_numbers<[1], [0], [0], [1], [0, 0, 1, 1], [], []>, transpose_lhs_hint = false} : vector<1000x128xf32>, vector<128x16xf32>, vector<1000x16xf32> -> vector<1000x16xf32>
    %get3A_13 = arith.constant 0 : index
    %get3A_14 = arith.constant 0 : index
    %get3A_15 = vector.load %arg4[%get3A_13, %get3A_14] : memref<128x16xf32, #tpu.memory_space<vmem>>, vector<128x16xf32>
    %dot_general3A_16 = arith.constant dense<0.000000e+00> : vector<1000x16xf32>
    %dot_general3A_17 = tpu.matmul %dot_general3A_5, %get3A_15, %dot_general3A_16 {dimension_numbers = #tpu.dot_dimension_numbers<[1], [0], [0], [1], [0, 0, 1, 1], [], []>, transpose_lhs_hint = false} : vector<1000x128xf32>, vector<128x16xf32>, vector<1000x16xf32> -> vector<1000x16xf32>
    %swap3A_18 = arith.constant 0 : index
    %swap3A_19 = arith.constant 0 : index
    %swap3A_20 = vector.load %arg6[%swap3A_18, %swap3A_19] : memref<1000x16xf32, #tpu.memory_space<vmem>>, vector<1000x16xf32>
    tpu.vector_store %arg6[%swap3A_18, %swap3A_19], %dot_general3A_12 {strides = array<i32>} : memref<1000x16xf32, #tpu.memory_space<vmem>>, vector<1000x16xf32>,
    %swap3A_21 = arith.constant 0 : index
    %swap3A_22 = arith.constant 0 : index
    %swap3A_23 = vector.load %arg7[%swap3A_21, %swap3A_22] : memref<1000x16xf32, #tpu.memory_space<vmem>>, vector<1000x16xf32>
    tpu.vector_store %arg7[%swap3A_21, %swap3A_22], %dot_general3A_17 {strides = array<i32>} : memref<1000x16xf32, #tpu.memory_space<vmem>>, vector<1000x16xf32>,
    %reduce_max3A = arith.constant dense<0xFF800000> : vector<16xf32>
    %reduce_max3A_24 = vector.multi_reduction <maximumf>, %dot_general3A_12, %reduce_max3A [0] : vector<1000x16xf32> to vector<16xf32>
    %broadcast_in_dim3A = vector.shape_cast %reduce_max3A_24 : vector<16xf32> to vector<1x16xf32>
    %reduce_max3A_25 = arith.constant dense<0xFF800000> : vector<16xf32>
    %reduce_max3A_26 = vector.multi_reduction <maximumf>, %dot_general3A_17, %reduce_max3A_25 [0] : vector<1000x16xf32> to vector<16xf32>
    %broadcast_in_dim3A_27 = vector.shape_cast %reduce_max3A_26 : vector<16xf32> to vector<1x16xf32>
    %concatenate3A = tpu.concatenate %broadcast_in_dim3A, %broadcast_in_dim3A_27 in 0 : vector<1x16xf32>, vector<1x16xf32> -> vector<2x16xf32>
    %eq3A = arith.constant 0 : i32
    %eq3A_28 = arith.cmpi eq, %arg0, %eq3A : i32
    %convert_element_type3A = arith.extui %eq3A_28 : i1 to i32
    %cond3A = arith.constant 0 : i32
    %cond3A_29 = arith.cmpi ne, %convert_element_type3A, %cond3A : i32
    scf.if %cond3A_29 {
      %swap3A_34 = arith.constant 0 : index
      %swap3A_35 = arith.constant 0 : index
      %swap3A_36 = vector.load %arg8[%swap3A_34, %swap3A_35] : memref<2x16xf32, #tpu.memory_space<vmem>>, vector<2x16xf32>
      tpu.vector_store %arg8[%swap3A_34, %swap3A_35], %concatenate3A {strides = array<i32>} : memref<2x16xf32, #tpu.memory_space<vmem>>, vector<2x16xf32>,
    } else {
    }
    %ne3A = arith.constant 0 : i32
    %ne3A_30 = arith.cmpi ne, %arg0, %ne3A : i32
    %convert_element_type3A_31 = arith.extui %ne3A_30 : i1 to i32
    %cond3A_32 = arith.constant 0 : i32
    %cond3A_33 = arith.cmpi ne, %convert_element_type3A_31, %cond3A_32 : i32
    scf.if %cond3A_33 {
      %get3A_34 = arith.constant 0 : index
      %get3A_35 = arith.constant 0 : index
      %get3A_36 = vector.load %arg8[%get3A_34, %get3A_35] : memref<2x16xf32, #tpu.memory_space<vmem>>, vector<2x16xf32>
      %max3A = arith.maximumf %get3A_36, %concatenate3A : vector<2x16xf32>
      %swap3A_37 = arith.constant 0 : index
      %swap3A_38 = arith.constant 0 : index
      %swap3A_39 = vector.load %arg8[%swap3A_37, %swap3A_38] : memref<2x16xf32, #tpu.memory_space<vmem>>, vector<2x16xf32>
      tpu.vector_store %arg8[%swap3A_37, %swap3A_38], %max3A {strides = array<i32>} : memref<2x16xf32, #tpu.memory_space<vmem>>, vector<2x16xf32>,
    } else {
    }
    return
  }
  func.func @transform_0(%arg0: i32) -> (i32, i32) {
    %c0_i32 = arith.constant 0 : i32
    %c0_i32_0 = arith.constant 0 : i32
    return %arg0, %c0_i32 : i32, i32
  }
  func.func @transform_1(%arg0: i32) -> (i32, i32) {
    %c0_i32 = arith.constant 0 : i32
    %c0_i32_0 = arith.constant 0 : i32
    %c0_i32_1 = arith.constant 0 : i32
    return %c0_i32, %c0_i32_0 : i32, i32
  }
  func.func @transform_2(%arg0: i32) -> (i32, i32) {
    %c0_i32 = arith.constant 0 : i32
    %c0_i32_0 = arith.constant 0 : i32
    %c0_i32_1 = arith.constant 0 : i32
    return %c0_i32, %c0_i32_0 : i32, i32
  }
  func.func @transform_3(%arg0: i32) -> (i32, i32) {
    %c0_i32 = arith.constant 0 : i32
    %c0_i32_0 = arith.constant 0 : i32
    %c0_i32_1 = arith.constant 0 : i32
    return %c0_i32, %c0_i32_0 : i32, i32
  }
  func.func @transform_4(%arg0: i32) -> (i32, i32) {
    %c0_i32 = arith.constant 0 : i32
    %c0_i32_0 = arith.constant 0 : i32
    return %arg0, %c0_i32 : i32, i32
  }
  func.func @transform_5(%arg0: i32) -> (i32, i32) {
    %c0_i32 = arith.constant 0 : i32
    %c0_i32_0 = arith.constant 0 : i32
    return %arg0, %c0_i32 : i32, i32
  }
  func.func @transform_6(%arg0: i32) -> (i32, i32) {
    %c0_i32 = arith.constant 0 : i32
    %c0_i32_0 = arith.constant 0 : i32
    return %arg0, %c0_i32 : i32, i32
  }
  func.func @transform_7(%arg0: i32) -> (i32, i32) {
    %c0_i32 = arith.constant 0 : i32
    %c0_i32_0 = arith.constant 0 : i32
    %c0_i32_1 = arith.constant 0 : i32
    return %c0_i32, %c0_i32_0 : i32, i32
  }
}

module attributes {stable_mosaic.version = 14 : i64} {
  func.func @_epilogue_body(%arg0: i32, %arg1: memref<2x1000x128xf32, #tpu.memory_space<vmem>>, %arg2: memref<2x1000x16xf32, #tpu.memory_space<vmem>>, %arg3: memref<16x128xf32, #tpu.memory_space<vmem>>, %arg4: memref<128x128xf32, #tpu.memory_space<vmem>>, %arg5: memref<1x128xf32, #tpu.memory_space<vmem>>, %arg6: memref<1000x128xf32, #tpu.memory_space<vmem>>) attributes {dimension_semantics = [#tpu.dimension_semantics<arbitrary>], iteration_bounds = array<i64: 10>, scalar_prefetch = 0 : i64, scratch_operands = 0 : i64, tpu.core_type = #tpu.core_type<tc>, window_params = [{transform_indices = @transform_0, window_bounds = array<i64: 2, 1000, 128>}, {transform_indices = @transform_1, window_bounds = array<i64: 2, 1000, 16>}, {pipeline_mode = #tpu.pipeline_mode<synchronous>, transform_indices = @transform_2, window_bounds = array<i64: 16, 128>}, {pipeline_mode = #tpu.pipeline_mode<synchronous>, transform_indices = @transform_3, window_bounds = array<i64: 128, 128>}, {pipeline_mode = #tpu.pipeline_mode<synchronous>, transform_indices = @transform_4, window_bounds = array<i64: 1, 128>}, {transform_indices = @transform_5, window_bounds = array<i64: 1000, 128>}]} {
    %get3A = arith.constant 0 : index
    %get3A_0 = arith.constant 0 : index
    %get3A_1 = arith.constant 0 : index
    %get3A_2 = vector.load %arg1[%get3A, %get3A_0, %get3A_1] : memref<2x1000x128xf32, #tpu.memory_space<vmem>>, vector<2x1000x128xf32>
    %get3A_3 = arith.constant 0 : index
    %get3A_4 = arith.constant 0 : index
    %get3A_5 = arith.constant 0 : index
    %get3A_6 = vector.load %arg2[%get3A_3, %get3A_4, %get3A_5] : memref<2x1000x16xf32, #tpu.memory_space<vmem>>, vector<2x1000x16xf32>
    %slice3A = vector.extract_strided_slice %get3A_6 {offsets = [0, 0, 0], sizes = [1, 1000, 16], strides = [1, 1, 1]} : vector<2x1000x16xf32> to vector<1x1000x16xf32>
    %squeeze3A = vector.shape_cast %slice3A : vector<1x1000x16xf32> to vector<1000x16xf32>
    %slice3A_7 = vector.extract_strided_slice %get3A_6 {offsets = [1, 0, 0], sizes = [1, 1000, 16], strides = [1, 1, 1]} : vector<2x1000x16xf32> to vector<1x1000x16xf32>
    %squeeze3A_8 = vector.shape_cast %slice3A_7 : vector<1x1000x16xf32> to vector<1000x16xf32>
    %add3A = arith.addf %squeeze3A, %squeeze3A_8 : vector<1000x16xf32>
    %get3A_9 = arith.constant 0 : index
    %get3A_10 = arith.constant 0 : index
    %get3A_11 = vector.load %arg3[%get3A_9, %get3A_10] : memref<16x128xf32, #tpu.memory_space<vmem>>, vector<16x128xf32>
    %dot_general3A = arith.constant dense<0.000000e+00> : vector<1000x128xf32>
    %dot_general3A_12 = tpu.matmul %add3A, %get3A_11, %dot_general3A {dimension_numbers = #tpu.dot_dimension_numbers<[1], [0], [0], [1], [0, 0, 1, 1], [], []>, transpose_lhs_hint = false} : vector<1000x16xf32>, vector<16x128xf32>, vector<1000x128xf32> -> vector<1000x128xf32>
    %slice3A_13 = vector.extract_strided_slice %get3A_2 {offsets = [0, 0, 0], sizes = [1, 1000, 128], strides = [1, 1, 1]} : vector<2x1000x128xf32> to vector<1x1000x128xf32>
    %squeeze3A_14 = vector.shape_cast %slice3A_13 : vector<1x1000x128xf32> to vector<1000x128xf32>
    %slice3A_15 = vector.extract_strided_slice %get3A_2 {offsets = [1, 0, 0], sizes = [1, 1000, 128], strides = [1, 1, 1]} : vector<2x1000x128xf32> to vector<1x1000x128xf32>
    %squeeze3A_16 = vector.shape_cast %slice3A_15 : vector<1x1000x128xf32> to vector<1000x128xf32>
    %add3A_17 = arith.addf %squeeze3A_14, %squeeze3A_16 : vector<1000x128xf32>
    %add3A_18 = arith.constant 1.000000e-16 : f32
    %add3A_19 = vector.broadcast %add3A_18 : f32 to vector<1000x128xf32>
    %add3A_20 = arith.addf %dot_general3A_12, %add3A_19 : vector<1000x128xf32>
    %div3A = arith.divf %add3A_17, %add3A_20 : vector<1000x128xf32>
    %get3A_21 = arith.constant 0 : index
    %get3A_22 = arith.constant 0 : index
    %get3A_23 = vector.load %arg4[%get3A_21, %get3A_22] : memref<128x128xf32, #tpu.memory_space<vmem>>, vector<128x128xf32>
    %dot_general3A_24 = arith.constant dense<0.000000e+00> : vector<1000x128xf32>
    %dot_general3A_25 = tpu.matmul %div3A, %get3A_23, %dot_general3A_24 {dimension_numbers = #tpu.dot_dimension_numbers<[1], [0], [0], [1], [0, 0, 1, 1], [], []>, transpose_lhs_hint = false} : vector<1000x128xf32>, vector<128x128xf32>, vector<1000x128xf32> -> vector<1000x128xf32>
    %get3A_26 = arith.constant 0 : index
    %get3A_27 = arith.constant 0 : index
    %get3A_28 = vector.load %arg5[%get3A_26, %get3A_27] : memref<1x128xf32, #tpu.memory_space<vmem>>, vector<1x128xf32>
    %add3A_29 = vector.broadcast %get3A_28 : vector<1x128xf32> to vector<1000x128xf32>
    %add3A_30 = arith.addf %dot_general3A_25, %add3A_29 : vector<1000x128xf32>
    %gt3A = arith.constant 0.000000e+00 : f32
    %gt3A_31 = vector.broadcast %gt3A : f32 to vector<1000x128xf32>
    %gt3A_32 = arith.cmpf ogt, %add3A_30, %gt3A_31 : vector<1000x128xf32>
    %min3A = arith.constant 0.000000e+00 : f32
    %min3A_33 = vector.broadcast %min3A : f32 to vector<1000x128xf32>
    %min3A_34 = arith.minimumf %add3A_30, %min3A_33 : vector<1000x128xf32>
    %exp3A = math.exp %min3A_34 : vector<1000x128xf32>
    %sub3A = arith.constant 1.000000e+00 : f32
    %sub3A_35 = vector.broadcast %sub3A : f32 to vector<1000x128xf32>
    %sub3A_36 = arith.subf %exp3A, %sub3A_35 : vector<1000x128xf32>
    %select_n3A = arith.select %gt3A_32, %add3A_30, %sub3A_36 : vector<1000x128xi1>, vector<1000x128xf32>
    %swap3A = arith.constant 0 : index
    %swap3A_37 = arith.constant 0 : index
    %swap3A_38 = vector.load %arg6[%swap3A, %swap3A_37] : memref<1000x128xf32, #tpu.memory_space<vmem>>, vector<1000x128xf32>
    tpu.vector_store %arg6[%swap3A, %swap3A_37], %select_n3A {strides = array<i32>} : memref<1000x128xf32, #tpu.memory_space<vmem>>, vector<1000x128xf32>,
    return
  }
  func.func @transform_0(%arg0: i32) -> (i32, i32, i32) {
    %c0_i32 = arith.constant 0 : i32
    %c0_i32_0 = arith.constant 0 : i32
    %c0_i32_1 = arith.constant 0 : i32
    return %c0_i32, %arg0, %c0_i32_0 : i32, i32, i32
  }
  func.func @transform_1(%arg0: i32) -> (i32, i32, i32) {
    %c0_i32 = arith.constant 0 : i32
    %c0_i32_0 = arith.constant 0 : i32
    %c0_i32_1 = arith.constant 0 : i32
    return %c0_i32, %arg0, %c0_i32_0 : i32, i32, i32
  }
  func.func @transform_2(%arg0: i32) -> (i32, i32) {
    %c0_i32 = arith.constant 0 : i32
    %c0_i32_0 = arith.constant 0 : i32
    %c0_i32_1 = arith.constant 0 : i32
    return %c0_i32, %c0_i32_0 : i32, i32
  }
  func.func @transform_3(%arg0: i32) -> (i32, i32) {
    %c0_i32 = arith.constant 0 : i32
    %c0_i32_0 = arith.constant 0 : i32
    %c0_i32_1 = arith.constant 0 : i32
    return %c0_i32, %c0_i32_0 : i32, i32
  }
  func.func @transform_4(%arg0: i32) -> (i32, i32) {
    %c0_i32 = arith.constant 0 : i32
    %c0_i32_0 = arith.constant 0 : i32
    %c0_i32_1 = arith.constant 0 : i32
    return %c0_i32, %c0_i32_0 : i32, i32
  }
  func.func @transform_5(%arg0: i32) -> (i32, i32) {
    %c0_i32 = arith.constant 0 : i32
    %c0_i32_0 = arith.constant 0 : i32
    return %arg0, %c0_i32 : i32, i32
  }
}

</mosaic_0001>

<sc_bundles>
// kernel: kernel.5.cloned.1.call-start
scs
__scs_entry_jumppad:
0x0: {  	(pc) =	sbr.rel $0x88, $3  }
0x1: {  	(tag) =	ssettag $0x0;
	lr =	simm.s32 $0x1  }
0x2: {  	[smem:$0x3F9B] =	sst lr;
	_ =	strace $0xD0000000  }
0x3: {  	_ = 	snop  }
0x4: {  	_ = 	snop  }
0x5: {  	_ = 	snop  }
0x6: {  	_ = 	snop  }
0x7: {  	_ = 	snop  }
__scs_overlays_trampoline_lowered:
0x8: {  	[smem:$0x3FAA] =	sst s0  }
0x9: {  	[smem:$0x3FAB] =	sst s1  }
0xa: {  	[smem:$0x3FAC] =	sst s2  }
0xb: {  	[smem:$0x3FAD] =	sst s3  }
0xc: {  	[smem:$0x3FAE] =	sst s4  }
0xd: {  	[smem:$0x3FAF] =	sst s5  }
0xe: {  	[smem:$0x3FB0] =	sst s6  }
0xf: {  	[smem:$0x3FB1] =	sst s7  }
0x10: {  	[smem:$0x3FB2] =	sst s8  }
0x11: {  	[smem:$0x3FB3] =	sst s9;
	s0 =	simm.s32 @!p0 $0x0  }
0x12: {  	s1 =	sld [smem:$0x3F99];
	s0 =	simm.s32 @p0 $0x1  }
0x13: {  	[smem:$0x3FB4] =	sst s0;
	s0 =	simm.s32 @!p1 $0x0  }
0x14: {  	s2 =	sld [smem:$0x3F98];
	s0 =	simm.s32 @p1 $0x1  }
0x15: {  	[smem:$0x3FB5] =	sst s0;
	s0 =	simm.s32 @!p2 $0x0  }
0x16: {  	s3 =	sld [smem:$0x3FDB];
	s0 =	simm.s32 @p2 $0x1  }
0x17: {  	s4 =	simm.s32 $0x1BF5;
	[smem:$0x3FB7] =	sst s0  }
0x18: {  	s0 =	sld [smem:$0x3F9A];
	_ =	swait.ge [sflag:s4], $0x0  }
0x19: {  	s7 =	sld [smem:$0x3F9B]  }
0x1a: {  	s8 =	sadd.s32 $0xFFFFE003, lr  }
0x1b: {  	s9 =	sadd.s32 $0xFFFFFEF7, lr;
	s5 =	simm.s32 $0xFFFFFFFF;
	p2 =	slt.u32 s8, $0xFFFFF086  }
0x1c: {  	p1 =	slt.u32 s9, $0xF7A;
	s5 =	simm.s32 @!p2 $0x0  }
0x1d: {  	s5 =	simm.s32 @p1 $0x1;
	p0 =	seq.s32 s7, s2  }
0x1e: {  	s7 =	smul.u32 @!p0 $0xF7A, s2;
	p2 =	seq.s32 @!p0 s5, $0x0  }
0x1f: {  	s9 =	smul.u32 $0xF7A, s1;
	s8 =	simm.s32 @!p0 $0x1BF5;
	p2 =	por !p2, p0  }
0x20: {  	[sflag:s8] =	ssyncset.s32 @!p0 $0xFFFFF086;
	s6 =	sadd.s32 @!p0 s3, s7;
	s7 =	simm.s32 @!p0 $0x108  }
0x21: {  	s3 =	sadd.s32 s3, s9;
	s6 =	sadd.s32 @!p0 $0x88, s6;
	s7 =	simm.s32 @p2 $0x1082  }
0x22: {  	[simem:s7], [sflag:s8] =	dma.local @!p0 [hbm:s6], $0xF7A  }
0x23: {  	s9 =	sor.u32 $0xD0000000, s2;
	s6 =	simm.s32 $0x108;
	_ =	swait.ge @!p0 [sflag:s8], $0x0  }
0x24: {  	s3 =	sadd.s32 $0x88, s3;
	s6 =	simm.s32 @!p1 $0x1082;
	[sflag:s4] =	ssyncset.s32 $0xFFFFF086  }
0x25: {  	[simem:s6], [sflag:s4] =	dma.local [hbm:s3], $0xF7A  }
0x26: {  	[smem:$0x3F9B] =	sst s1;
	(tag) =	ssettag s2;
	_ =	strace s9  }
0x27: {  	s1 =	sld [smem:$0x3FAB]  }
0x28: {  	s2 =	sld [smem:$0x3FAC]  }
0x29: {  	s4 =	sld [smem:$0x3FAE]  }
0x2a: {  	p0 =	seq.s32 s5, $0x0;
	s5 =	sld [smem:$0x3FAF]  }
0x2b: {  	s6 =	sld [smem:$0x3FB0]  }
0x2c: {  	s7 =	sld [smem:$0x3FB1]  }
0x2d: {  	s3 =	simm.s32 $0x108;
	s8 =	sld [smem:$0x3FB2]  }
0x2e: {  	s3 =	simm.s32 @!p0 $0x1082;
	s9 =	sld [smem:$0x3FB3]  }
0x2f: {  	lr =	sadd.s32 s0, s3;
	s0 =	sld [smem:$0x3FAA]  }
0x30: {  	s3 =	sld [smem:$0x3FAD]  }
0x31: {  	[smem:$0x3FB6] =	sst s10  }
0x32: {  	s10 =	sld [smem:$0x3FB4];
	_ =	sdelay $0x3  }
0x33: {  	p0 =	seq.s32 s10, $0x1;
	s10 =	sld [smem:$0x3FB6];
	_ =	sdelay $0x3  }
0x34: {  	[smem:$0x3FB6] =	sst s10  }
0x35: {  	s10 =	sld [smem:$0x3FB5];
	_ =	sdelay $0x3  }
0x36: {  	p1 =	seq.s32 s10, $0x1;
	s10 =	sld [smem:$0x3FB6];
	_ =	sdelay $0x3  }
0x37: {  	[smem:$0x3FB6] =	sst s10  }
0x38: {  	s10 =	sld [smem:$0x3FB7]  }
0x39: {  	_ = 	snop;
	(pc) =	sbr.ind lr, $3  }
0x3a: {  	_ = 	snop  }
0x3b: {  	_ = 	snop  }
0x3c: {  	p2 =	seq.s32 s10, $0x1;
	s10 =	sld [smem:$0x3FB6]  }
0x3d: {  	_ =	shalt  }
0x3e: {  	_ =	shalt  }
0x3f: {  	_ =	shalt  }
0x40: {  	_ =	shalt  }
0x41: {  	_ =	shalt  }
0x42: {  	_ =	shalt  }
0x43: {  	_ =	shalt  }
0x44: {  	_ =	shalt  }
0x45: {  	_ =	shalt  }
0x46: {  	_ =	shalt  }
0x47: {  	_ =	shalt  }
0x48: {  	_ =	shalt  }
0x49: {  	_ =	shalt  }
0x4a: {  	_ =	shalt  }
0x4b: {  	_ =	shalt  }
0x4c: {  	_ =	shalt  }
0x4d: {  	_ =	shalt  }
0x4e: {  	_ =	shalt  }
0x4f: {  	_ =	shalt  }
0x50: {  	_ =	shalt  }
0x51: {  	_ =	shalt  }
0x52: {  	_ =	shalt  }
0x53: {  	_ =	shalt  }
0x54: {  	_ =	shalt  }
0x55: {  	_ =	shalt  }
0x56: {  	_ =	shalt  }
0x57: {  	_ =	shalt  }
0x58: {  	_ =	shalt  }
0x59: {  	_ =	shalt  }
0x5a: {  	_ =	shalt  }
0x5b: {  	_ =	shalt  }
0x5c: {  	_ =	shalt  }
0x5d: {  	_ =	shalt  }
0x5e: {  	_ =	shalt  }
0x5f: {  	_ =	shalt  }
0x60: {  	_ =	shalt  }
0x61: {  	_ =	shalt  }
0x62: {  	_ =	shalt  }
0x63: {  	_ =	shalt  }
0x64: {  	_ =	shalt  }
0x65: {  	_ =	shalt  }
0x66: {  	_ =	shalt  }
0x67: {  	_ =	shalt  }
0x68: {  	_ =	shalt  }
0x69: {  	_ =	shalt  }
0x6a: {  	_ =	shalt  }
0x6b: {  	_ =	shalt  }
0x6c: {  	_ =	shalt  }
0x6d: {  	_ =	shalt  }
0x6e: {  	_ =	shalt  }
0x6f: {  	_ =	shalt  }
0x70: {  	_ =	shalt  }
0x71: {  	_ =	shalt  }
0x72: {  	_ =	shalt  }
0x73: {  	_ =	shalt  }
0x74: {  	_ =	shalt  }
0x75: {  	_ =	shalt  }
0x76: {  	_ =	shalt  }
0x77: {  	_ =	shalt  }
0x78: {  	_ =	shalt  }
0x79: {  	_ =	shalt  }
0x7a: {  	_ =	shalt  }
0x7b: {  	_ =	shalt  }
0x7c: {  	_ =	shalt  }
0x7d: {  	_ =	shalt  }
0x7e: {  	_ =	shalt  }
0x7f: {  	_ =	shalt  }
0x80: {  	_ =	shalt  }
0x81: {  	_ =	shalt  }
0x82: {  	_ =	shalt  }
0x83: {  	_ =	shalt  }
0x84: {  	_ =	shalt  }
0x85: {  	_ =	shalt  }
0x86: {  	_ =	shalt  }
0x87: {  	_ =	shalt  }
.Lfunc_end0:
.L_simem_size_0:
called_computation_lowered:
.L_overlay_start_0:
0x88: {  	s2 =	sld [smem:$0x3FD9]  }
0x89: {  	s3 =	sld [smem:$0x3FFE];
	_ =	sdelay $0x1  }
0x8a: {  	s1 =	srdreg.scid  }
0x8b: {  	s0 =	sand.u32 $0x1, s1  }
0x8c: {  	s17 =	sshll.u32 s0, $0xA;
	s2 =	sadd.s32 s3, s2  }
0x8d: {  	s2 =	sadd.s32 s2, s17  }
0x8e: {  	[smem:$0x3FC2] =	sst s2  }
0x8f: {  	_ = 	snop  }
0x90: {  	s2 =	sld [smem:$0x3FD0];
	(tm) =	ssettm $0x1  }
0x91: {  	s18 =	sld [smem:$0x3FFB];
	_ =	sdelay $0x3  }
0x92: {  	_ =	strace s18  }
0x93: {  	s3 =	sld [smem:$0x3FFC];
	_ =	sdelay $0x3  }
0x94: {  	_ =	strace s3  }
0x95: {  	s3 =	sld [smem:$0x3FFD];
	_ =	sdelay $0x3  }
0x96: {  	_ =	strace s3  }
0x97: {  	_ =	strace $0x8FFFFFFF  }
0x98: {  	s19 =	sld [smem:$0x3FDB];
	_ =	sdelay $0x1  }
0x99: {  	s4 =	simm.s32 $_scs_section_size  }
0x9a: {  	s5 =	simm.s32 $_size__tile_overlayer_lowered;
	s6 =	simm.s32 $_tile_overlayer_lowered  }
0x9b: {  	s22 =	simm.s32 $0x1BFF;
	s21 =	sshll.u32 s6, $0x1;
	s3 =	sadd.s32 s4, s19  }
0x9c: {  	s7 =	simm.s32 $0x0;
	s20 =	sshll.u32 s5, $0x1;
	s5 =	sadd.s32 s21, s3  }
0x9d: {  	[timem:s7], [sflag:s22] =	dma.local [hbm:s5], s20  }
0x9e: {  	_ =	swait.ge [sflag:s22], s20  }
0x9f: {  	s4 =	ssub.s32 $0x0, s20;
	[sflag:s22] =	ssyncset.done $0x0  }
0xa0: {  	[sflag:s22] =	ssyncadd.s32 s4;
	_ =	sdelay $0x1  }
0xa1: {  	s23 =	simm.s32 $0x1B8B  }
0xa2: {  	_ =	swait.ge [sflag:s23], $0x1  }
0xa3: {  	[sflag:s23] =	ssyncset.done $0x0  }
0xa4: {  	s25 =	simm.s32 $0x1B8E;
	s24 =	sld [smem:$0x3FFE];
	[sflag:s23] =	ssyncadd.s32 $0xFFFFFFFF  }
0xa5: {  	s26 =	simm.s32 $execute0_lowered;
	[smem:$0x3FD2] =	sst s25  }
0xa6: {  	s5 =	sshll.u32 s26, $0x1;
	_ =	strace $0x80000046;
	[dreg:$0x1] =	wrdreg $0xFFFFFFFF  }
0xa7: {  	s28 =	simm.s32 $_size_execute0_lowered;
	s3 =	sadd.s32 s3, s5;
	[dreg:$0x0] =	wrdreg $0x0  }
0xa8: {  	s5 =	sshll.u32 s28, $0x1;
	[dreg:$0x2] =	wrdreg s3  }
0xa9: {  	[dreg:$0x3] =	wrdreg s5  }
0xaa: {  	[dreg:$0x4] =	wrdreg $0xC0  }
0xab: {  	_ =	task [dreg:s7], $0x5FFFF  }
0xac: {  	[dreg:$0x1] =	wrdreg $0xFFFFFFFF  }
0xad: {  	[dreg:$0x0] =	wrdreg $0x60  }
0xae: {  	[dreg:$0x2] =	wrdreg s24  }
0xaf: {  	[dreg:$0x3] =	wrdreg s2  }
0xb0: {  	[dreg:$0x4] =	wrdreg $0x70900  }
0xb1: {  	[dreg:$0x5] =	wrdreg $0x1A9100  }
0xb2: {  	[dreg:$0x6] =	wrdreg $0x9  }
0xb3: {  	_ =	task.clear_ibuf [dreg:s7], $0x7FFFF;
	_ =	strace $0x90000046  }
0xb4: {  	s29 =	simm.s32 $0x9;
	_ =	strace $0x80000048  }
0xb5: {  	_ =	swait.ge [sflag:s29], $0x1  }
0xb6: {  	[sflag:s29] =	ssyncadd.s32 $0xFFFFFFFF  }
0xb7: {  	_ =	strace $0x90000048  }
0xb8: {  	_ =	sfence  }
0xb9: {  	s30 =	sld [smem:$0x0];
	_ =	sdelay $0x2  }
0xba: {  	s31 =	sshll.u32 s1, $0xD;
	s1 =	sshrl.u32 s1, $0x2  }
0xbb: {  	s3 =	sand.u32 $0x4000, s31;
	s1 =	sadd.s32 s1, s30  }
0xbc: {  	s0 =	sor.u32 s3, s0;
	s1 =	sshll.u32 s1, $0x11  }
0xbd: {  	s0 =	sor.u32 s1, s0  }
0xbe: {  	s0 =	sadd.s32 $0x8F2B, s0  }
0xbf: {  	[sflag:s0] =	ssyncadd.remote.s32 $0x1  }
0xc0: {  	_ =	sfence.sel $0xFFFF  }
0xc1: {  	[dreg:$0x0] =	wrdreg $0xFFFFFFFF;
	(pc) =	sbr.abs _section_cstart, $3  }
0xc2: {  	[dreg:$0x1] =	wrdreg $0xFFFFFFFF  }
0xc3: {  	_ =	task.clear_ibuf [dreg:s7], $0x2FFFF;
	_ =	strace $0x9FFFFFFF  }
0xc4: {  	(tm) =	ssettm $0x7FFFFFFF  }
0xc5: {  	_ =	shalt  }
tec
execute0_lowered:
.L_overlay_start_1:
0x0: {  	(tag) =	ssettag $0x1  }
0x1: {  	s0 =	rddreg [dreg:$0x0]  }
0x2: {  	s1 =	rddreg [dreg:$0x2]  }
0x3: {  	s2 =	rddreg [dreg:$0x3];
	s20 =	simm.s32 $0x0  }
0x4: {  	s4 =	srdreg.scid;
	s18 =	stileid.u32;
	s31 =	simm.s32 $0xA00  }
0x5: {  	s30 =	simm.s32 $0x4E200;
	s29 =	simm.s32 $0x6FE0;
	[smem:$0x7FF] =	sst s20  }
0x6: {  	s5 =	sadd.s32 $0x1A00, s0;
	s7 =	sadd.s32 $0x15600, s0;
	s8 =	sadd.s32 $0x1A600, s0  }
0x7: {  	s4 =	sand.u32 $0x1, s4;
	s6 =	sadd.s32 $0x15400, s0;
	s11 =	smul.u32 $0x270, s18  }
0x8: {  	s9 =	sadd.s32 $0x29400, s0;
	s0 =	sadd.s32 $0x1F600, s0;
	s3 =	smul.u32 $0x13800, s18  }
0x9: {  	s13 =	smul.u32 $0x2700, s18;
	p0 =	sne.s32 s18, $0xF;
	_ =	strace $0x80000047  }
0xa: {  	[dreg:$0x6] =	wrdreg s6;
	s28 =	ssub.s32 $0x2, s4;
	s17 =	smul.u32 $0x138800, s4  }
0xb: {  	s12 =	sshll.u32 s4, $0x4;
	s4 =	smul.u32 $0x27100, s4;
	s10 =	sshrl.u32 s28, $0x1  }
0xc: {  	s14 =	sadd.s32 $0x50, s11;
	s12 =	sor.u32 s18, s12;
	s22 =	sadd.s32 s3, s1  }
0xd: {  	s23 =	sadd.s32 s13, s2;
	s19 =	sadd.s32 $0xA0, s11;
	s25 =	sadd.s32 $0xF0, s11  }
0xe: {  	s18 =	sadd.s32 $0x27000, s2;
	s6 =	ssub.s32 s28, s10;
	s15 =	sshll.u32 s14, $0x7  }
0xf: {  	s14 =	sshll.u32 s14, $0x4;
	s16 =	sshll.u32 s19, $0x7;
	s24 =	sshll.u32 s19, $0x4  }
0x10: {  	s10 =	sadd.s32 s3, s17;
	s26 =	sshrl.u32 s17, $0x3;
	s28 =	sadd.s32 s13, s4  }
0x11: {  	s3 =	sshll.u32 s25, $0x7;
	s4 =	sshrl.u32 s4, $0x3;
	[dreg:$0x1f] =	wrdreg s18  }
0x12: {  	s17 =	sshll.u32 s25, $0x4;
	s25 =	sadd.s32 $0x1E0, s11;
	[dreg:$0x7] =	wrdreg s22  }
0x13: {  	s12 =	smul.u32 $0x2710, s12;
	[dreg:$0x8] =	wrdreg s23;
	s15 =	sadd.s32 s15, s1  }
0x14: {  	s18 =	simm.s32 $0xF00;
	s14 =	sadd.s32 s14, s2;
	[dreg:$0x9] =	wrdreg s15  }
0x15: {  	s21 =	sadd.s32 s16, s1;
	s10 =	sshrl.u32 s10, $0x3;
	[dreg:$0xa] =	wrdreg s14  }
0x16: {  	s16 =	sadd.s32 s3, s1;
	[dreg:$0xb] =	wrdreg s21;
	s14 =	sadd.s32 s24, s2  }
0x17: {  	s10 =	sadd.s32 s9, s10;
	s9 =	sadd.s32 s9, s26;
	[dreg:$0xf] =	wrdreg s16  }
0x18: {  	s15 =	sadd.s32 $0x140, s11;
	s24 =	sadd.s32 $0x190, s11;
	[dreg:$0x16] =	wrdreg s12  }
0x19: {  	s11 =	sadd.s32 $0x230, s11;
	s16 =	sshrl.u32 s12, $0x3;
	[dreg:$0xc] =	wrdreg s14  }
0x1a: {  	[dreg:$0xd] =	wrdreg s10;
	s10 =	sshrl.u32 s28, $0x3;
	s9 =	sadd.s32 $0x27000, s9  }
0x1b: {  	s19 =	sshll.u32 s15, $0x7;
	s10 =	sadd.s32 s0, s10;
	[dreg:$0x1b] =	wrdreg s9  }
0x1c: {  	s26 =	sshll.u32 s24, $0x7;
	s21 =	sadd.s32 s19, s1;
	[dreg:$0xe] =	wrdreg s10  }
0x1d: {  	s28 =	sshll.u32 s25, $0x7;
	s13 =	sadd.s32 s26, s1;
	[dreg:$0x11] =	wrdreg s21  }
0x1e: {  	s14 =	sshll.u32 s11, $0x7;
	s3 =	sadd.s32 s28, s1;
	[dreg:$0x13] =	wrdreg s13  }
0x1f: {  	s0 =	sadd.s32 s0, s4;
	s26 =	sadd.s32 $0x190, s12;
	[dreg:$0x15] =	wrdreg s3  }
0x20: {  	s4 =	sshll.u32 s15, $0x4;
	s28 =	sadd.s32 $0x1E0, s12;
	[smem:$0x7FC] =	sst s26  }
0x21: {  	s9 =	simm.s32 $0x2;
	s10 =	sadd.s32 s17, s2;
	[smem:$0x7FD] =	sst s28  }
0x22: {  	s4 =	sadd.s32 s4, s2;
	s0 =	sadd.s32 $0x4E00, s0;
	[dreg:$0x10] =	wrdreg s10  }
0x23: {  	s17 =	smax.u32 s6, $0x1;
	s3 =	smov.u32 s1;
	[dreg:$0x12] =	wrdreg s4  }
0x24: {  	s13 =	smov.u32 s2;
	s26 =	simm.s32 $0x6EF0;
	[dreg:$0x1c] =	wrdreg s0  }
0x25: {  	s4 =	sshll.u32 s24, $0x4;
	[dreg:$0x1d] =	wrdreg s17;
	s24 =	sadd.s32 $0x140, s12  }
0x26: {  	s10 =	sshll.u32 s25, $0x4;
	s25 =	sadd.s32 $0x138000, s1;
	[smem:$0x7FB] =	sst s24  }
0x27: {  	s12 =	simm.s32 $0x3;
	s4 =	sadd.s32 s4, s2;
	[dreg:$0x1e] =	wrdreg s25  }
0x28: {  	s17 =	simm.s32 $0x5;
	s24 =	simm.s32 $0x6E50;
	[dreg:$0x14] =	wrdreg s4  }
0x29: {  	s4 =	sadd.s32 s10, s2;
	s10 =	sshll.u32 s11, $0x4;
	s11 =	simm.s32 $0x1  }
0x2a: {  	[dreg:$0x17] =	wrdreg s4;
	s4 =	sadd.s32 s14, s1;
	s15 =	sadd.s32 s10, s2  }
0x2b: {  	s1 =	simm.s32 $0x6F90;
	s14 =	simm.s32 $0x6;
	[dreg:$0x18] =	wrdreg s4  }
0x2c: {  	s2 =	simm.s32 $0x7030;
	[dreg:$0x19] =	wrdreg s15;
	s4 =	sadd.s32 s5, s16  }
0x2d: {  	s16 =	simm.s32 $0x4;
	s19 =	sadd.s32 $0xA, s4;
	[dreg:$0x1a] =	wrdreg s4  }
0x2e: {  	s21 =	sadd.s32 $0x14, s4;
	s4 =	simm.s32 $0x7;
	[smem:$0x7F9] =	sst s19  }
0x2f: {  	v0 =	vimm.f32 $0.0e+00;
	[smem:$0x7FA] =	sst s21;
	s21 =	simm.s32 $0x50;
	s19 =	simm.s32 $0x8  }
.LBB2_1:
0x30: {  	s0 =	simm.s32 $0xF40  }
0x31: {  	[tilespmem:s0+$0xFFFFFFD0] =	vst v0  }
0x32: {  	[tilespmem:s0+$0xFFFFFFE0] =	vst v0  }
0x33: {  	[tilespmem:s0+$0xFFFFFFF0] =	vst v0  }
0x34: {  	[tilespmem:s0+$0x0] =	vst v0  }
0x35: {  	[tilespmem:s0+$0x10] =	vst v0  }
0x36: {  	[tilespmem:s0+$0x20] =	vst v0  }
0x37: {  	[tilespmem:s0+$0x30] =	vst v0  }
0x38: {  	[dreg:$0x5] =	wrdreg s20;
	s10 =	simm.s32 $0x0;
	s6 =	simm.s32 $0x40;
	[tilespmem:s0+$0xFFFFFFC0] =	vst v0  }
.LBB2_2:
0x39: {  	p1 =	sne.s32 s6, $0x13C0;
	[tilespmem:s10+$0xA00] =	vst v0;
	s0 =	sadd.s32 $0x80, s0  }
0x3a: {  	[tilespmem:s0+$0xFFFFFFD0] =	vst v0  }
0x3b: {  	[tilespmem:s0+$0xFFFFFFE0] =	vst v0  }
0x3c: {  	[tilespmem:s0+$0xFFFFFFF0] =	vst v0  }
.Ltmp0:
0x3d: {  	[tilespmem:s0+$0x0] =	vst v0;
	(pc) =	sbr.rel @p1 .LBB2_2-.Ltmp0, $4  }
0x3e: {  	[tilespmem:s0+$0x10] =	vst v0  }
0x3f: {  	[tilespmem:s0+$0x20] =	vst v0  }
0x40: {  	[tilespmem:s0+$0x30] =	vst v0  }
0x41: {  	s10 =	sshra.s32 s6, $0x2;
	s6 =	sadd.s32 $0x40, s6;
	[tilespmem:s0+$0xFFFFFFC0] =	vst v0  }
0x42: {  	[tilespmem:s10+$0xA00] =	vst v0;
	s15 =	simm.s32 $0xF  }
0x43: {  	[spmem:s22] =	stream.linear.scatter [tilespmem:s18], [sflag:$0xF], $0x2800, $0x38;
	[tilespmem:$0x1D020] =	vst v63  }
0x44: {  	_ =	swait.ge [sflag:s15], $0x2800  }
0x45: {  	[sflag:s15] =	ssyncset.done $0x0  }
0x46: {  	[sflag:s15] =	ssyncadd.s32 $0xFFFFD800  }
0x47: {  	[spmem:s23] =	stream.linear.scatter [tilespmem:s31], [sflag:$0xF], $0x500, $0x38;
	[tilespmem:$0x1D020] =	vst v63  }
0x48: {  	_ =	swait.ge [sflag:s15], $0x500  }
0x49: {  	[sflag:s15] =	ssyncset.done $0x0  }
0x4a: {  	s0 =	rddreg [dreg:$0x9];
	[sflag:s15] =	ssyncadd.s32 $0xFFFFFB00  }
0x4b: {  	[spmem:s0] =	stream.linear.scatter [tilespmem:s18], [sflag:$0xF], $0x2800, $0x38;
	[tilespmem:$0x1D020] =	vst v63  }
0x4c: {  	_ =	swait.ge [sflag:s15], $0x2800  }
0x4d: {  	[sflag:s15] =	ssyncset.done $0x0  }
0x4e: {  	s20 =	rddreg [dreg:$0xa];
	[sflag:s15] =	ssyncadd.s32 $0xFFFFD800  }
0x4f: {  	[spmem:s20] =	stream.linear.scatter [tilespmem:s31], [sflag:$0xF], $0x500, $0x38;
	[tilespmem:$0x1D020] =	vst v63  }
0x50: {  	_ =	swait.ge [sflag:s15], $0x500  }
0x51: {  	[sflag:s15] =	ssyncset.done $0x0  }
0x52: {  	s22 =	rddreg [dreg:$0xb];
	[sflag:s15] =	ssyncadd.s32 $0xFFFFFB00  }
0x53: {  	[spmem:s22] =	stream.linear.scatter [tilespmem:s18], [sflag:$0xF], $0x2800, $0x38;
	[tilespmem:$0x1D020] =	vst v63  }
0x54: {  	_ =	swait.ge [sflag:s15], $0x2800  }
0x55: {  	[sflag:s15] =	ssyncset.done $0x0  }
0x56: {  	s23 =	rddreg [dreg:$0xc];
	[sflag:s15] =	ssyncadd.s32 $0xFFFFD800  }
0x57: {  	[spmem:s23] =	stream.linear.scatter [tilespmem:s31], [sflag:$0xF], $0x500, $0x38;
	[tilespmem:$0x1D020] =	vst v63  }
0x58: {  	_ =	swait.ge [sflag:s15], $0x500  }
0x59: {  	[sflag:s15] =	ssyncset.done $0x0  }
0x5a: {  	s6 =	rddreg [dreg:$0xf];
	[sflag:s15] =	ssyncadd.s32 $0xFFFFFB00  }
0x5b: {  	[spmem:s6] =	stream.linear.scatter [tilespmem:s18], [sflag:$0xF], $0x2800, $0x38;
	[tilespmem:$0x1D020] =	vst v63  }
0x5c: {  	_ =	swait.ge [sflag:s15], $0x2800  }
0x5d: {  	[sflag:s15] =	ssyncset.done $0x0  }
0x5e: {  	s10 =	rddreg [dreg:$0x10];
	[sflag:s15] =	ssyncadd.s32 $0xFFFFD800  }
0x5f: {  	[spmem:s10] =	stream.linear.scatter [tilespmem:s31], [sflag:$0xF], $0x500, $0x38;
	[tilespmem:$0x1D020] =	vst v63  }
0x60: {  	_ =	swait.ge [sflag:s15], $0x500  }
0x61: {  	[sflag:s15] =	ssyncset.done $0x0  }
0x62: {  	s20 =	rddreg [dreg:$0x11];
	[sflag:s15] =	ssyncadd.s32 $0xFFFFFB00  }
0x63: {  	[spmem:s20] =	stream.linear.scatter [tilespmem:s18], [sflag:$0xF], $0x2800, $0x38;
	[tilespmem:$0x1D020] =	vst v63  }
0x64: {  	_ =	swait.ge [sflag:s15], $0x2800  }
0x65: {  	[sflag:s15] =	ssyncset.done $0x0  }
0x66: {  	s22 =	rddreg [dreg:$0x12];
	[sflag:s15] =	ssyncadd.s32 $0xFFFFD800  }
0x67: {  	[spmem:s22] =	stream.linear.scatter [tilespmem:s31], [sflag:$0xF], $0x500, $0x38;
	[tilespmem:$0x1D020] =	vst v63  }
0x68: {  	_ =	swait.ge [sflag:s15], $0x500  }
0x69: {  	[sflag:s15] =	ssyncset.done $0x0  }
0x6a: {  	s23 =	rddreg [dreg:$0x13];
	[sflag:s15] =	ssyncadd.s32 $0xFFFFFB00  }
0x6b: {  	[spmem:s23] =	stream.linear.scatter [tilespmem:s18], [sflag:$0xF], $0x2800, $0x38;
	[tilespmem:$0x1D020] =	vst v63  }
0x6c: {  	_ =	swait.ge [sflag:s15], $0x2800  }
0x6d: {  	[sflag:s15] =	ssyncset.done $0x0  }
0x6e: {  	s6 =	rddreg [dreg:$0x14];
	[sflag:s15] =	ssyncadd.s32 $0xFFFFD800  }
0x6f: {  	[spmem:s6] =	stream.linear.scatter [tilespmem:s31], [sflag:$0xF], $0x500, $0x38;
	[tilespmem:$0x1D020] =	vst v63  }
0x70: {  	_ =	swait.ge [sflag:s15], $0x500  }
0x71: {  	[sflag:s15] =	ssyncset.done $0x0  }
0x72: {  	s10 =	rddreg [dreg:$0x15];
	[sflag:s15] =	ssyncadd.s32 $0xFFFFFB00  }
0x73: {  	[spmem:s10] =	stream.linear.scatter [tilespmem:s18], [sflag:$0xF], $0x2800, $0x38;
	[tilespmem:$0x1D020] =	vst v63  }
0x74: {  	_ =	swait.ge [sflag:s15], $0x2800  }
0x75: {  	[sflag:s15] =	ssyncset.done $0x0  }
0x76: {  	s20 =	rddreg [dreg:$0x17];
	[sflag:s15] =	ssyncadd.s32 $0xFFFFD800  }
0x77: {  	[spmem:s20] =	stream.linear.scatter [tilespmem:s31], [sflag:$0xF], $0x500, $0x38;
	[tilespmem:$0x1D020] =	vst v63  }
0x78: {  	_ =	swait.ge [sflag:s15], $0x500  }
0x79: {  	[sflag:s15] =	ssyncset.done $0x0  }
0x7a: {  	s22 =	rddreg [dreg:$0x18];
	[sflag:s15] =	ssyncadd.s32 $0xFFFFFB00  }
0x7b: {  	[spmem:s22] =	stream.linear.scatter [tilespmem:s18], [sflag:$0xF], $0x2000, $0x38;
	[tilespmem:$0x1D020] =	vst v63  }
0x7c: {  	_ =	swait.ge [sflag:s15], $0x2000  }
0x7d: {  	[sflag:s15] =	ssyncset.done $0x0  }
0x7e: {  	s23 =	rddreg [dreg:$0x19];
	[sflag:s15] =	ssyncadd.s32 $0xFFFFE000  }
0x7f: {  	[spmem:s23] =	stream.linear.scatter [tilespmem:s31], [sflag:$0xF], $0x400, $0x38;
	[tilespmem:$0x1D020] =	vst v63  }
0x80: {  	_ =	swait.ge [sflag:s15], $0x400  }
0x81: {  	[sflag:s15] =	ssyncset.done $0x0  }
0x82: {  	s0 =	simm.s32 @!p0 $0xF00;
	[sflag:s15] =	ssyncadd.s32 $0xFFFFFC00  }
0x83: {  	[spmem:s25] =	stream.linear.scatter @!p0 [tilespmem:s0], [sflag:$0xF], $0x800, $0x38;
	[tilespmem:$0x1D020] =	vst v63  }
0x84: {  	s0 =	simm.s32 @!p0 $0xF  }
0x85: {  	_ =	swait.ge @!p0 [sflag:s0], $0x800  }
0x86: {  	[sflag:s0] =	ssyncset.done @!p0 $0x0  }
0x87: {  	s6 =	simm.s32 @!p0 $0xA00;
	s10 =	rddreg [dreg:$0x1f];
	[sflag:s0] =	ssyncadd.s32 @!p0 $0xFFFFF800  }
0x88: {  	[spmem:s10] =	stream.linear.scatter @!p0 [tilespmem:s6], [sflag:$0xF], $0x100, $0x38;
	[tilespmem:$0x1D020] =	vst v63  }
0x89: {  	_ =	swait.ge @!p0 [sflag:s0], $0x100  }
0x8a: {  	s22 =	simm.s32 $0x0;
	[sflag:s0] =	ssyncset.done @!p0 $0x0  }
0x8b: {  	s10 =	simm.s32 $0x7080;
	s6 =	rddreg [dreg:$0x6];
	[sflag:s0] =	ssyncadd.s32 @!p0 $0xFFFFFF00  }
0x8c: {  	[tilespmem:s10], [sflag:$0xF] =	stream.linear.gather [hbm4b:s6+s22], $0x10, $0x38;
	[tilespmem:$0x1D020] =	vst v63  }
0x8d: {  	_ =	swait.ge [sflag:s15], $0x10  }
0x8e: {  	[sflag:s15] =	ssyncset.done $0x0  }
0x8f: {  	[sflag:s15] =	ssyncadd.s32 $0xFFFFFFF0  }
0x90: {  	[bflag:$0x0] =	sbarrier.arrive $0xFFFF  }
0x91: {  	s20 =	rddreg [dreg:$0x1a]  }
0x92: {  	s6 =	simm.s32 $0x6E00;
	s23 =	sld [smem:$0x7F9]  }
0x93: {  	v1 =	vld [tilespmem:$0x7080];
	[tilespmem:s6], [sflag:$0xB] =	stream.strided.gather [hbm4b:s20+s21], $0xA0, s30, s21, $0x38  }
0x94: {  	s25 =	simm.s32 $0x6EA0;
	s15 =	sld [smem:$0x7FA]  }
0x95: {  	[tilespmem:s25], [sflag:$0xC] =	stream.strided.gather [hbm4b:s23+s21], $0xA0, s30, s21, $0x38;
	[tilespmem:$0x1D020] =	vst v63  }
0x96: {  	s20 =	simm.s32 $0x6F40;
	s23 =	simm.s32 $0xB  }
0x97: {  	[tilespmem:s20], [sflag:$0xD] =	stream.strided.gather [hbm4b:s15+s21], $0xA0, s30, s21, $0x38;
	[tilespmem:$0x1D020] =	vst v63  }
0x98: {  	_ =	swait.ge [sflag:s23], $0xA0  }
0x99: {  	[sflag:s23] =	ssyncset.done $0x0  }
0x9a: {  	[sflag:s23] =	ssyncadd.s32 $0xFFFFFF60  }
0x9b: {  	s0 =	rddreg [dreg:$0x1]  }
0x9c: {  	[tilespmem:s18], [sflag:$0x1] =	stream.indirect.gather [hbm4b:s0+s21], $0x80, s6, s21, $0xb8;
	[tilespmem:$0x1D020] =	vst v63  }
0x9d: {  	_ = 	snop  }
0x9e: {  	[tilespmem:s22], [sflag:$0x2] =	stream.indirect.gather [hbm4b:s7+s21], $0x10, s6, s21, $0xb8;
	[tilespmem:$0x1D020] =	vst v63  }
0x9f: {  	s28 =	simm.s32 $0x6E00;
	s25 =	simm.s32 $0x500;
	s15 =	simm.s32 $0x4600  }
0xa0: {  	[tilespmem:s25], [sflag:$0x3] =	stream.indirect.gather [hbm4b:s8+s21], $0x10, s24, s21, $0xb8;
	[tilespmem:$0x1D020] =	vst v63  }
.LBB2_4:
0xa1: {  	p1 =	seq.s32 s22, $0x0  }
0xa2: {  	s0 =	simm.s32 @!p1 $0x9  }
0xa3: {  	_ =	swait.ge @!p1 [sflag:s0], $0x500  }
0xa4: {  	s6 =	smul.u32 @!p1 $0x140, s22;
	[sflag:s0] =	ssyncset.done @!p1 $0x0  }
0xa5: {  	[sflag:s0] =	ssyncadd.s32 @!p1 $0xFFFFFB00;
	s0 =	simm.s32 @!p1 $0xA  }
0xa6: {  	s6 =	sadd.s32 @!p1 $0xF0, s6;
	_ =	swait.ge @!p1 [sflag:s0], $0x2800  }
0xa7: {  	s6 =	simm.s32 @p1 $0xF0;
	s10 =	rddreg [dreg:$0x16]  }
0xa8: {  	s6 =	sadd.s32 s10, s6  }
0xa9: {  	[sflag:s0] =	ssyncset.done @!p1 $0x0;
	s6 =	sshrl.u32 s6, $0x3  }
0xaa: {  	[sflag:s0] =	ssyncadd.s32 @!p1 $0xFFFFD800;
	s10 =	simm.s32 $0xC;
	s6 =	sadd.s32 s5, s6  }
0xab: {  	[tilespmem:s29], [sflag:$0xE] =	stream.strided.gather [hbm4b:s6+s21], $0xA0, s30, s21, $0x38;
	[tilespmem:$0x1D020] =	vst v63  }
0xac: {  	_ =	swait.ge [sflag:s10], $0xA0  }
0xad: {  	[sflag:s10] =	ssyncset.done $0x0  }
0xae: {  	[sflag:s10] =	ssyncadd.s32 $0xFFFFFF60  }
0xaf: {  	s20 =	simm.s32 $0x6EA0;
	s23 =	rddreg [dreg:$0x1]  }
0xb0: {  	[tilespmem:s15], [sflag:$0x4] =	stream.indirect.gather [hbm4b:s23+s21], $0x80, s20, s21, $0xb8;
	[tilespmem:$0x1D020] =	vst v63  }
0xb1: {  	s24 =	simm.s32 $0x3700  }
0xb2: {  	[tilespmem:s24], [sflag:$0x5] =	stream.indirect.gather [hbm4b:s7+s21], $0x10, s20, s21, $0xb8;
	[tilespmem:$0x1D020] =	vst v63  }
0xb3: {  	s25 =	simm.s32 $0x3C00  }
0xb4: {  	[tilespmem:s25], [sflag:$0x6] =	stream.indirect.gather [hbm4b:s8+s21], $0x10, s26, s21, $0xb8;
	[tilespmem:$0x1D020] =	vst v63  }
0xb5: {  	_ =	swait.ge [sflag:s11], $0x2800  }
0xb6: {  	[sflag:s11] =	ssyncset.done $0x0  }
0xb7: {  	[sflag:s11] =	ssyncadd.s32 $0xFFFFD800  }
0xb8: {  	_ =	swait.ge [sflag:s9], $0x500  }
0xb9: {  	[sflag:s9] =	ssyncset.done $0x0  }
0xba: {  	[sflag:s9] =	ssyncadd.s32 $0xFFFFFB00  }
0xbb: {  	_ =	swait.ge [sflag:s12], $0x500  }
0xbc: {  	[sflag:s12] =	ssyncset.done $0x0  }
0xbd: {  	s0 =	simm.s32 $0x0;
	[sflag:s12] =	ssyncadd.s32 $0xFFFFFB00  }
0xbe: {  	v2 =	vld [tilespmem:s0+$0x0]  }
0xbf: {  	v3 =	vld [tilespmem:s0+$0x500];
	_ =	sdelay $0x1  }
0xc0: {  	s6 =	simm.s32 $0x10  }
0xc1: {  	v4 =	vld [tilespmem:s6+$0x0]  }
0xc2: {  	v5 =	vld [tilespmem:s6+$0x500]  }
0xc3: {  	v2 =	vadd.f32 v3, v2;
	_ =	sdelay $0x1  }
0xc4: {  	v6 =	vmul.f32 $2.000000030e-01, v2  }
0xc5: {  	vm0 =	vlt.f32 v2, $0.0e+00  }
0xc6: {  	v4 =	vadd.f32 v5, v4;
	v2 =	vsel vm0, v6, v2  }
0xc7: {  	s20 =	simm.s32 $0x20;
	v2 =	vsub.f32 v2, v1  }
0xc8: {  	v3 =	vld [tilespmem:s20+$0x0];
	v7 =	vmul.f32 $2.000000030e-01, v4  }
0xc9: {  	v5 =	vld [tilespmem:s20+$0x500];
	vm14 =	vlt.f32 v4, $0.0e+00;
	v2 =	vmul.f32 $1.442695020e+00, v2  }
0xca: {  	v4 =	vsel vm14, v7, v4  }
0xcb: {  	v4 =	vsub.f32 v4, v1;
	(erf) = vpow2.f32 v2;
	_ =	sdelay $0x1  }
0xcc: {  	s15 =	simm.s32 $0x30;
	v4 =	vmul.f32 $1.442695020e+00, v4  }
0xcd: {  	v5 =	vadd.f32 v5, v3;
	v3 =	vld [tilespmem:s15+$0x500]  }
0xce: {  	v2 =	vld [tilespmem:s15+$0x0];
	(erf) = vpow2.f32 v4  }
0xcf: {  	v6 =	vmul.f32 $2.000000030e-01, v5  }
0xd0: {  	vm15 =	vlt.f32 v5, $0.0e+00  }
0xd1: {  	s29 =	simm.s32 $0x4600;
	s10 =	simm.s32 $0x100;
	v4 =	vsel vm15, v6, v5  }
.LBB2_5:
0xd2: {  	s25 =	sshra.s32 s10, $0x2;
	v4 =	vsub.f32 v4, v1;
	p1 =	sne.s32 s10, $0x13C0  }
.Ltmp1:
0xd3: {  	s10 =	sadd.s32 $0x40, s10;
	v5 =	vadd.f32 v3, v2;
	v2 =	vld [tilespmem:s25+$0x0];
	v6 =	vpop (erf);
	(pc) =	sbr.rel @p1 .LBB2_5-.Ltmp1, $4  }
0xd4: {  	v3 =	vld [tilespmem:s25+$0x500];
	v4 =	vmul.f32 $1.442695020e+00, v4;
	[tilespmem:s0+$0xA00] =	vst v6;
	s0 =	smov.u32 s6;
	s6 =	smov.u32 s20;
	s20 =	smov.u32 s15  }
0xd5: {  	s15 =	smov.u32 s25;
	v6 =	vmul.f32 $2.000000030e-01, v5  }
0xd6: {  	vm0 =	vlt.f32 v5, $0.0e+00;
	(erf) = vpow2.f32 v4  }
0xd7: {  	v4 =	vsel vm0, v6, v5  }
0xd8: {  	_ = 	snop  }
0xd9: {  	v2 =	vadd.f32 v3, v2;
	_ =	sdelay $0x1  }
0xda: {  	v3 =	vmul.f32 $2.000000030e-01, v2  }
0xdb: {  	vm0 =	vlt.f32 v2, $0.0e+00  }
0xdc: {  	v4 =	vsub.f32 v4, v1;
	v2 =	vsel vm0, v3, v2  }
0xdd: {  	v2 =	vsub.f32 v2, v1  }
0xde: {  	v3 =	vmul.f32 $1.442695020e+00, v4  }
0xdf: {  	v2 =	vmul.f32 $1.442695020e+00, v2  }
0xe0: {  	(erf) = vpow2.f32 v3  }
0xe1: {  	(erf) = vpow2.f32 v2;
	_ =	sdelay $0x5  }
0xe2: {  	v2 =	vpop (erf)  }
0xe3: {  	v3 =	vpop (erf);
	[tilespmem:s0+$0xA00] =	vst v2  }
0xe4: {  	[tilespmem:s6+$0xA00] =	vst v3;
	v2 =	vpop (erf)  }
0xe5: {  	[tilespmem:s20+$0xA00] =	vst v2;
	v2 =	vpop (erf)  }
0xe6: {  	s0 =	simm.s32 $0xF40;
	[tilespmem:s15+$0xA00] =	vst v2  }
0xe7: {  	s10 =	simm.s32 $0x0;
	s6 =	simm.s32 $0xF40;
	s20 =	simm.s32 $0x40;
	v2 =	vld [tilespmem:s0+$0xFFFFFFF0]  }
.LBB2_7:
0xe8: {  	p1 =	sne.s32 s20, $0x13C0;
	v3 =	vld [tilespmem:s10+$0xA00]  }
0xe9: {  	v4 =	vld [tilespmem:s0+$0xFFFFFFD0]  }
0xea: {  	v5 =	vld [tilespmem:s0+$0xFFFFFFC0]  }
0xeb: {  	v6 =	vld [tilespmem:s0+$0xFFFFFFE0]  }
0xec: {  	v7 =	vld [tilespmem:s0+$0x30]  }
0xed: {  	v8 =	vbroadcast v3, $0x0;
	v9 =	vbroadcast v3, $0x1;
	v10 =	vld [tilespmem:s0+$0x10]  }
0xee: {  	v11 =	vbroadcast v3, $0x2;
	v12 =	vbroadcast v3, $0x3;
	v13 =	vld [tilespmem:s0+$0x0]  }
0xef: {  	v5 =	vmul.f32 v8, v5;
	v4 =	vmul.f32 v4, v9;
	v8 =	vld [tilespmem:s0+$0x20]  }
0xf0: {  	v2 =	vmul.f32 v2, v12;
	v6 =	vmul.f32 v6, v11  }
0xf1: {  	v9 =	vbroadcast v3, $0x5;
	[tilespmem:s0+$0xFFFFFFC0] =	vst v5;
	v5 =	vbroadcast v3, $0x4  }
0xf2: {  	[tilespmem:s0+$0xFFFFFFD0] =	vst v4;
	v4 =	vbroadcast v3, $0x6;
	v3 =	vbroadcast v3, $0x7  }
0xf3: {  	[tilespmem:s0+$0xFFFFFFE0] =	vst v6;
	v5 =	vmul.f32 v13, v5;
	v6 =	vmul.f32 v10, v9  }
.Ltmp2:
0xf4: {  	[tilespmem:s0+$0xFFFFFFF0] =	vst v2;
	v2 =	vmul.f32 v8, v4;
	v3 =	vmul.f32 v7, v3;
	(pc) =	sbr.rel @p1 .LBB2_7-.Ltmp2, $4  }
0xf5: {  	[tilespmem:s0+$0x0] =	vst v5  }
0xf6: {  	[tilespmem:s0+$0x10] =	vst v6  }
0xf7: {  	s0 =	sadd.s32 $0x80, s0;
	[tilespmem:s6+$0x20] =	vst v2  }
0xf8: {  	s10 =	sshra.s32 s20, $0x2;
	s20 =	sadd.s32 $0x40, s20;
	v2 =	vld [tilespmem:s0+$0xFFFFFFF0];
	[tilespmem:s6+$0x30] =	vst v3;
	s6 =	smov.u32 s0  }
0xf9: {  	v3 =	vld [tilespmem:s10+$0xA00];
	_ =	sdelay $0x1  }
0xfa: {  	v4 =	vld [tilespmem:s0+$0xFFFFFFC0]  }
0xfb: {  	v5 =	vld [tilespmem:s0+$0xFFFFFFD0]  }
0xfc: {  	v6 =	vld [tilespmem:s0+$0xFFFFFFE0]  }
0xfd: {  	v7 =	vbroadcast v3, $0x0  }
0xfe: {  	v9 =	vld [tilespmem:s0+$0x0];
	v8 =	vbroadcast v3, $0x1  }
0xff: {  	v10 =	vld [tilespmem:s0+$0x10];
	v11 =	vbroadcast v3, $0x2;
	v4 =	vmul.f32 v7, v4  }
0x100: {  	v63 =	vld [tilespmem:s0+$0x20];
	v7 =	vbroadcast v3, $0x3;
	v5 =	vmul.f32 v5, v8  }
0x101: {  	v12 =	vld [tilespmem:s0+$0x30];
	v6 =	vmul.f32 v6, v11;
	[tilespmem:s0+$0xFFFFFFC0] =	vst v4;
	v4 =	vbroadcast v3, $0x4  }
0x102: {  	v2 =	vmul.f32 v2, v7;
	v7 =	vbroadcast v3, $0x5;
	[tilespmem:s0+$0xFFFFFFD0] =	vst v5  }
0x103: {  	v5 =	vbroadcast v3, $0x6;
	[tilespmem:s0+$0xFFFFFFE0] =	vst v6;
	v4 =	vmul.f32 v9, v4  }
0x104: {  	v3 =	vbroadcast v3, $0x7;
	v6 =	vmul.f32 v10, v7;
	[tilespmem:s0+$0xFFFFFFF0] =	vst v2  }
0x105: {  	v2 =	vmul.f32 v63, v5;
	[tilespmem:s0+$0x0] =	vst v4  }
0x106: {  	v3 =	vmul.f32 v12, v3;
	[tilespmem:s0+$0x10] =	vst v6  }
0x107: {  	[tilespmem:s6+$0x20] =	vst v2  }
0x108: {  	s10 =	simm.s32 $0x6E50;
	[tilespmem:s6+$0x30] =	vst v3  }
0x109: {  	[spmem:s13] =	stream.indirect.scatter.add.f32 [tilespmem:s31], [sflag:$0x7], $0x10, s10, s21, $0xb8;
	[tilespmem:$0x1D020] =	vst v63  }
0x10a: {  	_ = 	snop  }
0x10b: {  	[spmem:s3] =	stream.indirect.scatter.add.f32 [tilespmem:s18], [sflag:$0x8], $0x80, s10, s21, $0xb8;
	[tilespmem:$0x1D020] =	vst v63  }
0x10c: {  	_ =	swait.ge [sflag:s4], $0x500  }
0x10d: {  	[sflag:s4] =	ssyncset.done $0x0  }
0x10e: {  	[sflag:s4] =	ssyncadd.s32 $0xFFFFFB00  }
0x10f: {  	_ =	swait.ge [sflag:s19], $0x2800  }
0x110: {  	s15 =	sld [smem:$0x7FB]  }
0x111: {  	s20 =	smul.u32 $0x140, s22;
	_ =	sdelay $0x1  }
0x112: {  	s0 =	sadd.s32 s20, s15  }
0x113: {  	[sflag:s19] =	ssyncset.done $0x0;
	s0 =	sshrl.u32 s0, $0x3  }
0x114: {  	s23 =	simm.s32 $0xD;
	[sflag:s19] =	ssyncadd.s32 $0xFFFFD800;
	s0 =	sadd.s32 s5, s0  }
0x115: {  	[tilespmem:s28], [sflag:$0xB] =	stream.strided.gather [hbm4b:s0+s21], $0xA0, s30, s21, $0x38;
	[tilespmem:$0x1D020] =	vst v63  }
0x116: {  	_ =	swait.ge [sflag:s23], $0xA0  }
0x117: {  	[sflag:s23] =	ssyncset.done $0x0  }
0x118: {  	[sflag:s23] =	ssyncadd.s32 $0xFFFFFF60  }
0x119: {  	s25 =	simm.s32 $0x6F40;
	s0 =	rddreg [dreg:$0x1]  }
0x11a: {  	[tilespmem:s18], [sflag:$0x1] =	stream.indirect.gather [hbm4b:s0+s21], $0x80, s25, s21, $0xb8;
	[tilespmem:$0x1D020] =	vst v63  }
0x11b: {  	s26 =	simm.s32 $0x0  }
0x11c: {  	[tilespmem:s26], [sflag:$0x2] =	stream.indirect.gather [hbm4b:s7+s21], $0x10, s25, s21, $0xb8;
	[tilespmem:$0x1D020] =	vst v63  }
0x11d: {  	s28 =	simm.s32 $0x500  }
0x11e: {  	[tilespmem:s28], [sflag:$0x3] =	stream.indirect.gather [hbm4b:s8+s21], $0x10, s1, s21, $0xb8;
	[tilespmem:$0x1D020] =	vst v63  }
0x11f: {  	_ =	swait.ge [sflag:s16], $0x2800  }
0x120: {  	[sflag:s16] =	ssyncset.done $0x0  }
0x121: {  	[sflag:s16] =	ssyncadd.s32 $0xFFFFD800  }
0x122: {  	_ =	swait.ge [sflag:s17], $0x500  }
0x123: {  	[sflag:s17] =	ssyncset.done $0x0  }
0x124: {  	[sflag:s17] =	ssyncadd.s32 $0xFFFFFB00  }
0x125: {  	_ =	swait.ge [sflag:s14], $0x500  }
0x126: {  	[sflag:s14] =	ssyncset.done $0x0  }
0x127: {  	s6 =	simm.s32 $0x0;
	[sflag:s14] =	ssyncadd.s32 $0xFFFFFB00  }
0x128: {  	v2 =	vld [tilespmem:s6+$0x3700]  }
0x129: {  	v3 =	vld [tilespmem:s6+$0x3C00];
	_ =	sdelay $0x1  }
0x12a: {  	s25 =	simm.s32 $0x10  }
0x12b: {  	v4 =	vld [tilespmem:s25+$0x3700]  }
0x12c: {  	v5 =	vld [tilespmem:s25+$0x3C00]  }
0x12d: {  	v2 =	vadd.f32 v3, v2;
	_ =	sdelay $0x1  }
0x12e: {  	v6 =	vmul.f32 $2.000000030e-01, v2  }
0x12f: {  	vm0 =	vlt.f32 v2, $0.0e+00  }
0x130: {  	v4 =	vadd.f32 v5, v4;
	v2 =	vsel vm0, v6, v2  }
0x131: {  	s30 =	simm.s32 $0x20;
	v2 =	vsub.f32 v2, v1  }
0x132: {  	v3 =	vld [tilespmem:s30+$0x3700];
	v7 =	vmul.f32 $2.000000030e-01, v4  }
0x133: {  	v5 =	vld [tilespmem:s30+$0x3C00];
	vm14 =	vlt.f32 v4, $0.0e+00;
	v2 =	vmul.f32 $1.442695020e+00, v2  }
0x134: {  	v4 =	vsel vm14, v7, v4  }
0x135: {  	v4 =	vsub.f32 v4, v1;
	(erf) = vpow2.f32 v2;
	_ =	sdelay $0x1  }
0x136: {  	s15 =	simm.s32 $0x30;
	v4 =	vmul.f32 $1.442695020e+00, v4  }
0x137: {  	v5 =	vadd.f32 v5, v3;
	v3 =	vld [tilespmem:s15+$0x3C00]  }
0x138: {  	v2 =	vld [tilespmem:s15+$0x3700];
	(erf) = vpow2.f32 v4  }
0x139: {  	v6 =	vmul.f32 $2.000000030e-01, v5  }
0x13a: {  	s24 =	simm.s32 $0x6E50;
	vm15 =	vlt.f32 v5, $0.0e+00  }
0x13b: {  	s31 =	simm.s32 $0x100;
	s10 =	simm.s32 $0x0;
	s0 =	simm.s32 $0x40;
	v4 =	vsel vm15, v6, v5  }
.LBB2_9:
0x13c: {  	s23 =	sshra.s32 s31, $0x2;
	v4 =	vsub.f32 v4, v1;
	p1 =	sne.s32 s31, $0x13C0  }
.Ltmp3:
0x13d: {  	s31 =	sadd.s32 $0x40, s31;
	v5 =	vadd.f32 v3, v2;
	v2 =	vld [tilespmem:s23+$0x3700];
	v6 =	vpop (erf);
	(pc) =	sbr.rel @p1 .LBB2_9-.Ltmp3, $4  }
0x13e: {  	v3 =	vld [tilespmem:s23+$0x3C00];
	v4 =	vmul.f32 $1.442695020e+00, v4;
	[tilespmem:s10+$0x4100] =	vst v6;
	s10 =	smov.u32 s25;
	s25 =	smov.u32 s30;
	s30 =	smov.u32 s15  }
0x13f: {  	s15 =	smov.u32 s23;
	v6 =	vmul.f32 $2.000000030e-01, v5  }
0x140: {  	vm0 =	vlt.f32 v5, $0.0e+00;
	(erf) = vpow2.f32 v4  }
0x141: {  	v4 =	vsel vm0, v6, v5  }
0x142: {  	_ = 	snop  }
0x143: {  	v2 =	vadd.f32 v3, v2;
	_ =	sdelay $0x1  }
0x144: {  	v3 =	vmul.f32 $2.000000030e-01, v2  }
0x145: {  	vm0 =	vlt.f32 v2, $0.0e+00  }
0x146: {  	v4 =	vsub.f32 v4, v1;
	v2 =	vsel vm0, v3, v2  }
0x147: {  	v2 =	vsub.f32 v2, v1  }
0x148: {  	v3 =	vmul.f32 $1.442695020e+00, v4  }
0x149: {  	v2 =	vmul.f32 $1.442695020e+00, v2  }
0x14a: {  	(erf) = vpow2.f32 v3  }
0x14b: {  	(erf) = vpow2.f32 v2;
	_ =	sdelay $0x5  }
0x14c: {  	v2 =	vpop (erf)  }
0x14d: {  	v3 =	vpop (erf);
	[tilespmem:s10+$0x4100] =	vst v2  }
0x14e: {  	[tilespmem:s25+$0x4100] =	vst v3;
	v2 =	vpop (erf)  }
0x14f: {  	[tilespmem:s30+$0x4100] =	vst v2;
	v2 =	vpop (erf)  }
0x150: {  	s30 =	simm.s32 $0x4640;
	[tilespmem:s15+$0x4100] =	vst v2  }
0x151: {  	s25 =	simm.s32 $0x4640;
	v2 =	vld [tilespmem:s30+$0xFFFFFFF0]  }
.LBB2_11:
0x152: {  	p1 =	sne.s32 s0, $0x13C0;
	v3 =	vld [tilespmem:s6+$0x4100]  }
0x153: {  	v4 =	vld [tilespmem:s30+$0xFFFFFFD0]  }
0x154: {  	v5 =	vld [tilespmem:s30+$0xFFFFFFC0]  }
0x155: {  	v6 =	vld [tilespmem:s30+$0xFFFFFFE0]  }
0x156: {  	v7 =	vld [tilespmem:s30+$0x30]  }
0x157: {  	v8 =	vbroadcast v3, $0x0;
	v9 =	vbroadcast v3, $0x1;
	v10 =	vld [tilespmem:s30+$0x10]  }
0x158: {  	v11 =	vbroadcast v3, $0x2;
	v12 =	vbroadcast v3, $0x3;
	v13 =	vld [tilespmem:s30+$0x0]  }
0x159: {  	v5 =	vmul.f32 v8, v5;
	v4 =	vmul.f32 v4, v9;
	v8 =	vld [tilespmem:s30+$0x20]  }
0x15a: {  	v2 =	vmul.f32 v2, v12;
	v6 =	vmul.f32 v6, v11  }
0x15b: {  	v9 =	vbroadcast v3, $0x5;
	[tilespmem:s30+$0xFFFFFFC0] =	vst v5;
	v5 =	vbroadcast v3, $0x4  }
0x15c: {  	[tilespmem:s30+$0xFFFFFFD0] =	vst v4;
	v4 =	vbroadcast v3, $0x6;
	v3 =	vbroadcast v3, $0x7  }
0x15d: {  	[tilespmem:s30+$0xFFFFFFE0] =	vst v6;
	v5 =	vmul.f32 v13, v5;
	v6 =	vmul.f32 v10, v9  }
.Ltmp4:
0x15e: {  	[tilespmem:s30+$0xFFFFFFF0] =	vst v2;
	v2 =	vmul.f32 v8, v4;
	v3 =	vmul.f32 v7, v3;
	(pc) =	sbr.rel @p1 .LBB2_11-.Ltmp4, $4  }
0x15f: {  	[tilespmem:s30+$0x0] =	vst v5  }
0x160: {  	[tilespmem:s30+$0x10] =	vst v6  }
0x161: {  	s30 =	sadd.s32 $0x80, s30;
	[tilespmem:s25+$0x20] =	vst v2  }
0x162: {  	s6 =	sshra.s32 s0, $0x2;
	s0 =	sadd.s32 $0x40, s0;
	v2 =	vld [tilespmem:s30+$0xFFFFFFF0];
	[tilespmem:s25+$0x30] =	vst v3;
	s25 =	smov.u32 s30  }
0x163: {  	v3 =	vld [tilespmem:s6+$0x4100];
	_ =	sdelay $0x1  }
0x164: {  	v4 =	vld [tilespmem:s30+$0xFFFFFFC0]  }
0x165: {  	v5 =	vld [tilespmem:s30+$0xFFFFFFD0]  }
0x166: {  	v6 =	vld [tilespmem:s30+$0xFFFFFFE0]  }
0x167: {  	v7 =	vbroadcast v3, $0x0  }
0x168: {  	v9 =	vld [tilespmem:s30+$0x0];
	v8 =	vbroadcast v3, $0x1  }
0x169: {  	v10 =	vld [tilespmem:s30+$0x10];
	v11 =	vbroadcast v3, $0x2;
	v4 =	vmul.f32 v7, v4  }
0x16a: {  	v63 =	vld [tilespmem:s30+$0x20];
	v7 =	vbroadcast v3, $0x3;
	v5 =	vmul.f32 v5, v8  }
0x16b: {  	v12 =	vld [tilespmem:s30+$0x30];
	v6 =	vmul.f32 v6, v11;
	[tilespmem:s30+$0xFFFFFFC0] =	vst v4;
	v4 =	vbroadcast v3, $0x4  }
0x16c: {  	v2 =	vmul.f32 v2, v7;
	v7 =	vbroadcast v3, $0x5;
	[tilespmem:s30+$0xFFFFFFD0] =	vst v5  }
0x16d: {  	v5 =	vbroadcast v3, $0x6;
	[tilespmem:s30+$0xFFFFFFE0] =	vst v6;
	v4 =	vmul.f32 v9, v4  }
0x16e: {  	v3 =	vbroadcast v3, $0x7;
	v6 =	vmul.f32 v10, v7;
	[tilespmem:s30+$0xFFFFFFF0] =	vst v2  }
0x16f: {  	v2 =	vmul.f32 v63, v5;
	[tilespmem:s30+$0x0] =	vst v4  }
0x170: {  	v3 =	vmul.f32 v12, v3;
	[tilespmem:s30+$0x10] =	vst v6  }
0x171: {  	[tilespmem:s25+$0x20] =	vst v2  }
0x172: {  	s0 =	simm.s32 $0x6EF0;
	s1 =	simm.s32 $0x4100;
	[tilespmem:s25+$0x30] =	vst v3  }
0x173: {  	[spmem:s13] =	stream.indirect.scatter.add.f32 [tilespmem:s1], [sflag:$0x9], $0x10, s0, s21, $0xb8;
	[tilespmem:$0x1D020] =	vst v63  }
0x174: {  	s1 =	simm.s32 $0x9  }
0x175: {  	[spmem:s3] =	stream.indirect.scatter.add.f32 [tilespmem:s29], [sflag:$0xA], $0x80, s0, s21, $0xb8;
	[tilespmem:$0x1D020] =	vst v63  }
0x176: {  	_ =	swait.ge [sflag:s1], $0x500  }
0x177: {  	[sflag:s1] =	ssyncset.done $0x0  }
0x178: {  	s6 =	simm.s32 $0xA;
	[sflag:s1] =	ssyncadd.s32 $0xFFFFFB00  }
0x179: {  	_ =	swait.ge [sflag:s6], $0x2800  }
0x17a: {  	s0 =	sld [smem:$0x7FC];
	_ =	sdelay $0x1  }
0x17b: {  	p1 =	seq.s32 s22, $0x1E  }
0x17c: {  	s10 =	simm.s32 @!p1 $0x4E200;
	s0 =	sadd.s32 @!p1 s20, s0  }
0x17d: {  	s15 =	simm.s32 @!p1 $0x6EA0;
	[sflag:s6] =	ssyncset.done $0x0;
	s0 =	sshrl.u32 @!p1 s0, $0x3  }
0x17e: {  	[sflag:s6] =	ssyncadd.s32 $0xFFFFD800;
	s6 =	simm.s32 @!p1 $0x50;
	s0 =	sadd.s32 @!p1 s5, s0  }
0x17f: {  	[tilespmem:s15], [sflag:$0xC] =	stream.strided.gather @!p1 [hbm4b:s0+s6], $0xA0, s10, s6, $0x38;
	[tilespmem:$0x1D020] =	vst v63  }
0x180: {  	s10 =	simm.s32 $0xE  }
0x181: {  	_ =	swait.ge [sflag:s10], $0xA0  }
0x182: {  	[sflag:s10] =	ssyncset.done $0x0  }
0x183: {  	[sflag:s10] =	ssyncadd.s32 $0xFFFFFF60  }
0x184: {  	s15 =	simm.s32 $0x6FE0;
	s23 =	rddreg [dreg:$0x1]  }
0x185: {  	[tilespmem:s29], [sflag:$0x4] =	stream.indirect.gather [hbm4b:s23+s21], $0x80, s15, s21, $0xb8;
	[tilespmem:$0x1D020] =	vst v63  }
0x186: {  	s25 =	simm.s32 $0x3700  }
0x187: {  	[tilespmem:s25], [sflag:$0x5] =	stream.indirect.gather [hbm4b:s7+s21], $0x10, s15, s21, $0xb8;
	[tilespmem:$0x1D020] =	vst v63  }
0x188: {  	s28 =	simm.s32 $0x3C00  }
0x189: {  	[tilespmem:s28], [sflag:$0x6] =	stream.indirect.gather [hbm4b:s8+s21], $0x10, s2, s21, $0xb8;
	[tilespmem:$0x1D020] =	vst v63  }
0x18a: {  	_ =	swait.ge [sflag:s11], $0x2800  }
0x18b: {  	[sflag:s11] =	ssyncset.done $0x0  }
0x18c: {  	[sflag:s11] =	ssyncadd.s32 $0xFFFFD800  }
0x18d: {  	_ =	swait.ge [sflag:s9], $0x500  }
0x18e: {  	[sflag:s9] =	ssyncset.done $0x0  }
0x18f: {  	[sflag:s9] =	ssyncadd.s32 $0xFFFFFB00  }
0x190: {  	_ =	swait.ge [sflag:s12], $0x500  }
0x191: {  	[sflag:s12] =	ssyncset.done $0x0  }
0x192: {  	s6 =	simm.s32 $0x0;
	[sflag:s12] =	ssyncadd.s32 $0xFFFFFB00  }
0x193: {  	v2 =	vld [tilespmem:s6+$0x0]  }
0x194: {  	v3 =	vld [tilespmem:s6+$0x500];
	_ =	sdelay $0x1  }
0x195: {  	s25 =	simm.s32 $0x10  }
0x196: {  	v4 =	vld [tilespmem:s25+$0x0]  }
0x197: {  	v5 =	vld [tilespmem:s25+$0x500]  }
0x198: {  	v2 =	vadd.f32 v3, v2;
	_ =	sdelay $0x1  }
0x199: {  	v6 =	vmul.f32 $2.000000030e-01, v2  }
0x19a: {  	vm0 =	vlt.f32 v2, $0.0e+00  }
0x19b: {  	v4 =	vadd.f32 v5, v4;
	v2 =	vsel vm0, v6, v2  }
0x19c: {  	s30 =	simm.s32 $0x20;
	v2 =	vsub.f32 v2, v1  }
0x19d: {  	v3 =	vld [tilespmem:s30+$0x0];
	v7 =	vmul.f32 $2.000000030e-01, v4  }
0x19e: {  	v5 =	vld [tilespmem:s30+$0x500];
	vm14 =	vlt.f32 v4, $0.0e+00;
	v2 =	vmul.f32 $1.442695020e+00, v2  }
0x19f: {  	v4 =	vsel vm14, v7, v4  }
0x1a0: {  	v4 =	vsub.f32 v4, v1;
	(erf) = vpow2.f32 v2;
	_ =	sdelay $0x1  }
0x1a1: {  	s15 =	simm.s32 $0x30;
	v4 =	vmul.f32 $1.442695020e+00, v4  }
0x1a2: {  	v5 =	vadd.f32 v5, v3;
	v3 =	vld [tilespmem:s15+$0x500]  }
0x1a3: {  	v2 =	vld [tilespmem:s15+$0x0];
	(erf) = vpow2.f32 v4  }
0x1a4: {  	v6 =	vmul.f32 $2.000000030e-01, v5  }
0x1a5: {  	s26 =	simm.s32 $0x6EF0;
	s31 =	simm.s32 $0x100;
	vm15 =	vlt.f32 v5, $0.0e+00  }
0x1a6: {  	s0 =	simm.s32 $0x40;
	s10 =	simm.s32 $0x0;
	s29 =	simm.s32 $0x6FE0;
	v4 =	vsel vm15, v6, v5  }
.LBB2_13:
0x1a7: {  	s23 =	sshra.s32 s31, $0x2;
	v4 =	vsub.f32 v4, v1;
	p2 =	sne.s32 s31, $0x13C0  }
.Ltmp5:
0x1a8: {  	s31 =	sadd.s32 $0x40, s31;
	v5 =	vadd.f32 v3, v2;
	v2 =	vld [tilespmem:s23+$0x0];
	v6 =	vpop (erf);
	(pc) =	sbr.rel @p2 .LBB2_13-.Ltmp5, $4  }
0x1a9: {  	v3 =	vld [tilespmem:s23+$0x500];
	v4 =	vmul.f32 $1.442695020e+00, v4;
	[tilespmem:s10+$0xA00] =	vst v6;
	s10 =	smov.u32 s25;
	s25 =	smov.u32 s30;
	s30 =	smov.u32 s15  }
0x1aa: {  	s15 =	smov.u32 s23;
	v6 =	vmul.f32 $2.000000030e-01, v5  }
0x1ab: {  	vm0 =	vlt.f32 v5, $0.0e+00;
	(erf) = vpow2.f32 v4  }
0x1ac: {  	v4 =	vsel vm0, v6, v5  }
0x1ad: {  	_ = 	snop  }
0x1ae: {  	v2 =	vadd.f32 v3, v2;
	_ =	sdelay $0x1  }
0x1af: {  	v3 =	vmul.f32 $2.000000030e-01, v2  }
0x1b0: {  	vm0 =	vlt.f32 v2, $0.0e+00  }
0x1b1: {  	v4 =	vsub.f32 v4, v1;
	v2 =	vsel vm0, v3, v2  }
0x1b2: {  	v2 =	vsub.f32 v2, v1  }
0x1b3: {  	v3 =	vmul.f32 $1.442695020e+00, v4  }
0x1b4: {  	v2 =	vmul.f32 $1.442695020e+00, v2  }
0x1b5: {  	(erf) = vpow2.f32 v3  }
0x1b6: {  	(erf) = vpow2.f32 v2;
	_ =	sdelay $0x5  }
0x1b7: {  	v2 =	vpop (erf)  }
0x1b8: {  	v3 =	vpop (erf);
	[tilespmem:s10+$0xA00] =	vst v2  }
0x1b9: {  	[tilespmem:s25+$0xA00] =	vst v3;
	v2 =	vpop (erf)  }
0x1ba: {  	[tilespmem:s30+$0xA00] =	vst v2;
	v2 =	vpop (erf)  }
0x1bb: {  	s30 =	simm.s32 $0xF40;
	[tilespmem:s15+$0xA00] =	vst v2  }
0x1bc: {  	s25 =	simm.s32 $0xF40;
	v2 =	vld [tilespmem:s30+$0xFFFFFFF0]  }
.LBB2_15:
0x1bd: {  	p2 =	sne.s32 s0, $0x13C0;
	v3 =	vld [tilespmem:s6+$0xA00]  }
0x1be: {  	v4 =	vld [tilespmem:s30+$0xFFFFFFD0]  }
0x1bf: {  	v5 =	vld [tilespmem:s30+$0xFFFFFFC0]  }
0x1c0: {  	v6 =	vld [tilespmem:s30+$0xFFFFFFE0]  }
0x1c1: {  	v7 =	vld [tilespmem:s30+$0x30]  }
0x1c2: {  	v8 =	vbroadcast v3, $0x0;
	v9 =	vbroadcast v3, $0x1;
	v10 =	vld [tilespmem:s30+$0x10]  }
0x1c3: {  	v11 =	vbroadcast v3, $0x2;
	v12 =	vbroadcast v3, $0x3;
	v13 =	vld [tilespmem:s30+$0x0]  }
0x1c4: {  	v5 =	vmul.f32 v8, v5;
	v4 =	vmul.f32 v4, v9;
	v8 =	vld [tilespmem:s30+$0x20]  }
0x1c5: {  	v2 =	vmul.f32 v2, v12;
	v6 =	vmul.f32 v6, v11  }
0x1c6: {  	v9 =	vbroadcast v3, $0x5;
	[tilespmem:s30+$0xFFFFFFC0] =	vst v5;
	v5 =	vbroadcast v3, $0x4  }
0x1c7: {  	[tilespmem:s30+$0xFFFFFFD0] =	vst v4;
	v4 =	vbroadcast v3, $0x6;
	v3 =	vbroadcast v3, $0x7  }
0x1c8: {  	[tilespmem:s30+$0xFFFFFFE0] =	vst v6;
	v5 =	vmul.f32 v13, v5;
	v6 =	vmul.f32 v10, v9  }
.Ltmp6:
0x1c9: {  	[tilespmem:s30+$0xFFFFFFF0] =	vst v2;
	v2 =	vmul.f32 v8, v4;
	v3 =	vmul.f32 v7, v3;
	(pc) =	sbr.rel @p2 .LBB2_15-.Ltmp6, $4  }
0x1ca: {  	[tilespmem:s30+$0x0] =	vst v5  }
0x1cb: {  	[tilespmem:s30+$0x10] =	vst v6  }
0x1cc: {  	s30 =	sadd.s32 $0x80, s30;
	[tilespmem:s25+$0x20] =	vst v2  }
0x1cd: {  	s6 =	sshra.s32 s0, $0x2;
	s0 =	sadd.s32 $0x40, s0;
	v2 =	vld [tilespmem:s30+$0xFFFFFFF0];
	[tilespmem:s25+$0x30] =	vst v3;
	s25 =	smov.u32 s30  }
0x1ce: {  	v3 =	vld [tilespmem:s6+$0xA00];
	_ =	sdelay $0x1  }
0x1cf: {  	v4 =	vld [tilespmem:s30+$0xFFFFFFC0]  }
0x1d0: {  	v5 =	vld [tilespmem:s30+$0xFFFFFFD0]  }
0x1d1: {  	v6 =	vld [tilespmem:s30+$0xFFFFFFE0]  }
0x1d2: {  	v7 =	vbroadcast v3, $0x0  }
0x1d3: {  	v9 =	vld [tilespmem:s30+$0x0];
	v8 =	vbroadcast v3, $0x1  }
0x1d4: {  	v10 =	vld [tilespmem:s30+$0x10];
	v11 =	vbroadcast v3, $0x2;
	v4 =	vmul.f32 v7, v4  }
0x1d5: {  	v63 =	vld [tilespmem:s30+$0x20];
	v7 =	vbroadcast v3, $0x3;
	v5 =	vmul.f32 v5, v8  }
0x1d6: {  	v12 =	vld [tilespmem:s30+$0x30];
	v6 =	vmul.f32 v6, v11;
	[tilespmem:s30+$0xFFFFFFC0] =	vst v4;
	v4 =	vbroadcast v3, $0x4  }
0x1d7: {  	v2 =	vmul.f32 v2, v7;
	v7 =	vbroadcast v3, $0x5;
	[tilespmem:s30+$0xFFFFFFD0] =	vst v5  }
0x1d8: {  	v5 =	vbroadcast v3, $0x6;
	[tilespmem:s30+$0xFFFFFFE0] =	vst v6;
	v4 =	vmul.f32 v9, v4  }
0x1d9: {  	v3 =	vbroadcast v3, $0x7;
	v6 =	vmul.f32 v10, v7;
	[tilespmem:s30+$0xFFFFFFF0] =	vst v2  }
0x1da: {  	v2 =	vmul.f32 v63, v5;
	[tilespmem:s30+$0x0] =	vst v4  }
0x1db: {  	v3 =	vmul.f32 v12, v3;
	[tilespmem:s30+$0x10] =	vst v6  }
0x1dc: {  	[tilespmem:s25+$0x20] =	vst v2  }
0x1dd: {  	s31 =	simm.s32 $0xA00;
	s0 =	simm.s32 $0x6F90;
	[tilespmem:s25+$0x30] =	vst v3  }
0x1de: {  	[spmem:s13] =	stream.indirect.scatter.add.f32 [tilespmem:s31], [sflag:$0x7], $0x10, s0, s21, $0xb8;
	[tilespmem:$0x1D020] =	vst v63  }
0x1df: {  	_ = 	snop  }
0x1e0: {  	[spmem:s3] =	stream.indirect.scatter.add.f32 [tilespmem:s18], [sflag:$0x8], $0x80, s0, s21, $0xb8;
	[tilespmem:$0x1D020] =	vst v63  }
0x1e1: {  	_ =	swait.ge [sflag:s4], $0x500  }
0x1e2: {  	[sflag:s4] =	ssyncset.done $0x0  }
0x1e3: {  	[sflag:s4] =	ssyncadd.s32 $0xFFFFFB00  }
0x1e4: {  	_ =	swait.ge [sflag:s19], $0x2800  }
0x1e5: {  	s0 =	sld [smem:$0x7FD];
	_ =	sdelay $0x2  }
0x1e6: {  	s6 =	simm.s32 @!p1 $0x50;
	s0 =	sadd.s32 @!p1 s20, s0  }
0x1e7: {  	s10 =	simm.s32 @!p1 $0x4E200;
	[sflag:s19] =	ssyncset.done $0x0;
	s0 =	sshrl.u32 @!p1 s0, $0x3  }
0x1e8: {  	s15 =	simm.s32 @!p1 $0x6F40;
	[sflag:s19] =	ssyncadd.s32 $0xFFFFD800;
	s0 =	sadd.s32 @!p1 s5, s0  }
0x1e9: {  	[tilespmem:s15], [sflag:$0xD] =	stream.strided.gather @!p1 [hbm4b:s0+s6], $0xA0, s10, s6, $0x38;
	[tilespmem:$0x1D020] =	vst v63  }
0x1ea: {  	s15 =	simm.s32 $0xB  }
0x1eb: {  	_ =	swait.ge [sflag:s15], $0xA0  }
0x1ec: {  	[sflag:s15] =	ssyncset.done $0x0  }
0x1ed: {  	[sflag:s15] =	ssyncadd.s32 $0xFFFFFF60  }
0x1ee: {  	s20 =	simm.s32 $0x6E00;
	s0 =	rddreg [dreg:$0x1]  }
0x1ef: {  	[tilespmem:s18], [sflag:$0x1] =	stream.indirect.gather [hbm4b:s0+s21], $0x80, s20, s21, $0xb8;
	[tilespmem:$0x1D020] =	vst v63  }
0x1f0: {  	s23 =	simm.s32 $0x0  }
0x1f1: {  	[tilespmem:s23], [sflag:$0x2] =	stream.indirect.gather [hbm4b:s7+s21], $0x10, s20, s21, $0xb8;
	[tilespmem:$0x1D020] =	vst v63  }
0x1f2: {  	s25 =	simm.s32 $0x500  }
0x1f3: {  	[tilespmem:s25], [sflag:$0x3] =	stream.indirect.gather [hbm4b:s8+s21], $0x10, s24, s21, $0xb8;
	[tilespmem:$0x1D020] =	vst v63  }
0x1f4: {  	_ =	swait.ge [sflag:s16], $0x2800  }
0x1f5: {  	[sflag:s16] =	ssyncset.done $0x0  }
0x1f6: {  	[sflag:s16] =	ssyncadd.s32 $0xFFFFD800  }
0x1f7: {  	_ =	swait.ge [sflag:s17], $0x500  }
0x1f8: {  	[sflag:s17] =	ssyncset.done $0x0  }
0x1f9: {  	[sflag:s17] =	ssyncadd.s32 $0xFFFFFB00  }
0x1fa: {  	_ =	swait.ge [sflag:s14], $0x500  }
0x1fb: {  	[sflag:s14] =	ssyncset.done $0x0  }
0x1fc: {  	s6 =	simm.s32 $0x0;
	[sflag:s14] =	ssyncadd.s32 $0xFFFFFB00  }
0x1fd: {  	v2 =	vld [tilespmem:s6+$0x3700]  }
0x1fe: {  	v3 =	vld [tilespmem:s6+$0x3C00];
	_ =	sdelay $0x1  }
0x1ff: {  	s20 =	simm.s32 $0x10  }
0x200: {  	v4 =	vld [tilespmem:s20+$0x3700]  }
0x201: {  	v5 =	vld [tilespmem:s20+$0x3C00]  }
0x202: {  	v2 =	vadd.f32 v3, v2;
	_ =	sdelay $0x1  }
0x203: {  	v6 =	vmul.f32 $2.000000030e-01, v2  }
0x204: {  	vm0 =	vlt.f32 v2, $0.0e+00  }
0x205: {  	v4 =	vadd.f32 v5, v4;
	v2 =	vsel vm0, v6, v2  }
0x206: {  	s25 =	simm.s32 $0x20;
	v2 =	vsub.f32 v2, v1  }
0x207: {  	v3 =	vld [tilespmem:s25+$0x3700];
	v7 =	vmul.f32 $2.000000030e-01, v4  }
0x208: {  	v5 =	vld [tilespmem:s25+$0x3C00];
	vm14 =	vlt.f32 v4, $0.0e+00;
	v2 =	vmul.f32 $1.442695020e+00, v2  }
0x209: {  	v4 =	vsel vm14, v7, v4  }
0x20a: {  	v4 =	vsub.f32 v4, v1;
	(erf) = vpow2.f32 v2;
	_ =	sdelay $0x1  }
0x20b: {  	s15 =	simm.s32 $0x30;
	v4 =	vmul.f32 $1.442695020e+00, v4  }
0x20c: {  	v5 =	vadd.f32 v5, v3;
	v3 =	vld [tilespmem:s15+$0x3C00]  }
0x20d: {  	v2 =	vld [tilespmem:s15+$0x3700];
	(erf) = vpow2.f32 v4  }
0x20e: {  	v6 =	vmul.f32 $2.000000030e-01, v5  }
0x20f: {  	s1 =	simm.s32 $0x6F90;
	s28 =	simm.s32 $0x6E00;
	vm15 =	vlt.f32 v5, $0.0e+00  }
0x210: {  	s30 =	simm.s32 $0x100;
	s10 =	simm.s32 $0x0;
	s0 =	simm.s32 $0x40;
	v4 =	vsel vm15, v6, v5  }
.LBB2_17:
0x211: {  	s23 =	sshra.s32 s30, $0x2;
	v4 =	vsub.f32 v4, v1;
	p1 =	sne.s32 s30, $0x13C0  }
.Ltmp7:
0x212: {  	s30 =	sadd.s32 $0x40, s30;
	v5 =	vadd.f32 v3, v2;
	v2 =	vld [tilespmem:s23+$0x3700];
	v6 =	vpop (erf);
	(pc) =	sbr.rel @p1 .LBB2_17-.Ltmp7, $4  }
0x213: {  	v3 =	vld [tilespmem:s23+$0x3C00];
	v4 =	vmul.f32 $1.442695020e+00, v4;
	[tilespmem:s10+$0x4100] =	vst v6;
	s10 =	smov.u32 s20;
	s20 =	smov.u32 s25;
	s25 =	smov.u32 s15  }
0x214: {  	s15 =	smov.u32 s23;
	v6 =	vmul.f32 $2.000000030e-01, v5  }
0x215: {  	vm0 =	vlt.f32 v5, $0.0e+00;
	(erf) = vpow2.f32 v4  }
0x216: {  	v4 =	vsel vm0, v6, v5  }
0x217: {  	_ = 	snop  }
0x218: {  	v2 =	vadd.f32 v3, v2;
	_ =	sdelay $0x1  }
0x219: {  	v3 =	vmul.f32 $2.000000030e-01, v2  }
0x21a: {  	vm0 =	vlt.f32 v2, $0.0e+00  }
0x21b: {  	v4 =	vsub.f32 v4, v1;
	v2 =	vsel vm0, v3, v2  }
0x21c: {  	v2 =	vsub.f32 v2, v1  }
0x21d: {  	v3 =	vmul.f32 $1.442695020e+00, v4  }
0x21e: {  	v2 =	vmul.f32 $1.442695020e+00, v2  }
0x21f: {  	(erf) = vpow2.f32 v3  }
0x220: {  	(erf) = vpow2.f32 v2;
	_ =	sdelay $0x5  }
0x221: {  	v2 =	vpop (erf)  }
0x222: {  	v3 =	vpop (erf);
	[tilespmem:s10+$0x4100] =	vst v2  }
0x223: {  	[tilespmem:s20+$0x4100] =	vst v3;
	v2 =	vpop (erf)  }
0x224: {  	[tilespmem:s25+$0x4100] =	vst v2;
	v2 =	vpop (erf)  }
0x225: {  	s20 =	simm.s32 $0x4640;
	[tilespmem:s15+$0x4100] =	vst v2  }
0x226: {  	s25 =	simm.s32 $0x4640;
	v2 =	vld [tilespmem:s20+$0xFFFFFFF0]  }
.LBB2_19:
0x227: {  	p1 =	sne.s32 s0, $0x13C0;
	v3 =	vld [tilespmem:s6+$0x4100]  }
0x228: {  	v4 =	vld [tilespmem:s20+$0xFFFFFFD0]  }
0x229: {  	v5 =	vld [tilespmem:s20+$0xFFFFFFC0]  }
0x22a: {  	v6 =	vld [tilespmem:s20+$0xFFFFFFE0]  }
0x22b: {  	v7 =	vld [tilespmem:s20+$0x30]  }
0x22c: {  	v8 =	vbroadcast v3, $0x0;
	v9 =	vbroadcast v3, $0x1;
	v10 =	vld [tilespmem:s20+$0x10]  }
0x22d: {  	v11 =	vbroadcast v3, $0x2;
	v12 =	vbroadcast v3, $0x3;
	v13 =	vld [tilespmem:s20+$0x0]  }
0x22e: {  	v5 =	vmul.f32 v8, v5;
	v4 =	vmul.f32 v4, v9;
	v8 =	vld [tilespmem:s20+$0x20]  }
0x22f: {  	v2 =	vmul.f32 v2, v12;
	v6 =	vmul.f32 v6, v11  }
0x230: {  	v9 =	vbroadcast v3, $0x5;
	[tilespmem:s20+$0xFFFFFFC0] =	vst v5;
	v5 =	vbroadcast v3, $0x4  }
0x231: {  	[tilespmem:s20+$0xFFFFFFD0] =	vst v4;
	v4 =	vbroadcast v3, $0x6;
	v3 =	vbroadcast v3, $0x7  }
0x232: {  	[tilespmem:s20+$0xFFFFFFE0] =	vst v6;
	v5 =	vmul.f32 v13, v5;
	v6 =	vmul.f32 v10, v9  }
.Ltmp8:
0x233: {  	[tilespmem:s20+$0xFFFFFFF0] =	vst v2;
	v2 =	vmul.f32 v8, v4;
	v3 =	vmul.f32 v7, v3;
	(pc) =	sbr.rel @p1 .LBB2_19-.Ltmp8, $4  }
0x234: {  	[tilespmem:s20+$0x0] =	vst v5  }
0x235: {  	[tilespmem:s20+$0x10] =	vst v6  }
0x236: {  	s20 =	sadd.s32 $0x80, s20;
	[tilespmem:s25+$0x20] =	vst v2  }
0x237: {  	s6 =	sshra.s32 s0, $0x2;
	s0 =	sadd.s32 $0x40, s0;
	v2 =	vld [tilespmem:s20+$0xFFFFFFF0];
	[tilespmem:s25+$0x30] =	vst v3;
	s25 =	smov.u32 s20  }
0x238: {  	v3 =	vld [tilespmem:s6+$0x4100];
	_ =	sdelay $0x1  }
0x239: {  	v4 =	vld [tilespmem:s20+$0xFFFFFFC0]  }
0x23a: {  	v5 =	vld [tilespmem:s20+$0xFFFFFFD0]  }
0x23b: {  	v6 =	vld [tilespmem:s20+$0xFFFFFFE0]  }
0x23c: {  	v7 =	vbroadcast v3, $0x0  }
0x23d: {  	v10 =	vld [tilespmem:s20+$0x10];
	v8 =	vbroadcast v3, $0x1  }
0x23e: {  	v9 =	vld [tilespmem:s20+$0x0];
	v11 =	vbroadcast v3, $0x2;
	v4 =	vmul.f32 v7, v4  }
0x23f: {  	v59 =	vld [tilespmem:s20+$0x20];
	v58 =	vbroadcast v3, $0x3;
	v5 =	vmul.f32 v5, v8  }
0x240: {  	v12 =	vld [tilespmem:s20+$0x30];
	v61 =	vbroadcast v3, $0x5;
	v6 =	vmul.f32 v6, v11;
	[tilespmem:s20+$0xFFFFFFC0] =	vst v4  }
0x241: {  	v60 =	vbroadcast v3, $0x4;
	v2 =	vmul.f32 v2, v58;
	[tilespmem:s20+$0xFFFFFFD0] =	vst v5  }
0x242: {  	v62 =	vbroadcast v3, $0x6;
	v63 =	vmul.f32 v10, v61;
	[tilespmem:s20+$0xFFFFFFE0] =	vst v6  }
0x243: {  	v3 =	vbroadcast v3, $0x7;
	v4 =	vmul.f32 v9, v60;
	[tilespmem:s20+$0xFFFFFFF0] =	vst v2  }
0x244: {  	s22 =	sadd.s32 $0x1, s22;
	v2 =	vmul.f32 v59, v62;
	[tilespmem:s20+$0x10] =	vst v63  }
0x245: {  	p1 =	sne.s32 s22, $0x1F;
	v3 =	vmul.f32 v12, v3;
	[tilespmem:s20+$0x0] =	vst v4  }
.Ltmp9:
0x246: {  	[tilespmem:s25+$0x20] =	vst v2;
	(pc) =	sbr.rel @p1 .LBB2_4-.Ltmp9, $4  }
0x247: {  	s0 =	simm.s32 $0x4100;
	[tilespmem:s25+$0x30] =	vst v3;
	s25 =	simm.s32 $0x7030  }
0x248: {  	[spmem:s13] =	stream.indirect.scatter.add.f32 [tilespmem:s0], [sflag:$0x9], $0x10, s25, s21, $0xb8;
	[tilespmem:$0x1D020] =	vst v63  }
0x249: {  	s2 =	simm.s32 $0x7030;
	s15 =	simm.s32 $0x4600;
	s30 =	simm.s32 $0x4E200  }
0x24a: {  	[spmem:s3] =	stream.indirect.scatter.add.f32 [tilespmem:s15], [sflag:$0xA], $0x80, s25, s21, $0xb8;
	[tilespmem:$0x1D020] =	vst v63  }
0x24b: {  	s0 =	simm.s32 $0x9  }
0x24c: {  	_ =	swait.ge [sflag:s0], $0x500  }
0x24d: {  	[sflag:s0] =	ssyncset.done $0x0  }
0x24e: {  	s28 =	simm.s32 $0xA;
	[sflag:s0] =	ssyncadd.s32 $0xFFFFFB00  }
0x24f: {  	_ =	swait.ge [sflag:s28], $0x2800  }
0x250: {  	[sflag:s28] =	ssyncset.done $0x0  }
0x251: {  	[sflag:s28] =	ssyncadd.s32 $0xFFFFD800  }
0x252: {  	_ =	swait.ge [sflag:s11], $0x2800  }
0x253: {  	[sflag:s11] =	ssyncset.done $0x0  }
0x254: {  	[sflag:s11] =	ssyncadd.s32 $0xFFFFD800  }
0x255: {  	_ =	swait.ge [sflag:s9], $0x500  }
0x256: {  	[sflag:s9] =	ssyncset.done $0x0  }
0x257: {  	[sflag:s9] =	ssyncadd.s32 $0xFFFFFB00  }
0x258: {  	_ =	swait.ge [sflag:s12], $0x500  }
0x259: {  	[sflag:s12] =	ssyncset.done $0x0  }
0x25a: {  	s6 =	simm.s32 $0x0;
	[sflag:s12] =	ssyncadd.s32 $0xFFFFFB00  }
0x25b: {  	v2 =	vld [tilespmem:s6+$0x0]  }
0x25c: {  	v3 =	vld [tilespmem:s6+$0x500];
	_ =	sdelay $0x1  }
0x25d: {  	s20 =	simm.s32 $0x10  }
0x25e: {  	v4 =	vld [tilespmem:s20+$0x0]  }
0x25f: {  	v5 =	vld [tilespmem:s20+$0x500]  }
0x260: {  	v2 =	vadd.f32 v3, v2;
	_ =	sdelay $0x1  }
0x261: {  	v6 =	vmul.f32 $2.000000030e-01, v2  }
0x262: {  	vm0 =	vlt.f32 v2, $0.0e+00  }
0x263: {  	v4 =	vadd.f32 v5, v4;
	v2 =	vsel vm0, v6, v2  }
0x264: {  	s22 =	simm.s32 $0x20;
	v2 =	vsub.f32 v2, v1  }
0x265: {  	v3 =	vld [tilespmem:s22+$0x0];
	v7 =	vmul.f32 $2.000000030e-01, v4  }
0x266: {  	v5 =	vld [tilespmem:s22+$0x500];
	vm14 =	vlt.f32 v4, $0.0e+00;
	v2 =	vmul.f32 $1.442695020e+00, v2  }
0x267: {  	v4 =	vsel vm14, v7, v4  }
0x268: {  	v4 =	vsub.f32 v4, v1;
	(erf) = vpow2.f32 v2;
	_ =	sdelay $0x1  }
0x269: {  	s15 =	simm.s32 $0x30;
	v4 =	vmul.f32 $1.442695020e+00, v4  }
0x26a: {  	v5 =	vadd.f32 v5, v3;
	v3 =	vld [tilespmem:s15+$0x500]  }
0x26b: {  	v2 =	vld [tilespmem:s15+$0x0];
	(erf) = vpow2.f32 v4  }
0x26c: {  	v6 =	vmul.f32 $2.000000030e-01, v5  }
0x26d: {  	vm15 =	vlt.f32 v5, $0.0e+00  }
0x26e: {  	s25 =	simm.s32 $0x100;
	s10 =	simm.s32 $0x0;
	s0 =	simm.s32 $0x40;
	v4 =	vsel vm15, v6, v5  }
.LBB2_22:
0x26f: {  	s23 =	sshra.s32 s25, $0x2;
	v4 =	vsub.f32 v4, v1;
	p1 =	sne.s32 s25, $0x13C0  }
.Ltmp10:
0x270: {  	s25 =	sadd.s32 $0x40, s25;
	v5 =	vadd.f32 v3, v2;
	v2 =	vld [tilespmem:s23+$0x0];
	v6 =	vpop (erf);
	(pc) =	sbr.rel @p1 .LBB2_22-.Ltmp10, $4  }
0x271: {  	v3 =	vld [tilespmem:s23+$0x500];
	v4 =	vmul.f32 $1.442695020e+00, v4;
	[tilespmem:s10+$0xA00] =	vst v6;
	s10 =	smov.u32 s20;
	s20 =	smov.u32 s22;
	s22 =	smov.u32 s15  }
0x272: {  	s15 =	smov.u32 s23;
	v6 =	vmul.f32 $2.000000030e-01, v5  }
0x273: {  	vm0 =	vlt.f32 v5, $0.0e+00;
	(erf) = vpow2.f32 v4  }
0x274: {  	v4 =	vsel vm0, v6, v5  }
0x275: {  	_ = 	snop  }
0x276: {  	v2 =	vadd.f32 v3, v2;
	_ =	sdelay $0x1  }
0x277: {  	v3 =	vmul.f32 $2.000000030e-01, v2  }
0x278: {  	vm0 =	vlt.f32 v2, $0.0e+00  }
0x279: {  	v4 =	vsub.f32 v4, v1;
	v2 =	vsel vm0, v3, v2  }
0x27a: {  	v1 =	vsub.f32 v2, v1  }
0x27b: {  	v2 =	vmul.f32 $1.442695020e+00, v4  }
0x27c: {  	v1 =	vmul.f32 $1.442695020e+00, v1  }
0x27d: {  	(erf) = vpow2.f32 v2  }
0x27e: {  	(erf) = vpow2.f32 v1;
	_ =	sdelay $0x5  }
0x27f: {  	v1 =	vpop (erf)  }
0x280: {  	v2 =	vpop (erf);
	[tilespmem:s10+$0xA00] =	vst v1  }
0x281: {  	[tilespmem:s20+$0xA00] =	vst v2;
	v1 =	vpop (erf)  }
0x282: {  	[tilespmem:s22+$0xA00] =	vst v1;
	v1 =	vpop (erf)  }
0x283: {  	s20 =	simm.s32 $0xF40;
	[tilespmem:s15+$0xA00] =	vst v1  }
0x284: {  	s22 =	simm.s32 $0xF40;
	v1 =	vld [tilespmem:s20+$0xFFFFFFF0]  }
.LBB2_24:
0x285: {  	p1 =	sne.s32 s0, $0x13C0;
	v2 =	vld [tilespmem:s6+$0xA00]  }
0x286: {  	v3 =	vld [tilespmem:s20+$0xFFFFFFD0]  }
0x287: {  	v4 =	vld [tilespmem:s20+$0xFFFFFFC0]  }
0x288: {  	v5 =	vld [tilespmem:s20+$0xFFFFFFE0]  }
0x289: {  	v6 =	vld [tilespmem:s20+$0x30]  }
0x28a: {  	v7 =	vbroadcast v2, $0x0;
	v8 =	vbroadcast v2, $0x1;
	v9 =	vld [tilespmem:s20+$0x10]  }
0x28b: {  	v10 =	vbroadcast v2, $0x2;
	v11 =	vbroadcast v2, $0x3;
	v12 =	vld [tilespmem:s20+$0x0]  }
0x28c: {  	v4 =	vmul.f32 v7, v4;
	v3 =	vmul.f32 v3, v8;
	v7 =	vld [tilespmem:s20+$0x20]  }
0x28d: {  	v1 =	vmul.f32 v1, v11;
	v5 =	vmul.f32 v5, v10  }
0x28e: {  	v8 =	vbroadcast v2, $0x5;
	[tilespmem:s20+$0xFFFFFFC0] =	vst v4;
	v4 =	vbroadcast v2, $0x4  }
0x28f: {  	[tilespmem:s20+$0xFFFFFFD0] =	vst v3;
	v3 =	vbroadcast v2, $0x6;
	v2 =	vbroadcast v2, $0x7  }
0x290: {  	[tilespmem:s20+$0xFFFFFFE0] =	vst v5;
	v4 =	vmul.f32 v12, v4;
	v5 =	vmul.f32 v9, v8  }
.Ltmp11:
0x291: {  	[tilespmem:s20+$0xFFFFFFF0] =	vst v1;
	v1 =	vmul.f32 v7, v3;
	v2 =	vmul.f32 v6, v2;
	(pc) =	sbr.rel @p1 .LBB2_24-.Ltmp11, $4  }
0x292: {  	[tilespmem:s20+$0x0] =	vst v4  }
0x293: {  	[tilespmem:s20+$0x10] =	vst v5  }
0x294: {  	s20 =	sadd.s32 $0x80, s20;
	[tilespmem:s22+$0x20] =	vst v1  }
0x295: {  	s6 =	sshra.s32 s0, $0x2;
	s0 =	sadd.s32 $0x40, s0;
	v1 =	vld [tilespmem:s20+$0xFFFFFFF0];
	[tilespmem:s22+$0x30] =	vst v2;
	s22 =	smov.u32 s20  }
0x296: {  	v2 =	vld [tilespmem:s6+$0xA00];
	_ =	sdelay $0x1  }
0x297: {  	v3 =	vld [tilespmem:s20+$0xFFFFFFC0]  }
0x298: {  	v4 =	vld [tilespmem:s20+$0xFFFFFFD0]  }
0x299: {  	v5 =	vld [tilespmem:s20+$0xFFFFFFE0]  }
0x29a: {  	v6 =	vbroadcast v2, $0x0  }
0x29b: {  	v9 =	vld [tilespmem:s20+$0x10];
	v7 =	vbroadcast v2, $0x1  }
0x29c: {  	v8 =	vld [tilespmem:s20+$0x0];
	v10 =	vbroadcast v2, $0x2;
	v3 =	vmul.f32 v6, v3  }
0x29d: {  	v60 =	vld [tilespmem:s20+$0x20];
	v59 =	vbroadcast v2, $0x3;
	v4 =	vmul.f32 v4, v7  }
0x29e: {  	v11 =	vld [tilespmem:s20+$0x30];
	v61 =	vbroadcast v2, $0x5;
	v5 =	vmul.f32 v5, v10;
	[tilespmem:s20+$0xFFFFFFC0] =	vst v3  }
0x29f: {  	v1 =	vmul.f32 v1, v59;
	v3 =	vbroadcast v2, $0x4;
	[tilespmem:s20+$0xFFFFFFD0] =	vst v4  }
0x2a0: {  	v62 =	vbroadcast v2, $0x6;
	v63 =	vmul.f32 v9, v61;
	[tilespmem:s20+$0xFFFFFFE0] =	vst v5  }
0x2a1: {  	v2 =	vbroadcast v2, $0x7;
	[tilespmem:s20+$0xFFFFFFF0] =	vst v1;
	v3 =	vmul.f32 v8, v3  }
0x2a2: {  	v1 =	vmul.f32 v60, v62;
	[tilespmem:s20+$0x10] =	vst v63  }
0x2a3: {  	v2 =	vmul.f32 v11, v2;
	[tilespmem:s20+$0x0] =	vst v3  }
0x2a4: {  	[tilespmem:s22+$0x20] =	vst v1  }
0x2a5: {  	s0 =	simm.s32 $0x6E50;
	[tilespmem:s22+$0x30] =	vst v2  }
0x2a6: {  	[spmem:s13] =	stream.indirect.scatter.add.f32 [tilespmem:s31], [sflag:$0x7], $0x10, s0, s21, $0xb8;
	[tilespmem:$0x1D020] =	vst v63  }
0x2a7: {  	_ = 	snop  }
0x2a8: {  	[spmem:s3] =	stream.indirect.scatter.add.f32 [tilespmem:s18], [sflag:$0x8], $0x80, s0, s21, $0xb8;
	[tilespmem:$0x1D020] =	vst v63  }
0x2a9: {  	_ =	swait.ge [sflag:s4], $0x500  }
0x2aa: {  	[sflag:s4] =	ssyncset.done $0x0  }
0x2ab: {  	[sflag:s4] =	ssyncadd.s32 $0xFFFFFB00  }
0x2ac: {  	_ =	swait.ge [sflag:s19], $0x2800  }
0x2ad: {  	[sflag:s19] =	ssyncset.done $0x0  }
0x2ae: {  	[sflag:s19] =	ssyncadd.s32 $0xFFFFD800  }
0x2af: {  	s22 =	stileid.u32;
	[bflag:$0x0] =	sbarrier.arrive $0xFFFF  }
0x2b0: {  	s15 =	simm.s32 $0xF;
	s0 =	sshll.u32 s22, $0x6;
	s22 =	rddreg [dreg:$0x7]  }
0x2b1: {  	s0 =	sor.u32 $0x1C0F, s0;
	s10 =	rddreg [dreg:$0xd];
	s23 =	sshrl.u32 s22, $0x3  }
0x2b2: {  	[hbm:s10], [sflag:s0] =	dma.local [spmem:s23], $0x2700  }
0x2b3: {  	_ =	swait.ge [sflag:s15], $0x2700  }
0x2b4: {  	[sflag:s15] =	ssyncset.done $0x0;
	s23 =	rddreg [dreg:$0x8]  }
0x2b5: {  	s28 =	rddreg [dreg:$0xe];
	[sflag:s15] =	ssyncadd.s32 $0xFFFFD900;
	s25 =	sshrl.u32 s23, $0x3  }
0x2b6: {  	[hbm:s28], [sflag:s0] =	dma.local [spmem:s25], $0x4E0  }
0x2b7: {  	_ =	swait.ge [sflag:s15], $0x4E0  }
0x2b8: {  	[sflag:s15] =	ssyncset.done $0x0;
	s25 =	rddreg [dreg:$0x1e]  }
0x2b9: {  	s10 =	rddreg [dreg:$0x1b];
	[sflag:s15] =	ssyncadd.s32 $0xFFFFFB20;
	s6 =	sshrl.u32 @!p0 s25, $0x3  }
0x2ba: {  	[hbm:s10], [sflag:s0] =	dma.local @!p0 [spmem:s6], $0x100  }
0x2bb: {  	s6 =	simm.s32 @!p0 $0xF  }
0x2bc: {  	_ =	swait.ge @!p0 [sflag:s6], $0x100  }
0x2bd: {  	[sflag:s6] =	ssyncset.done @!p0 $0x0;
	s10 =	rddreg [dreg:$0x1f]  }
0x2be: {  	s15 =	rddreg [dreg:$0x1c];
	[sflag:s6] =	ssyncadd.s32 @!p0 $0xFFFFFF00;
	s10 =	sshrl.u32 @!p0 s10, $0x3  }
0x2bf: {  	[hbm:s15], [sflag:s0] =	dma.local @!p0 [spmem:s10], $0x20  }
0x2c0: {  	_ =	swait.ge @!p0 [sflag:s6], $0x20  }
0x2c1: {  	s15 =	rddreg [dreg:$0x5]  }
0x2c2: {  	s28 =	rddreg [dreg:$0x1d];
	s20 =	sadd.s32 $0x1, s15  }
0x2c3: {  	p1 =	sne.s32 s20, s28  }
.Ltmp12:
0x2c4: {  	_ = 	snop;
	(pc) =	sbr.rel @p1 .LBB2_1-.Ltmp12, $3  }
0x2c5: {  	_ =	sdelay $0x1  }
0x2c6: {  	[sflag:s6] =	ssyncset.done @!p0 $0x0  }
0x2c7: {  	s24 =	simm.s32 $0x6E50;
	[sflag:s6] =	ssyncadd.s32 @!p0 $0xFFFFFFE0  }
0x2c8: {  	_ =	sfence.sel $0x180000  }
0x2c9: {  	[bflag:$0x0] =	sbarrier.arrive $0xFFFF  }
0x2ca: {  	_ =	strace $0x90000047  }
0x2cb: {  	s0 =	stileid.u32;
	[bflag:$0x2] =	sbarrier.arrive $0xFFFF  }
0x2cc: {  	p0 =	sne.s32 s0, $0x0;
	s0 =	rddreg [dreg:$0x4]  }
0x2cd: {  	s0 =	sadd.s32 @!p0 $0x100000, s0  }
0x2ce: {  	[sflag:s0] =	ssyncadd.tile.s32 @!p0 $0x1;
	_ =	shalt  }
.Lfunc_end2:
_tile_overlayer_lowered:
.L_overlay_start_2:
0x2cf: {  	(tag) =	ssettag $0x2  }
0x2d0: {  	s0 =	rddreg [dreg:$0x0];
	s2 =	stileid.u32  }
0x2d1: {  	s1 =	rddreg [dreg:$0x1];
	p0 =	sne.s32 s2, $0x0  }
0x2d2: {  	s3 =	rddreg [dreg:$0x2];
	[bflag:$0x3] =	sbarrier.arrive $0xFFFF;
	s2 =	simm.s32 @!p0 $0x1C0F  }
0x2d3: {  	[timem:s3], [sflag:s2] =	dma.local @!p0 [hbm:s0], s1  }
0x2d4: {  	s0 =	simm.s32 @!p0 $0xF  }
0x2d5: {  	_ =	swait.ge @!p0 [sflag:s0], s1  }
0x2d6: {  	s1 =	ssub.s32 @!p0 $0x0, s1;
	[sflag:s0] =	ssyncset.done @!p0 $0x0  }
0x2d7: {  	[sflag:s0] =	ssyncadd.s32 @!p0 s1  }
0x2d8: {  	[bflag:$0x3] =	sbarrier.arrive $0xFFFF  }
0x2d9: {  	_ =	shalt  }

</sc_bundles>
